<compile_context>
chip_gen: v7x
topology: tpu7x:2x2x1
jax: 0.10.2.dev20260603
libtpu: 0.0.44.dev20260713+nightly
codegen_flags: <defaults>
</compile_context>

<pallas_src>
import functools

import jax
import jax.numpy as jnp
from jax import lax
from jax.experimental import pallas as pl
from jax.experimental.pallas import tpu as pltpu
from jax.experimental.pallas import tpu_sc as plsc

N = 10000
E = 320000
D = 128
H = 128
C = 18

NC = 2
NS = 16
NW = NC * NS
CHUNK = 128
NCH_W = 80
E_PAD = NW * NCH_W * CHUNK
N_PAD = 10240
SLAB = N_PAD // NS
TRASH = N
GRP = 16
NGRP = NCH_W // GRP

_sc_mesh = plsc.VectorSubcoreMesh(core_axis_name="c", subcore_axis_name="s",
                                  num_cores=NC, num_subcores=NS)


SPB = SLAB // CHUNK


def _fill_const(ref, nrow, width, val):
  def fr(r, _):
    for k in range(width // 16):
      ref[r, pl.ds(k * 16, 16)] = jnp.full((16,), val, jnp.float32)
    return 0
  lax.fori_loop(0, nrow, fr, 0)


@functools.partial(
    pl.kernel, mesh=_sc_mesh,
    out_type=jax.ShapeDtypeStruct((NC * N_PAD, D), jnp.float32),
    scratch_types=[
        pltpu.VMEM((GRP, CHUNK), jnp.int32),
        pltpu.VMEM((CHUNK, D), jnp.float32),
        pltpu.VMEM_SHARED((N_PAD, D), jnp.float32),
    ],
    name="sc_deg")
def _deg_kernel(dstm, deg_out, idx_d, ones_v, deg_sh):
  c = lax.axis_index("c")
  s = lax.axis_index("s")
  wid = s * NC + c
  rowbase = wid * NCH_W

  _fill_const(ones_v, CHUNK, D, 0.0)

  def zpiece(p, _):
    pltpu.sync_copy(ones_v, deg_sh.at[pl.ds(s * SLAB + p * CHUNK, CHUNK)])
    return 0

  lax.fori_loop(0, SPB, zpiece, 0)
  _fill_const(ones_v, CHUNK, D, 1.0)
  plsc.subcore_barrier()

  def group(g, _):
    pltpu.sync_copy(dstm.at[pl.ds(rowbase + g * GRP, GRP)], idx_d)

    def body(ci, _):
      pltpu.sync_copy(ones_v, deg_sh.at[idx_d.at[ci]], add=True)
      return 0

    lax.fori_loop(0, GRP, body, 0)
    return 0

  lax.fori_loop(0, NGRP, group, 0)
  plsc.subcore_barrier()

  def wpiece(p, _):
    rbase = s * SLAB + p * CHUNK
    pltpu.sync_copy(deg_sh.at[pl.ds(rbase, CHUNK)], ones_v)
    pltpu.sync_copy(ones_v, deg_out.at[pl.ds(c * N_PAD + rbase, CHUNK)])
    return 0

  lax.fori_loop(0, SPB, wpiece, 0)


def _make_agg_kernel(width):

  @functools.partial(
      pl.kernel, mesh=_sc_mesh,
      out_type=jax.ShapeDtypeStruct((NC * N_PAD, width), jnp.float32),
      scratch_types=[
          pltpu.VMEM((GRP, CHUNK), jnp.int32),
          pltpu.VMEM((GRP, CHUNK), jnp.int32),
          pltpu.VMEM((CHUNK, width), jnp.float32),
          pltpu.VMEM_SHARED((N_PAD, width), jnp.float32),
          pltpu.SemaphoreType.DMA,
      ],
      name=f"sc_agg{width}")
  def agg_kernel(h_hbm, srcm, dstm, agg_out, idx_s, idx_d, rows, agg_sh,
                 sem):
    c = lax.axis_index("c")
    s = lax.axis_index("s")
    wid = s * NC + c
    rowbase = wid * NCH_W

    _fill_const(rows, CHUNK, width, 0.0)

    def zpiece(p, _):
      pltpu.sync_copy(rows, agg_sh.at[pl.ds(s * SLAB + p * CHUNK, CHUNK)])
      return 0

    lax.fori_loop(0, SPB, zpiece, 0)
    plsc.subcore_barrier()

    def group(g, _):
      pltpu.sync_copy(srcm.at[pl.ds(rowbase + g * GRP, GRP)], idx_s)
      pltpu.sync_copy(dstm.at[pl.ds(rowbase + g * GRP, GRP)], idx_d)

      def body(ci, _):
        pltpu.async_copy(h_hbm.at[idx_s.at[ci]], rows, sem).wait()
        pltpu.sync_copy(rows, agg_sh.at[idx_d.at[ci]], add=True)
        return 0

      lax.fori_loop(0, GRP, body, 0)
      return 0

    lax.fori_loop(0, NGRP, group, 0)
    plsc.subcore_barrier()

    def wpiece(p, _):
      rbase = s * SLAB + p * CHUNK
      pltpu.sync_copy(agg_sh.at[pl.ds(rbase, CHUNK)], rows)
      pltpu.sync_copy(rows, agg_out.at[pl.ds(c * N_PAD + rbase, CHUNK)])
      return 0

    lax.fori_loop(0, SPB, wpiece, 0)

  return agg_kernel


_agg_kernel = _make_agg_kernel(D)


@functools.partial(
    pl.kernel, mesh=_sc_mesh,
    out_type=jax.ShapeDtypeStruct((E_PAD, H), jnp.float32),
    scratch_types=[
        pltpu.VMEM((NCH_W, CHUNK), jnp.int32),
        pltpu.VMEM((NCH_W, CHUNK), jnp.int32),
        pltpu.VMEM((CHUNK, H), jnp.float32),
        pltpu.VMEM((CHUNK, H), jnp.float32),
        pltpu.SemaphoreType.DMA,
        pltpu.SemaphoreType.DMA,
    ],
    name="sc_edge_emb")
def _edge_emb_kernel(t_hbm, u_hbm, srcm, dstm, z_out, idx_s, idx_d, rt, ru,
                     sem_t, sem_u):
  c = lax.axis_index("c")
  s = lax.axis_index("s")
  wid = s * NC + c
  rowbase = wid * NCH_W

  pltpu.sync_copy(srcm.at[pl.ds(rowbase, NCH_W)], idx_s)
  pltpu.sync_copy(dstm.at[pl.ds(rowbase, NCH_W)], idx_d)

  def body(ci, _):
    cp_t = pltpu.async_copy(t_hbm.at[idx_s.at[ci]], rt, sem_t)
    cp_u = pltpu.async_copy(u_hbm.at[idx_d.at[ci]], ru, sem_u)
    cp_t.wait()
    cp_u.wait()

    def add_row(r, _):
      for k in range(H // 16):
        sl = pl.ds(k * 16, 16)
        rt[r, sl] = rt[r, sl] + ru[r, sl]
      return 0

    lax.fori_loop(0, CHUNK, add_row, 0)
    pltpu.sync_copy(rt, z_out.at[pl.ds((rowbase + ci) * CHUNK, CHUNK)])
    return 0

  lax.fori_loop(0, NCH_W, body, 0)


def _node_tc_body(final, relu, refs):
  if final:
    aggp, degp, w, b, wt, wu, bc, t_out, u_out = refs
  else:
    aggp, degp, w, b, out = refs
  agg = aggp[0] + aggp[1]
  deg = jnp.maximum(degp[0][:, 0:1] + degp[1][:, 0:1], 1.0)
  h = lax.dot_general(agg / deg, w[...], (((1,), (0,)), ((), ())),
                      preferred_element_type=jnp.float32) + b[...]
  if relu:
    h = jnp.maximum(h, 0.0)
  if final:
    t_out[...] = lax.dot_general(h, wt[...], (((1,), (0,)), ((), ())),
                                 preferred_element_type=jnp.float32) + bc[...]
    u_out[...] = lax.dot_general(h, wu[...], (((1,), (0,)), ((), ())),
                                 preferred_element_type=jnp.float32)
  else:
    out[...] = h


_NODE_BLK = 1024


def _node_tc(aggp, degp, w, b, relu):
  grid = (N_PAD // _NODE_BLK,)
  return pl.pallas_call(
      lambda *refs: _node_tc_body(False, relu, refs),
      grid=grid,
      in_specs=[
          pl.BlockSpec((NC, _NODE_BLK, D), lambda i: (0, i, 0)),
          pl.BlockSpec((NC, _NODE_BLK, 16), lambda i: (0, i, 0)),
          pl.BlockSpec((D, H), lambda i: (0, 0)),
          pl.BlockSpec((1, H), lambda i: (0, 0)),
      ],
      out_specs=pl.BlockSpec((_NODE_BLK, H), lambda i: (i, 0)),
      out_shape=jax.ShapeDtypeStruct((N_PAD, H), jnp.float32),
  )(aggp, degp, w, b)


def _node_tc_final(aggp, degp, w, b, wt, wu, bc):
  grid = (N_PAD // _NODE_BLK,)
  return pl.pallas_call(
      lambda *refs: _node_tc_body(True, False, refs),
      grid=grid,
      in_specs=[
          pl.BlockSpec((NC, _NODE_BLK, D), lambda i: (0, i, 0)),
          pl.BlockSpec((NC, _NODE_BLK, 16), lambda i: (0, i, 0)),
          pl.BlockSpec((H, H), lambda i: (0, 0)),
          pl.BlockSpec((1, H), lambda i: (0, 0)),
          pl.BlockSpec((H, H), lambda i: (0, 0)),
          pl.BlockSpec((H, H), lambda i: (0, 0)),
          pl.BlockSpec((1, H), lambda i: (0, 0)),
      ],
      out_specs=[
          pl.BlockSpec((_NODE_BLK, H), lambda i: (i, 0)),
          pl.BlockSpec((_NODE_BLK, H), lambda i: (i, 0)),
      ],
      out_shape=[
          jax.ShapeDtypeStruct((N_PAD, H), jnp.float32),
          jax.ShapeDtypeStruct((N_PAD, H), jnp.float32),
      ],
  )(aggp, degp, w, b, wt, wu, bc)


_EDGE_BLK = 2000


def _edge_mlp_body(z_ref, w2, b2, w3, b3, out_ref):
  z = jnp.maximum(z_ref[...], 0.0)
  z2 = lax.dot_general(z, w2[...], (((1,), (0,)), ((), ())),
                       preferred_element_type=jnp.float32) + b2[...]
  z2 = jnp.maximum(z2, 0.0)
  out_ref[...] = lax.dot_general(z2, w3[...], (((1,), (0,)), ((), ())),
                                 preferred_element_type=jnp.float32) + b3[...]


def _edge_mlp(z1, w2, b2, w3, b3):
  grid = (E // _EDGE_BLK,)
  return pl.pallas_call(
      _edge_mlp_body,
      grid=grid,
      in_specs=[
          pl.BlockSpec((_EDGE_BLK, H), lambda i: (i, 0)),
          pl.BlockSpec((H, H // 2), lambda i: (0, 0)),
          pl.BlockSpec((1, H // 2), lambda i: (0, 0)),
          pl.BlockSpec((H // 2, C), lambda i: (0, 0)),
          pl.BlockSpec((1, C), lambda i: (0, 0)),
      ],
      out_specs=pl.BlockSpec((_EDGE_BLK, C), lambda i: (i, 0)),
      out_shape=jax.ShapeDtypeStruct((E, C), jnp.float32),
  )(z1, w2, b2, w3, b3)


def kernel(x, edge_index, W0, b0, W1, b1, W2, b2, Wc1, bc1, Wc2, bc2, Wc3,
           bc3):
  x_pad = jnp.zeros((N_PAD, D), jnp.float32).at[:N].set(x)
  pad_i = jnp.arange(E_PAD - E, dtype=jnp.int32)
  src = jnp.concatenate(
      [edge_index[0], pad_i % N]).reshape(-1, CHUNK)
  dst = jnp.concatenate(
      [edge_index[1], TRASH + pad_i % (N_PAD - N)]).reshape(-1, CHUNK)
  degp = _deg_kernel(dst).reshape(NC, N_PAD, D)[:, :, :16]
  aggp0 = _agg_kernel(x_pad, src, dst).reshape(NC, N_PAD, D)
  h = _node_tc(aggp0, degp, W0, b0.reshape(1, H), relu=True)
  aggp1 = _agg_kernel(h, src, dst).reshape(NC, N_PAD, D)
  h = _node_tc(aggp1, degp, W1, b1.reshape(1, H), relu=True)
  aggp2 = _agg_kernel(h, src, dst).reshape(NC, N_PAD, D)
  t_tab, u_tab = _node_tc_final(aggp2, degp, W2, b2.reshape(1, H),
                                Wc1[:H], Wc1[H:], bc1.reshape(1, H))
  z1 = _edge_emb_kernel(t_tab, u_tab, src, dst)
  return _edge_mlp(z1, Wc2, bc2.reshape(1, H // 2), Wc3,
                   bc3.reshape(1, C))

# --- scband reference (transcript-rebuilt; emitter-appended) ---
"""Pipeline reference for scband-gnnedge-predictor-24017457119604 (READ-ONLY COPY).

The authoritative reference and input builder live on the scoring server;
editing this copy changes nothing except your own understanding.
"""

import jax, jax.numpy as jnp
import numpy as np

N = 10000
E = 320000
D = 128   # node_dim
H = 128   # hidden_dim
C = 18    # num_classes


def setup_inputs(seed: int = 0) -> dict:
    key = jax.random.key(seed)
    ks = jax.random.split(key, 16)
    x = jax.random.normal(ks[0], (N, D), dtype=jnp.float32)
    edge_index = jax.random.randint(ks[1], (2, E), 0, N, dtype=jnp.int32)
    def lin(k, fi, fo):
        return jax.random.normal(k, (fi, fo), dtype=jnp.float32) / np.sqrt(fi)
    # TableGCN layers: input->hidden, hidden->hidden, hidden->output(=hidden)
    W0 = lin(ks[2], D, H); b0 = jnp.zeros((H,), jnp.float32)
    W1 = lin(ks[3], H, H); b1 = jnp.zeros((H,), jnp.float32)
    W2 = lin(ks[4], H, H); b2 = jnp.zeros((H,), jnp.float32)
    # edge classifier: Linear(2H, H) -> ReLU -> Linear(H, H//2) -> ReLU -> Linear(H//2, C)
    Wc1 = lin(ks[5], 2 * H, H); bc1 = jnp.zeros((H,), jnp.float32)
    Wc2 = lin(ks[6], H, H // 2); bc2 = jnp.zeros((H // 2,), jnp.float32)
    Wc3 = lin(ks[7], H // 2, C); bc3 = jnp.zeros((C,), jnp.float32)
    return {"x": x, "edge_index": edge_index,
            "W0": W0, "b0": b0, "W1": W1, "b1": b1, "W2": W2, "b2": b2,
            "Wc1": Wc1, "bc1": bc1, "Wc2": Wc2, "bc2": bc2, "Wc3": Wc3, "bc3": bc3}


def _gcn_forward(x, edge_index, W0, b0, W1, b1, W2, b2):
    src = edge_index[0]
    dst = edge_index[1]
    deg = jax.ops.segment_sum(jnp.ones((E,), jnp.float32), dst, num_segments=N)
    deg = jnp.clip(deg, 1.0, None)[:, None]
    h = x
    for (W, b, act) in ((W0, b0, True), (W1, b1, True), (W2, b2, False)):
        msgs = h[src]                                   # gather
        agg = jax.ops.segment_sum(msgs, dst, num_segments=N)  # scatter-add
        h = (agg / deg) @ W + b
        if act:
            h = jax.nn.relu(h)
    return h


def reference(x, edge_index, W0, b0, W1, b1, W2, b2, Wc1, bc1, Wc2, bc2, Wc3, bc3):
    node_emb = _gcn_forward(x, edge_index, W0, b0, W1, b1, W2, b2)
    src_emb = node_emb[edge_index[0]]
    dst_emb = node_emb[edge_index[1]]
    edge_emb = jnp.concatenate([src_emb, dst_emb], axis=1)
    z = jax.nn.relu(edge_emb @ Wc1 + bc1)   # dropout is identity in eval
    z = jax.nn.relu(z @ Wc2 + bc2)
    logits = z @ Wc3 + bc3
    return logits

if __name__ == "__main__":
    import jax
    _d = setup_inputs()
    print(jax.jit(kernel)(*tuple(_d.values())))

</pallas_src>

<mosaic_0001>
#map = affine_map<(d0, d1) -> (0, 0)>
module attributes {stable_mosaic.version = 14 : i64} {
  func.func @sc_agg128(%arg0: i32, %arg1: i32, %arg2: memref<10240x128xf32, #tpu.memory_space<hbm>>, %arg3: memref<2560x128xi32, #tpu.memory_space<hbm>>, %arg4: memref<2560x128xi32, #tpu.memory_space<hbm>>, %arg5: memref<20480x128xf32, #tpu.memory_space<hbm>>, %arg6: memref<16x128xi32, #tpu.memory_space<vmem>>, %arg7: memref<16x128xi32, #tpu.memory_space<vmem>>, %arg8: memref<128x128xf32, #tpu.memory_space<vmem>>, %arg9: memref<10240x128xf32, #tpu.memory_space<vmem_shared>>, %arg10: memref<!tpu.dma_semaphore, #tpu.memory_space<semaphore_mem>>) attributes {dimension_semantics = [#tpu.dimension_semantics<core_parallel>, #tpu.dimension_semantics<subcore_parallel>], iteration_bounds = array<i64: 2, 16>, scalar_prefetch = 0 : i64, scratch_operands = 5 : i64, tpu.core_type = #tpu.core_type<sc_vector_subcore>, window_params = [{transform_indices = #map}, {transform_indices = #map}, {transform_indices = #map}, {transform_indices = #map}]} {
    %mul3A = arith.constant 2 : i32
    %mul3A_0 = arith.muli %arg1, %mul3A : i32
    %add3A = arith.addi %mul3A_0, %arg0 : i32
    %mul3A_1 = arith.constant 80 : i32
    %mul3A_2 = arith.muli %add3A, %mul3A_1 : i32
    %scan3A = arith.constant 0 : i32
    %scan3A_3 = arith.constant 0 : i32
    %scan3A_4 = arith.constant 128 : i32
    %scan3A_5 = arith.addi %scan3A_3, %scan3A_4 : i32
    %scan3A_6 = arith.constant 1 : i32
    %scan3A_7 = scf.for %scan3A_31 = %scan3A_3 to %scan3A_5 step %scan3A_6 iter_args(%scan3A_32 = %scan3A) -> (i32)  : i32 {
      %broadcast_in_dim3A = arith.constant 0.000000e+00 : f32
      %broadcast_in_dim3A_33 = vector.broadcast %broadcast_in_dim3A : f32 to vector<16xf32>
      %swap3A = arith.index_cast %scan3A_31 : i32 to index
      %swap3A_34 = arith.constant 0 : index
      %swap3A_35 = tpu.vector_load %arg8[%swap3A, %swap3A_34] {strides = array<i32>} : memref<128x128xf32, #tpu.memory_space<vmem>>, vector<1x16xf32>,
      %swap3A_36 = vector.shape_cast %swap3A_35 : vector<1x16xf32> to vector<16xf32>
      %swap3A_37 = vector.shape_cast %broadcast_in_dim3A_33 : vector<16xf32> to vector<1x16xf32>
      tpu.vector_store %arg8[%swap3A, %swap3A_34], %swap3A_37 {strides = array<i32>} : memref<128x128xf32, #tpu.memory_space<vmem>>, vector<1x16xf32>,
      %broadcast_in_dim3A_38 = arith.constant 0.000000e+00 : f32
      %broadcast_in_dim3A_39 = vector.broadcast %broadcast_in_dim3A_38 : f32 to vector<16xf32>
      %swap3A_40 = arith.index_cast %scan3A_31 : i32 to index
      %swap3A_41 = arith.constant 16 : index
      %swap3A_42 = tpu.vector_load %arg8[%swap3A_40, %swap3A_41] {strides = array<i32>} : memref<128x128xf32, #tpu.memory_space<vmem>>, vector<1x16xf32>,
      %swap3A_43 = vector.shape_cast %swap3A_42 : vector<1x16xf32> to vector<16xf32>
      %swap3A_44 = vector.shape_cast %broadcast_in_dim3A_39 : vector<16xf32> to vector<1x16xf32>
      tpu.vector_store %arg8[%swap3A_40, %swap3A_41], %swap3A_44 {strides = array<i32>} : memref<128x128xf32, #tpu.memory_space<vmem>>, vector<1x16xf32>,
      %broadcast_in_dim3A_45 = arith.constant 0.000000e+00 : f32
      %broadcast_in_dim3A_46 = vector.broadcast %broadcast_in_dim3A_45 : f32 to vector<16xf32>
      %swap3A_47 = arith.index_cast %scan3A_31 : i32 to index
      %swap3A_48 = arith.constant 32 : index
      %swap3A_49 = tpu.vector_load %arg8[%swap3A_47, %swap3A_48] {strides = array<i32>} : memref<128x128xf32, #tpu.memory_space<vmem>>, vector<1x16xf32>,
      %swap3A_50 = vector.shape_cast %swap3A_49 : vector<1x16xf32> to vector<16xf32>
      %swap3A_51 = vector.shape_cast %broadcast_in_dim3A_46 : vector<16xf32> to vector<1x16xf32>
      tpu.vector_store %arg8[%swap3A_47, %swap3A_48], %swap3A_51 {strides = array<i32>} : memref<128x128xf32, #tpu.memory_space<vmem>>, vector<1x16xf32>,
      %broadcast_in_dim3A_52 = arith.constant 0.000000e+00 : f32
      %broadcast_in_dim3A_53 = vector.broadcast %broadcast_in_dim3A_52 : f32 to vector<16xf32>
      %swap3A_54 = arith.index_cast %scan3A_31 : i32 to index
      %swap3A_55 = arith.constant 48 : index
      %swap3A_56 = tpu.vector_load %arg8[%swap3A_54, %swap3A_55] {strides = array<i32>} : memref<128x128xf32, #tpu.memory_space<vmem>>, vector<1x16xf32>,
      %swap3A_57 = vector.shape_cast %swap3A_56 : vector<1x16xf32> to vector<16xf32>
      %swap3A_58 = vector.shape_cast %broadcast_in_dim3A_53 : vector<16xf32> to vector<1x16xf32>
      tpu.vector_store %arg8[%swap3A_54, %swap3A_55], %swap3A_58 {strides = array<i32>} : memref<128x128xf32, #tpu.memory_space<vmem>>, vector<1x16xf32>,
      %broadcast_in_dim3A_59 = arith.constant 0.000000e+00 : f32
      %broadcast_in_dim3A_60 = vector.broadcast %broadcast_in_dim3A_59 : f32 to vector<16xf32>
      %swap3A_61 = arith.index_cast %scan3A_31 : i32 to index
      %swap3A_62 = arith.constant 64 : index
      %swap3A_63 = tpu.vector_load %arg8[%swap3A_61, %swap3A_62] {strides = array<i32>} : memref<128x128xf32, #tpu.memory_space<vmem>>, vector<1x16xf32>,
      %swap3A_64 = vector.shape_cast %swap3A_63 : vector<1x16xf32> to vector<16xf32>
      %swap3A_65 = vector.shape_cast %broadcast_in_dim3A_60 : vector<16xf32> to vector<1x16xf32>
      tpu.vector_store %arg8[%swap3A_61, %swap3A_62], %swap3A_65 {strides = array<i32>} : memref<128x128xf32, #tpu.memory_space<vmem>>, vector<1x16xf32>,
      %broadcast_in_dim3A_66 = arith.constant 0.000000e+00 : f32
      %broadcast_in_dim3A_67 = vector.broadcast %broadcast_in_dim3A_66 : f32 to vector<16xf32>
      %swap3A_68 = arith.index_cast %scan3A_31 : i32 to index
      %swap3A_69 = arith.constant 80 : index
      %swap3A_70 = tpu.vector_load %arg8[%swap3A_68, %swap3A_69] {strides = array<i32>} : memref<128x128xf32, #tpu.memory_space<vmem>>, vector<1x16xf32>,
      %swap3A_71 = vector.shape_cast %swap3A_70 : vector<1x16xf32> to vector<16xf32>
      %swap3A_72 = vector.shape_cast %broadcast_in_dim3A_67 : vector<16xf32> to vector<1x16xf32>
      tpu.vector_store %arg8[%swap3A_68, %swap3A_69], %swap3A_72 {strides = array<i32>} : memref<128x128xf32, #tpu.memory_space<vmem>>, vector<1x16xf32>,
      %broadcast_in_dim3A_73 = arith.constant 0.000000e+00 : f32
      %broadcast_in_dim3A_74 = vector.broadcast %broadcast_in_dim3A_73 : f32 to vector<16xf32>
      %swap3A_75 = arith.index_cast %scan3A_31 : i32 to index
      %swap3A_76 = arith.constant 96 : index
      %swap3A_77 = tpu.vector_load %arg8[%swap3A_75, %swap3A_76] {strides = array<i32>} : memref<128x128xf32, #tpu.memory_space<vmem>>, vector<1x16xf32>,
      %swap3A_78 = vector.shape_cast %swap3A_77 : vector<1x16xf32> to vector<16xf32>
      %swap3A_79 = vector.shape_cast %broadcast_in_dim3A_74 : vector<16xf32> to vector<1x16xf32>
      tpu.vector_store %arg8[%swap3A_75, %swap3A_76], %swap3A_79 {strides = array<i32>} : memref<128x128xf32, #tpu.memory_space<vmem>>, vector<1x16xf32>,
      %broadcast_in_dim3A_80 = arith.constant 0.000000e+00 : f32
      %broadcast_in_dim3A_81 = vector.broadcast %broadcast_in_dim3A_80 : f32 to vector<16xf32>
      %swap3A_82 = arith.index_cast %scan3A_31 : i32 to index
      %swap3A_83 = arith.constant 112 : index
      %swap3A_84 = tpu.vector_load %arg8[%swap3A_82, %swap3A_83] {strides = array<i32>} : memref<128x128xf32, #tpu.memory_space<vmem>>, vector<1x16xf32>,
      %swap3A_85 = vector.shape_cast %swap3A_84 : vector<1x16xf32> to vector<16xf32>
      %swap3A_86 = vector.shape_cast %broadcast_in_dim3A_81 : vector<16xf32> to vector<1x16xf32>
      tpu.vector_store %arg8[%swap3A_82, %swap3A_83], %swap3A_86 {strides = array<i32>} : memref<128x128xf32, #tpu.memory_space<vmem>>, vector<1x16xf32>,
      %scan3A_87 = arith.constant 0 : i32
      scf.yield %scan3A_87 : i32
    }
    %scan3A_8 = arith.constant 128 : i32
    %scan3A_9 = arith.constant 0 : i32
    %scan3A_10 = arith.constant 0 : i32
    %scan3A_11 = arith.constant 5 : i32
    %scan3A_12 = arith.addi %scan3A_10, %scan3A_11 : i32
    %scan3A_13 = arith.constant 1 : i32
    %scan3A_14 = scf.for %scan3A_31 = %scan3A_10 to %scan3A_12 step %scan3A_13 iter_args(%scan3A_32 = %scan3A_9) -> (i32)  : i32 {
      %mul3A_33 = arith.constant 640 : i32
      %mul3A_34 = arith.muli %arg1, %mul3A_33 : i32
      %mul3A_35 = arith.constant 128 : i32
      %mul3A_36 = arith.muli %scan3A_31, %mul3A_35 : i32
      %add3A_37 = arith.addi %mul3A_34, %mul3A_36 : i32
      "tpu.region"() ({
        %run_scoped3A = tpu.sem_alloc : memref<!tpu.dma_semaphore, #tpu.memory_space<semaphore_mem>>
        %dma_start3A = arith.constant 0 : i32
        %dma_start3A_39 = tpu.memref_slice %arg9[%add3A_37, %dma_start3A] : memref<10240x128xf32, #tpu.memory_space<vmem_shared>> -> memref<128x128xf32, #tpu.memory_space<vmem_shared>>
        %dma_start3A_40 = arith.constant 0 : i32
        %dma_start3A_41 = tpu.memref_slice %arg9[%add3A_37, %dma_start3A_40] : memref<10240x128xf32, #tpu.memory_space<vmem_shared>> -> memref<128x128xf32, #tpu.memory_space<vmem_shared>>
        tpu.enqueue_dma source(%arg8 : memref<128x128xf32, #tpu.memory_space<vmem>>) target(%dma_start3A_41 : memref<128x128xf32, #tpu.memory_space<vmem_shared>>) target_semaphore(%run_scoped3A : memref<!tpu.dma_semaphore, #tpu.memory_space<semaphore_mem>>)
        %dma_wait3A = arith.constant 0 : i32
        %dma_wait3A_42 = tpu.memref_slice %arg9[%add3A_37, %dma_wait3A] : memref<10240x128xf32, #tpu.memory_space<vmem_shared>> -> memref<128x128xf32, #tpu.memory_space<vmem_shared>>
        %dma_wait3A_43 = arith.constant 0 : i32
        %dma_wait3A_44 = tpu.memref_slice %arg9[%add3A_37, %dma_wait3A_43] : memref<10240x128xf32, #tpu.memory_space<vmem_shared>> -> memref<128x128xf32, #tpu.memory_space<vmem_shared>>
        tpu.wait_dma2 semaphore(%run_scoped3A : memref<!tpu.dma_semaphore, #tpu.memory_space<semaphore_mem>>) src(%arg8 : memref<128x128xf32, #tpu.memory_space<vmem>>) dst(%dma_wait3A_44 : memref<128x128xf32, #tpu.memory_space<vmem_shared>>)
        tpu.yield
      }) : () -> ()
      %scan3A_38 = arith.constant 0 : i32
      scf.yield %scan3A_38 : i32
    }
    %scan3A_15 = arith.constant 5 : i32
    %barrier3A = arith.constant 0 : index
    tpu.barrier barrier_id(%barrier3A)
    %scan3A_16 = arith.constant 0 : i32
    %scan3A_17 = arith.constant 0 : i32
    %scan3A_18 = arith.constant 5 : i32
    %scan3A_19 = arith.addi %scan3A_17, %scan3A_18 : i32
    %scan3A_20 = arith.constant 1 : i32
    %scan3A_21 = scf.for %scan3A_31 = %scan3A_17 to %scan3A_19 step %scan3A_20 iter_args(%scan3A_32 = %scan3A_16) -> (i32)  : i32 {
      %mul3A_33 = arith.constant 16 : i32
      %mul3A_34 = arith.muli %scan3A_31, %mul3A_33 : i32
      %add3A_35 = arith.addi %mul3A_2, %mul3A_34 : i32
      "tpu.region"() ({
        %run_scoped3A = tpu.sem_alloc : memref<!tpu.dma_semaphore, #tpu.memory_space<semaphore_mem>>
        %dma_start3A = arith.constant 0 : i32
        %dma_start3A_47 = tpu.memref_slice %arg3[%add3A_35, %dma_start3A] : memref<2560x128xi32, #tpu.memory_space<hbm>> -> memref<16x128xi32, #tpu.memory_space<hbm>>
        %dma_start3A_48 = arith.constant 0 : i32
        %dma_start3A_49 = tpu.memref_slice %arg3[%add3A_35, %dma_start3A_48] : memref<2560x128xi32, #tpu.memory_space<hbm>> -> memref<16x128xi32, #tpu.memory_space<hbm>>
        tpu.enqueue_dma source(%dma_start3A_49 : memref<16x128xi32, #tpu.memory_space<hbm>>) target(%arg6 : memref<16x128xi32, #tpu.memory_space<vmem>>) target_semaphore(%run_scoped3A : memref<!tpu.dma_semaphore, #tpu.memory_space<semaphore_mem>>)
        %dma_wait3A = arith.constant 0 : i32
        %dma_wait3A_50 = tpu.memref_slice %arg3[%add3A_35, %dma_wait3A] : memref<2560x128xi32, #tpu.memory_space<hbm>> -> memref<16x128xi32, #tpu.memory_space<hbm>>
        %dma_wait3A_51 = arith.constant 0 : i32
        %dma_wait3A_52 = tpu.memref_slice %arg3[%add3A_35, %dma_wait3A_51] : memref<2560x128xi32, #tpu.memory_space<hbm>> -> memref<16x128xi32, #tpu.memory_space<hbm>>
        tpu.wait_dma2 semaphore(%run_scoped3A : memref<!tpu.dma_semaphore, #tpu.memory_space<semaphore_mem>>) src(%dma_wait3A_52 : memref<16x128xi32, #tpu.memory_space<hbm>>) dst(%arg6 : memref<16x128xi32, #tpu.memory_space<vmem>>)
        tpu.yield
      }) : () -> ()
      %mul3A_36 = arith.constant 16 : i32
      %mul3A_37 = arith.muli %scan3A_31, %mul3A_36 : i32
      %add3A_38 = arith.addi %mul3A_2, %mul3A_37 : i32
      "tpu.region"() ({
        %run_scoped3A = tpu.sem_alloc : memref<!tpu.dma_semaphore, #tpu.memory_space<semaphore_mem>>
        %dma_start3A = arith.constant 0 : i32
        %dma_start3A_47 = tpu.memref_slice %arg4[%add3A_38, %dma_start3A] : memref<2560x128xi32, #tpu.memory_space<hbm>> -> memref<16x128xi32, #tpu.memory_space<hbm>>
        %dma_start3A_48 = arith.constant 0 : i32
        %dma_start3A_49 = tpu.memref_slice %arg4[%add3A_38, %dma_start3A_48] : memref<2560x128xi32, #tpu.memory_space<hbm>> -> memref<16x128xi32, #tpu.memory_space<hbm>>
        tpu.enqueue_dma source(%dma_start3A_49 : memref<16x128xi32, #tpu.memory_space<hbm>>) target(%arg7 : memref<16x128xi32, #tpu.memory_space<vmem>>) target_semaphore(%run_scoped3A : memref<!tpu.dma_semaphore, #tpu.memory_space<semaphore_mem>>)
        %dma_wait3A = arith.constant 0 : i32
        %dma_wait3A_50 = tpu.memref_slice %arg4[%add3A_38, %dma_wait3A] : memref<2560x128xi32, #tpu.memory_space<hbm>> -> memref<16x128xi32, #tpu.memory_space<hbm>>
        %dma_wait3A_51 = arith.constant 0 : i32
        %dma_wait3A_52 = tpu.memref_slice %arg4[%add3A_38, %dma_wait3A_51] : memref<2560x128xi32, #tpu.memory_space<hbm>> -> memref<16x128xi32, #tpu.memory_space<hbm>>
        tpu.wait_dma2 semaphore(%run_scoped3A : memref<!tpu.dma_semaphore, #tpu.memory_space<semaphore_mem>>) src(%dma_wait3A_52 : memref<16x128xi32, #tpu.memory_space<hbm>>) dst(%arg7 : memref<16x128xi32, #tpu.memory_space<vmem>>)
        tpu.yield
      }) : () -> ()
      %scan3A_39 = arith.constant 0 : i32
      %scan3A_40 = arith.constant 0 : i32
      %scan3A_41 = arith.constant 16 : i32
      %scan3A_42 = arith.addi %scan3A_40, %scan3A_41 : i32
      %scan3A_43 = arith.constant 1 : i32
      %scan3A_44 = scf.for %scan3A_47 = %scan3A_40 to %scan3A_42 step %scan3A_43 iter_args(%scan3A_48 = %scan3A_39) -> (i32)  : i32 {
        %dma_start3A = arith.constant 0 : i32
        %dma_start3A_49 = tpu.memref_slice %arg6[%scan3A_47, %dma_start3A] : memref<16x128xi32, #tpu.memory_space<vmem>> -> memref<1x128xi32, #tpu.memory_space<vmem>>
        %dma_start3A_50 = tpu.memref_squeeze %dma_start3A_49 : memref<1x128xi32, #tpu.memory_space<vmem>> -> memref<128xi32, #tpu.memory_space<vmem>>
        %dma_start3A_51 = arith.constant 0 : i32
        %dma_start3A_52 = arith.constant 0 : i32
        %dma_start3A_53 = tpu.memref_slice %arg2[%dma_start3A_51, %dma_start3A_52] : memref<10240x128xf32, #tpu.memory_space<hbm>> -> memref<10240x128xf32, #tpu.memory_space<hbm>>
        tpu.enqueue_indirect_dma source(%dma_start3A_53 : memref<10240x128xf32, #tpu.memory_space<hbm>>) target(%arg8 : memref<128x128xf32, #tpu.memory_space<vmem>>) offsets(%dma_start3A_50 : memref<128xi32, #tpu.memory_space<vmem>>) semaphore(%arg10 : memref<!tpu.dma_semaphore, #tpu.memory_space<semaphore_mem>>)
        %dma_wait3A = arith.constant 0 : i32
        %dma_wait3A_54 = tpu.memref_slice %arg6[%scan3A_47, %dma_wait3A] : memref<16x128xi32, #tpu.memory_space<vmem>> -> memref<1x128xi32, #tpu.memory_space<vmem>>
        %dma_wait3A_55 = tpu.memref_squeeze %dma_wait3A_54 : memref<1x128xi32, #tpu.memory_space<vmem>> -> memref<128xi32, #tpu.memory_space<vmem>>
        %dma_wait3A_56 = arith.constant 0 : i32
        %dma_wait3A_57 = arith.constant 0 : i32
        %dma_wait3A_58 = tpu.memref_slice %arg2[%dma_wait3A_56, %dma_wait3A_57] : memref<10240x128xf32, #tpu.memory_space<hbm>> -> memref<10240x128xf32, #tpu.memory_space<hbm>>
        tpu.wait_indirect_dma semaphore(%arg10 : memref<!tpu.dma_semaphore, #tpu.memory_space<semaphore_mem>>) src(%dma_wait3A_58 : memref<10240x128xf32, #tpu.memory_space<hbm>>) dst(%arg8 : memref<128x128xf32, #tpu.memory_space<vmem>>)
        "tpu.region"() ({
          %run_scoped3A = tpu.sem_alloc : memref<!tpu.dma_semaphore, #tpu.memory_space<semaphore_mem>>
          %dma_start3A_60 = arith.constant 0 : i32
          %dma_start3A_61 = tpu.memref_slice %arg7[%scan3A_47, %dma_start3A_60] : memref<16x128xi32, #tpu.memory_space<vmem>> -> memref<1x128xi32, #tpu.memory_space<vmem>>
          %dma_start3A_62 = tpu.memref_squeeze %dma_start3A_61 : memref<1x128xi32, #tpu.memory_space<vmem>> -> memref<128xi32, #tpu.memory_space<vmem>>
          %dma_start3A_63 = arith.constant 0 : i32
          %dma_start3A_64 = arith.constant 0 : i32
          %dma_start3A_65 = tpu.memref_slice %arg9[%dma_start3A_63, %dma_start3A_64] : memref<10240x128xf32, #tpu.memory_space<vmem_shared>> -> memref<10240x128xf32, #tpu.memory_space<vmem_shared>>
          tpu.enqueue_indirect_dma source(%arg8 : memref<128x128xf32, #tpu.memory_space<vmem>>) target(%dma_start3A_65 : memref<10240x128xf32, #tpu.memory_space<vmem_shared>>) offsets(%dma_start3A_62 : memref<128xi32, #tpu.memory_space<vmem>>) semaphore(%run_scoped3A : memref<!tpu.dma_semaphore, #tpu.memory_space<semaphore_mem>>) {add = true}
          %dma_wait3A_66 = arith.constant 0 : i32
          %dma_wait3A_67 = tpu.memref_slice %arg7[%scan3A_47, %dma_wait3A_66] : memref<16x128xi32, #tpu.memory_space<vmem>> -> memref<1x128xi32, #tpu.memory_space<vmem>>
          %dma_wait3A_68 = tpu.memref_squeeze %dma_wait3A_67 : memref<1x128xi32, #tpu.memory_space<vmem>> -> memref<128xi32, #tpu.memory_space<vmem>>
          %dma_wait3A_69 = arith.constant 0 : i32
          %dma_wait3A_70 = arith.constant 0 : i32
          %dma_wait3A_71 = tpu.memref_slice %arg9[%dma_wait3A_69, %dma_wait3A_70] : memref<10240x128xf32, #tpu.memory_space<vmem_shared>> -> memref<10240x128xf32, #tpu.memory_space<vmem_shared>>
          tpu.wait_indirect_dma semaphore(%run_scoped3A : memref<!tpu.dma_semaphore, #tpu.memory_space<semaphore_mem>>) src(%arg8 : memref<128x128xf32, #tpu.memory_space<vmem>>) dst(%dma_wait3A_71 : memref<10240x128xf32, #tpu.memory_space<vmem_shared>>)
          tpu.yield
        }) : () -> ()
        %scan3A_59 = arith.constant 0 : i32
        scf.yield %scan3A_59 : i32
      }
      %scan3A_45 = arith.constant 16 : i32
      %scan3A_46 = arith.constant 0 : i32
      scf.yield %scan3A_46 : i32
    }
    %scan3A_22 = arith.constant 5 : i32
    %barrier3A_23 = arith.constant 0 : index
    tpu.barrier barrier_id(%barrier3A_23)
    %scan3A_24 = arith.constant 0 : i32
    %scan3A_25 = arith.constant 0 : i32
    %scan3A_26 = arith.constant 5 : i32
    %scan3A_27 = arith.addi %scan3A_25, %scan3A_26 : i32
    %scan3A_28 = arith.constant 1 : i32
    %scan3A_29 = scf.for %scan3A_31 = %scan3A_25 to %scan3A_27 step %scan3A_28 iter_args(%scan3A_32 = %scan3A_24) -> (i32)  : i32 {
      %mul3A_33 = arith.constant 640 : i32
      %mul3A_34 = arith.muli %arg1, %mul3A_33 : i32
      %mul3A_35 = arith.constant 128 : i32
      %mul3A_36 = arith.muli %scan3A_31, %mul3A_35 : i32
      %add3A_37 = arith.addi %mul3A_34, %mul3A_36 : i32
      "tpu.region"() ({
        %run_scoped3A = tpu.sem_alloc : memref<!tpu.dma_semaphore, #tpu.memory_space<semaphore_mem>>
        %dma_start3A = arith.constant 0 : i32
        %dma_start3A_42 = tpu.memref_slice %arg9[%add3A_37, %dma_start3A] : memref<10240x128xf32, #tpu.memory_space<vmem_shared>> -> memref<128x128xf32, #tpu.memory_space<vmem_shared>>
        %dma_start3A_43 = arith.constant 0 : i32
        %dma_start3A_44 = tpu.memref_slice %arg9[%add3A_37, %dma_start3A_43] : memref<10240x128xf32, #tpu.memory_space<vmem_shared>> -> memref<128x128xf32, #tpu.memory_space<vmem_shared>>
        tpu.enqueue_dma source(%dma_start3A_44 : memref<128x128xf32, #tpu.memory_space<vmem_shared>>) target(%arg8 : memref<128x128xf32, #tpu.memory_space<vmem>>) target_semaphore(%run_scoped3A : memref<!tpu.dma_semaphore, #tpu.memory_space<semaphore_mem>>)
        %dma_wait3A = arith.constant 0 : i32
        %dma_wait3A_45 = tpu.memref_slice %arg9[%add3A_37, %dma_wait3A] : memref<10240x128xf32, #tpu.memory_space<vmem_shared>> -> memref<128x128xf32, #tpu.memory_space<vmem_shared>>
        %dma_wait3A_46 = arith.constant 0 : i32
        %dma_wait3A_47 = tpu.memref_slice %arg9[%add3A_37, %dma_wait3A_46] : memref<10240x128xf32, #tpu.memory_space<vmem_shared>> -> memref<128x128xf32, #tpu.memory_space<vmem_shared>>
        tpu.wait_dma2 semaphore(%run_scoped3A : memref<!tpu.dma_semaphore, #tpu.memory_space<semaphore_mem>>) src(%dma_wait3A_47 : memref<128x128xf32, #tpu.memory_space<vmem_shared>>) dst(%arg8 : memref<128x128xf32, #tpu.memory_space<vmem>>)
        tpu.yield
      }) : () -> ()
      %mul3A_38 = arith.constant 10240 : i32
      %mul3A_39 = arith.muli %arg0, %mul3A_38 : i32
      %add3A_40 = arith.addi %mul3A_39, %add3A_37 : i32
      "tpu.region"() ({
        %run_scoped3A = tpu.sem_alloc : memref<!tpu.dma_semaphore, #tpu.memory_space<semaphore_mem>>
        %dma_start3A = arith.constant 0 : i32
        %dma_start3A_42 = tpu.memref_slice %arg5[%add3A_40, %dma_start3A] : memref<20480x128xf32, #tpu.memory_space<hbm>> -> memref<128x128xf32, #tpu.memory_space<hbm>>
        %dma_start3A_43 = arith.constant 0 : i32
        %dma_start3A_44 = tpu.memref_slice %arg5[%add3A_40, %dma_start3A_43] : memref<20480x128xf32, #tpu.memory_space<hbm>> -> memref<128x128xf32, #tpu.memory_space<hbm>>
        tpu.enqueue_dma source(%arg8 : memref<128x128xf32, #tpu.memory_space<vmem>>) target(%dma_start3A_44 : memref<128x128xf32, #tpu.memory_space<hbm>>) target_semaphore(%run_scoped3A : memref<!tpu.dma_semaphore, #tpu.memory_space<semaphore_mem>>)
        %dma_wait3A = arith.constant 0 : i32
        %dma_wait3A_45 = tpu.memref_slice %arg5[%add3A_40, %dma_wait3A] : memref<20480x128xf32, #tpu.memory_space<hbm>> -> memref<128x128xf32, #tpu.memory_space<hbm>>
        %dma_wait3A_46 = arith.constant 0 : i32
        %dma_wait3A_47 = tpu.memref_slice %arg5[%add3A_40, %dma_wait3A_46] : memref<20480x128xf32, #tpu.memory_space<hbm>> -> memref<128x128xf32, #tpu.memory_space<hbm>>
        tpu.wait_dma2 semaphore(%run_scoped3A : memref<!tpu.dma_semaphore, #tpu.memory_space<semaphore_mem>>) src(%arg8 : memref<128x128xf32, #tpu.memory_space<vmem>>) dst(%dma_wait3A_47 : memref<128x128xf32, #tpu.memory_space<hbm>>)
        tpu.yield
      }) : () -> ()
      %scan3A_41 = arith.constant 0 : i32
      scf.yield %scan3A_41 : i32
    }
    %scan3A_30 = arith.constant 5 : i32
    return
  }
}

#map = affine_map<(d0, d1) -> (0, 0)>
module attributes {stable_mosaic.version = 14 : i64} {
  func.func @sc_agg128(%arg0: i32, %arg1: i32, %arg2: memref<10240x128xf32, #tpu.memory_space<hbm>>, %arg3: memref<2560x128xi32, #tpu.memory_space<hbm>>, %arg4: memref<2560x128xi32, #tpu.memory_space<hbm>>, %arg5: memref<20480x128xf32, #tpu.memory_space<hbm>>, %arg6: memref<16x128xi32, #tpu.memory_space<vmem>>, %arg7: memref<16x128xi32, #tpu.memory_space<vmem>>, %arg8: memref<128x128xf32, #tpu.memory_space<vmem>>, %arg9: memref<10240x128xf32, #tpu.memory_space<vmem_shared>>, %arg10: memref<!tpu.dma_semaphore, #tpu.memory_space<semaphore_mem>>) attributes {dimension_semantics = [#tpu.dimension_semantics<core_parallel>, #tpu.dimension_semantics<subcore_parallel>], iteration_bounds = array<i64: 2, 16>, scalar_prefetch = 0 : i64, scratch_operands = 5 : i64, tpu.core_type = #tpu.core_type<sc_vector_subcore>, window_params = [{transform_indices = #map}, {transform_indices = #map}, {transform_indices = #map}, {transform_indices = #map}]} {
    %mul3A = arith.constant 2 : i32
    %mul3A_0 = arith.muli %arg1, %mul3A : i32
    %add3A = arith.addi %mul3A_0, %arg0 : i32
    %mul3A_1 = arith.constant 80 : i32
    %mul3A_2 = arith.muli %add3A, %mul3A_1 : i32
    %scan3A = arith.constant 0 : i32
    %scan3A_3 = arith.constant 0 : i32
    %scan3A_4 = arith.constant 128 : i32
    %scan3A_5 = arith.addi %scan3A_3, %scan3A_4 : i32
    %scan3A_6 = arith.constant 1 : i32
    %scan3A_7 = scf.for %scan3A_31 = %scan3A_3 to %scan3A_5 step %scan3A_6 iter_args(%scan3A_32 = %scan3A) -> (i32)  : i32 {
      %broadcast_in_dim3A = arith.constant 0.000000e+00 : f32
      %broadcast_in_dim3A_33 = vector.broadcast %broadcast_in_dim3A : f32 to vector<16xf32>
      %swap3A = arith.index_cast %scan3A_31 : i32 to index
      %swap3A_34 = arith.constant 0 : index
      %swap3A_35 = tpu.vector_load %arg8[%swap3A, %swap3A_34] {strides = array<i32>} : memref<128x128xf32, #tpu.memory_space<vmem>>, vector<1x16xf32>,
      %swap3A_36 = vector.shape_cast %swap3A_35 : vector<1x16xf32> to vector<16xf32>
      %swap3A_37 = vector.shape_cast %broadcast_in_dim3A_33 : vector<16xf32> to vector<1x16xf32>
      tpu.vector_store %arg8[%swap3A, %swap3A_34], %swap3A_37 {strides = array<i32>} : memref<128x128xf32, #tpu.memory_space<vmem>>, vector<1x16xf32>,
      %broadcast_in_dim3A_38 = arith.constant 0.000000e+00 : f32
      %broadcast_in_dim3A_39 = vector.broadcast %broadcast_in_dim3A_38 : f32 to vector<16xf32>
      %swap3A_40 = arith.index_cast %scan3A_31 : i32 to index
      %swap3A_41 = arith.constant 16 : index
      %swap3A_42 = tpu.vector_load %arg8[%swap3A_40, %swap3A_41] {strides = array<i32>} : memref<128x128xf32, #tpu.memory_space<vmem>>, vector<1x16xf32>,
      %swap3A_43 = vector.shape_cast %swap3A_42 : vector<1x16xf32> to vector<16xf32>
      %swap3A_44 = vector.shape_cast %broadcast_in_dim3A_39 : vector<16xf32> to vector<1x16xf32>
      tpu.vector_store %arg8[%swap3A_40, %swap3A_41], %swap3A_44 {strides = array<i32>} : memref<128x128xf32, #tpu.memory_space<vmem>>, vector<1x16xf32>,
      %broadcast_in_dim3A_45 = arith.constant 0.000000e+00 : f32
      %broadcast_in_dim3A_46 = vector.broadcast %broadcast_in_dim3A_45 : f32 to vector<16xf32>
      %swap3A_47 = arith.index_cast %scan3A_31 : i32 to index
      %swap3A_48 = arith.constant 32 : index
      %swap3A_49 = tpu.vector_load %arg8[%swap3A_47, %swap3A_48] {strides = array<i32>} : memref<128x128xf32, #tpu.memory_space<vmem>>, vector<1x16xf32>,
      %swap3A_50 = vector.shape_cast %swap3A_49 : vector<1x16xf32> to vector<16xf32>
      %swap3A_51 = vector.shape_cast %broadcast_in_dim3A_46 : vector<16xf32> to vector<1x16xf32>
      tpu.vector_store %arg8[%swap3A_47, %swap3A_48], %swap3A_51 {strides = array<i32>} : memref<128x128xf32, #tpu.memory_space<vmem>>, vector<1x16xf32>,
      %broadcast_in_dim3A_52 = arith.constant 0.000000e+00 : f32
      %broadcast_in_dim3A_53 = vector.broadcast %broadcast_in_dim3A_52 : f32 to vector<16xf32>
      %swap3A_54 = arith.index_cast %scan3A_31 : i32 to index
      %swap3A_55 = arith.constant 48 : index
      %swap3A_56 = tpu.vector_load %arg8[%swap3A_54, %swap3A_55] {strides = array<i32>} : memref<128x128xf32, #tpu.memory_space<vmem>>, vector<1x16xf32>,
      %swap3A_57 = vector.shape_cast %swap3A_56 : vector<1x16xf32> to vector<16xf32>
      %swap3A_58 = vector.shape_cast %broadcast_in_dim3A_53 : vector<16xf32> to vector<1x16xf32>
      tpu.vector_store %arg8[%swap3A_54, %swap3A_55], %swap3A_58 {strides = array<i32>} : memref<128x128xf32, #tpu.memory_space<vmem>>, vector<1x16xf32>,
      %broadcast_in_dim3A_59 = arith.constant 0.000000e+00 : f32
      %broadcast_in_dim3A_60 = vector.broadcast %broadcast_in_dim3A_59 : f32 to vector<16xf32>
      %swap3A_61 = arith.index_cast %scan3A_31 : i32 to index
      %swap3A_62 = arith.constant 64 : index
      %swap3A_63 = tpu.vector_load %arg8[%swap3A_61, %swap3A_62] {strides = array<i32>} : memref<128x128xf32, #tpu.memory_space<vmem>>, vector<1x16xf32>,
      %swap3A_64 = vector.shape_cast %swap3A_63 : vector<1x16xf32> to vector<16xf32>
      %swap3A_65 = vector.shape_cast %broadcast_in_dim3A_60 : vector<16xf32> to vector<1x16xf32>
      tpu.vector_store %arg8[%swap3A_61, %swap3A_62], %swap3A_65 {strides = array<i32>} : memref<128x128xf32, #tpu.memory_space<vmem>>, vector<1x16xf32>,
      %broadcast_in_dim3A_66 = arith.constant 0.000000e+00 : f32
      %broadcast_in_dim3A_67 = vector.broadcast %broadcast_in_dim3A_66 : f32 to vector<16xf32>
      %swap3A_68 = arith.index_cast %scan3A_31 : i32 to index
      %swap3A_69 = arith.constant 80 : index
      %swap3A_70 = tpu.vector_load %arg8[%swap3A_68, %swap3A_69] {strides = array<i32>} : memref<128x128xf32, #tpu.memory_space<vmem>>, vector<1x16xf32>,
      %swap3A_71 = vector.shape_cast %swap3A_70 : vector<1x16xf32> to vector<16xf32>
      %swap3A_72 = vector.shape_cast %broadcast_in_dim3A_67 : vector<16xf32> to vector<1x16xf32>
      tpu.vector_store %arg8[%swap3A_68, %swap3A_69], %swap3A_72 {strides = array<i32>} : memref<128x128xf32, #tpu.memory_space<vmem>>, vector<1x16xf32>,
      %broadcast_in_dim3A_73 = arith.constant 0.000000e+00 : f32
      %broadcast_in_dim3A_74 = vector.broadcast %broadcast_in_dim3A_73 : f32 to vector<16xf32>
      %swap3A_75 = arith.index_cast %scan3A_31 : i32 to index
      %swap3A_76 = arith.constant 96 : index
      %swap3A_77 = tpu.vector_load %arg8[%swap3A_75, %swap3A_76] {strides = array<i32>} : memref<128x128xf32, #tpu.memory_space<vmem>>, vector<1x16xf32>,
      %swap3A_78 = vector.shape_cast %swap3A_77 : vector<1x16xf32> to vector<16xf32>
      %swap3A_79 = vector.shape_cast %broadcast_in_dim3A_74 : vector<16xf32> to vector<1x16xf32>
      tpu.vector_store %arg8[%swap3A_75, %swap3A_76], %swap3A_79 {strides = array<i32>} : memref<128x128xf32, #tpu.memory_space<vmem>>, vector<1x16xf32>,
      %broadcast_in_dim3A_80 = arith.constant 0.000000e+00 : f32
      %broadcast_in_dim3A_81 = vector.broadcast %broadcast_in_dim3A_80 : f32 to vector<16xf32>
      %swap3A_82 = arith.index_cast %scan3A_31 : i32 to index
      %swap3A_83 = arith.constant 112 : index
      %swap3A_84 = tpu.vector_load %arg8[%swap3A_82, %swap3A_83] {strides = array<i32>} : memref<128x128xf32, #tpu.memory_space<vmem>>, vector<1x16xf32>,
      %swap3A_85 = vector.shape_cast %swap3A_84 : vector<1x16xf32> to vector<16xf32>
      %swap3A_86 = vector.shape_cast %broadcast_in_dim3A_81 : vector<16xf32> to vector<1x16xf32>
      tpu.vector_store %arg8[%swap3A_82, %swap3A_83], %swap3A_86 {strides = array<i32>} : memref<128x128xf32, #tpu.memory_space<vmem>>, vector<1x16xf32>,
      %scan3A_87 = arith.constant 0 : i32
      scf.yield %scan3A_87 : i32
    }
    %scan3A_8 = arith.constant 128 : i32
    %scan3A_9 = arith.constant 0 : i32
    %scan3A_10 = arith.constant 0 : i32
    %scan3A_11 = arith.constant 5 : i32
    %scan3A_12 = arith.addi %scan3A_10, %scan3A_11 : i32
    %scan3A_13 = arith.constant 1 : i32
    %scan3A_14 = scf.for %scan3A_31 = %scan3A_10 to %scan3A_12 step %scan3A_13 iter_args(%scan3A_32 = %scan3A_9) -> (i32)  : i32 {
      %mul3A_33 = arith.constant 640 : i32
      %mul3A_34 = arith.muli %arg1, %mul3A_33 : i32
      %mul3A_35 = arith.constant 128 : i32
      %mul3A_36 = arith.muli %scan3A_31, %mul3A_35 : i32
      %add3A_37 = arith.addi %mul3A_34, %mul3A_36 : i32
      "tpu.region"() ({
        %run_scoped3A = tpu.sem_alloc : memref<!tpu.dma_semaphore, #tpu.memory_space<semaphore_mem>>
        %dma_start3A = arith.constant 0 : i32
        %dma_start3A_39 = tpu.memref_slice %arg9[%add3A_37, %dma_start3A] : memref<10240x128xf32, #tpu.memory_space<vmem_shared>> -> memref<128x128xf32, #tpu.memory_space<vmem_shared>>
        %dma_start3A_40 = arith.constant 0 : i32
        %dma_start3A_41 = tpu.memref_slice %arg9[%add3A_37, %dma_start3A_40] : memref<10240x128xf32, #tpu.memory_space<vmem_shared>> -> memref<128x128xf32, #tpu.memory_space<vmem_shared>>
        tpu.enqueue_dma source(%arg8 : memref<128x128xf32, #tpu.memory_space<vmem>>) target(%dma_start3A_41 : memref<128x128xf32, #tpu.memory_space<vmem_shared>>) target_semaphore(%run_scoped3A : memref<!tpu.dma_semaphore, #tpu.memory_space<semaphore_mem>>)
        %dma_wait3A = arith.constant 0 : i32
        %dma_wait3A_42 = tpu.memref_slice %arg9[%add3A_37, %dma_wait3A] : memref<10240x128xf32, #tpu.memory_space<vmem_shared>> -> memref<128x128xf32, #tpu.memory_space<vmem_shared>>
        %dma_wait3A_43 = arith.constant 0 : i32
        %dma_wait3A_44 = tpu.memref_slice %arg9[%add3A_37, %dma_wait3A_43] : memref<10240x128xf32, #tpu.memory_space<vmem_shared>> -> memref<128x128xf32, #tpu.memory_space<vmem_shared>>
        tpu.wait_dma2 semaphore(%run_scoped3A : memref<!tpu.dma_semaphore, #tpu.memory_space<semaphore_mem>>) src(%arg8 : memref<128x128xf32, #tpu.memory_space<vmem>>) dst(%dma_wait3A_44 : memref<128x128xf32, #tpu.memory_space<vmem_shared>>)
        tpu.yield
      }) : () -> ()
      %scan3A_38 = arith.constant 0 : i32
      scf.yield %scan3A_38 : i32
    }
    %scan3A_15 = arith.constant 5 : i32
    %barrier3A = arith.constant 0 : index
    tpu.barrier barrier_id(%barrier3A)
    %scan3A_16 = arith.constant 0 : i32
    %scan3A_17 = arith.constant 0 : i32
    %scan3A_18 = arith.constant 5 : i32
    %scan3A_19 = arith.addi %scan3A_17, %scan3A_18 : i32
    %scan3A_20 = arith.constant 1 : i32
    %scan3A_21 = scf.for %scan3A_31 = %scan3A_17 to %scan3A_19 step %scan3A_20 iter_args(%scan3A_32 = %scan3A_16) -> (i32)  : i32 {
      %mul3A_33 = arith.constant 16 : i32
      %mul3A_34 = arith.muli %scan3A_31, %mul3A_33 : i32
      %add3A_35 = arith.addi %mul3A_2, %mul3A_34 : i32
      "tpu.region"() ({
        %run_scoped3A = tpu.sem_alloc : memref<!tpu.dma_semaphore, #tpu.memory_space<semaphore_mem>>
        %dma_start3A = arith.constant 0 : i32
        %dma_start3A_47 = tpu.memref_slice %arg3[%add3A_35, %dma_start3A] : memref<2560x128xi32, #tpu.memory_space<hbm>> -> memref<16x128xi32, #tpu.memory_space<hbm>>
        %dma_start3A_48 = arith.constant 0 : i32
        %dma_start3A_49 = tpu.memref_slice %arg3[%add3A_35, %dma_start3A_48] : memref<2560x128xi32, #tpu.memory_space<hbm>> -> memref<16x128xi32, #tpu.memory_space<hbm>>
        tpu.enqueue_dma source(%dma_start3A_49 : memref<16x128xi32, #tpu.memory_space<hbm>>) target(%arg6 : memref<16x128xi32, #tpu.memory_space<vmem>>) target_semaphore(%run_scoped3A : memref<!tpu.dma_semaphore, #tpu.memory_space<semaphore_mem>>)
        %dma_wait3A = arith.constant 0 : i32
        %dma_wait3A_50 = tpu.memref_slice %arg3[%add3A_35, %dma_wait3A] : memref<2560x128xi32, #tpu.memory_space<hbm>> -> memref<16x128xi32, #tpu.memory_space<hbm>>
        %dma_wait3A_51 = arith.constant 0 : i32
        %dma_wait3A_52 = tpu.memref_slice %arg3[%add3A_35, %dma_wait3A_51] : memref<2560x128xi32, #tpu.memory_space<hbm>> -> memref<16x128xi32, #tpu.memory_space<hbm>>
        tpu.wait_dma2 semaphore(%run_scoped3A : memref<!tpu.dma_semaphore, #tpu.memory_space<semaphore_mem>>) src(%dma_wait3A_52 : memref<16x128xi32, #tpu.memory_space<hbm>>) dst(%arg6 : memref<16x128xi32, #tpu.memory_space<vmem>>)
        tpu.yield
      }) : () -> ()
      %mul3A_36 = arith.constant 16 : i32
      %mul3A_37 = arith.muli %scan3A_31, %mul3A_36 : i32
      %add3A_38 = arith.addi %mul3A_2, %mul3A_37 : i32
      "tpu.region"() ({
        %run_scoped3A = tpu.sem_alloc : memref<!tpu.dma_semaphore, #tpu.memory_space<semaphore_mem>>
        %dma_start3A = arith.constant 0 : i32
        %dma_start3A_47 = tpu.memref_slice %arg4[%add3A_38, %dma_start3A] : memref<2560x128xi32, #tpu.memory_space<hbm>> -> memref<16x128xi32, #tpu.memory_space<hbm>>
        %dma_start3A_48 = arith.constant 0 : i32
        %dma_start3A_49 = tpu.memref_slice %arg4[%add3A_38, %dma_start3A_48] : memref<2560x128xi32, #tpu.memory_space<hbm>> -> memref<16x128xi32, #tpu.memory_space<hbm>>
        tpu.enqueue_dma source(%dma_start3A_49 : memref<16x128xi32, #tpu.memory_space<hbm>>) target(%arg7 : memref<16x128xi32, #tpu.memory_space<vmem>>) target_semaphore(%run_scoped3A : memref<!tpu.dma_semaphore, #tpu.memory_space<semaphore_mem>>)
        %dma_wait3A = arith.constant 0 : i32
        %dma_wait3A_50 = tpu.memref_slice %arg4[%add3A_38, %dma_wait3A] : memref<2560x128xi32, #tpu.memory_space<hbm>> -> memref<16x128xi32, #tpu.memory_space<hbm>>
        %dma_wait3A_51 = arith.constant 0 : i32
        %dma_wait3A_52 = tpu.memref_slice %arg4[%add3A_38, %dma_wait3A_51] : memref<2560x128xi32, #tpu.memory_space<hbm>> -> memref<16x128xi32, #tpu.memory_space<hbm>>
        tpu.wait_dma2 semaphore(%run_scoped3A : memref<!tpu.dma_semaphore, #tpu.memory_space<semaphore_mem>>) src(%dma_wait3A_52 : memref<16x128xi32, #tpu.memory_space<hbm>>) dst(%arg7 : memref<16x128xi32, #tpu.memory_space<vmem>>)
        tpu.yield
      }) : () -> ()
      %scan3A_39 = arith.constant 0 : i32
      %scan3A_40 = arith.constant 0 : i32
      %scan3A_41 = arith.constant 16 : i32
      %scan3A_42 = arith.addi %scan3A_40, %scan3A_41 : i32
      %scan3A_43 = arith.constant 1 : i32
      %scan3A_44 = scf.for %scan3A_47 = %scan3A_40 to %scan3A_42 step %scan3A_43 iter_args(%scan3A_48 = %scan3A_39) -> (i32)  : i32 {
        %dma_start3A = arith.constant 0 : i32
        %dma_start3A_49 = tpu.memref_slice %arg6[%scan3A_47, %dma_start3A] : memref<16x128xi32, #tpu.memory_space<vmem>> -> memref<1x128xi32, #tpu.memory_space<vmem>>
        %dma_start3A_50 = tpu.memref_squeeze %dma_start3A_49 : memref<1x128xi32, #tpu.memory_space<vmem>> -> memref<128xi32, #tpu.memory_space<vmem>>
        %dma_start3A_51 = arith.constant 0 : i32
        %dma_start3A_52 = arith.constant 0 : i32
        %dma_start3A_53 = tpu.memref_slice %arg2[%dma_start3A_51, %dma_start3A_52] : memref<10240x128xf32, #tpu.memory_space<hbm>> -> memref<10240x128xf32, #tpu.memory_space<hbm>>
        tpu.enqueue_indirect_dma source(%dma_start3A_53 : memref<10240x128xf32, #tpu.memory_space<hbm>>) target(%arg8 : memref<128x128xf32, #tpu.memory_space<vmem>>) offsets(%dma_start3A_50 : memref<128xi32, #tpu.memory_space<vmem>>) semaphore(%arg10 : memref<!tpu.dma_semaphore, #tpu.memory_space<semaphore_mem>>)
        %dma_wait3A = arith.constant 0 : i32
        %dma_wait3A_54 = tpu.memref_slice %arg6[%scan3A_47, %dma_wait3A] : memref<16x128xi32, #tpu.memory_space<vmem>> -> memref<1x128xi32, #tpu.memory_space<vmem>>
        %dma_wait3A_55 = tpu.memref_squeeze %dma_wait3A_54 : memref<1x128xi32, #tpu.memory_space<vmem>> -> memref<128xi32, #tpu.memory_space<vmem>>
        %dma_wait3A_56 = arith.constant 0 : i32
        %dma_wait3A_57 = arith.constant 0 : i32
        %dma_wait3A_58 = tpu.memref_slice %arg2[%dma_wait3A_56, %dma_wait3A_57] : memref<10240x128xf32, #tpu.memory_space<hbm>> -> memref<10240x128xf32, #tpu.memory_space<hbm>>
        tpu.wait_indirect_dma semaphore(%arg10 : memref<!tpu.dma_semaphore, #tpu.memory_space<semaphore_mem>>) src(%dma_wait3A_58 : memref<10240x128xf32, #tpu.memory_space<hbm>>) dst(%arg8 : memref<128x128xf32, #tpu.memory_space<vmem>>)
        "tpu.region"() ({
          %run_scoped3A = tpu.sem_alloc : memref<!tpu.dma_semaphore, #tpu.memory_space<semaphore_mem>>
          %dma_start3A_60 = arith.constant 0 : i32
          %dma_start3A_61 = tpu.memref_slice %arg7[%scan3A_47, %dma_start3A_60] : memref<16x128xi32, #tpu.memory_space<vmem>> -> memref<1x128xi32, #tpu.memory_space<vmem>>
          %dma_start3A_62 = tpu.memref_squeeze %dma_start3A_61 : memref<1x128xi32, #tpu.memory_space<vmem>> -> memref<128xi32, #tpu.memory_space<vmem>>
          %dma_start3A_63 = arith.constant 0 : i32
          %dma_start3A_64 = arith.constant 0 : i32
          %dma_start3A_65 = tpu.memref_slice %arg9[%dma_start3A_63, %dma_start3A_64] : memref<10240x128xf32, #tpu.memory_space<vmem_shared>> -> memref<10240x128xf32, #tpu.memory_space<vmem_shared>>
          tpu.enqueue_indirect_dma source(%arg8 : memref<128x128xf32, #tpu.memory_space<vmem>>) target(%dma_start3A_65 : memref<10240x128xf32, #tpu.memory_space<vmem_shared>>) offsets(%dma_start3A_62 : memref<128xi32, #tpu.memory_space<vmem>>) semaphore(%run_scoped3A : memref<!tpu.dma_semaphore, #tpu.memory_space<semaphore_mem>>) {add = true}
          %dma_wait3A_66 = arith.constant 0 : i32
          %dma_wait3A_67 = tpu.memref_slice %arg7[%scan3A_47, %dma_wait3A_66] : memref<16x128xi32, #tpu.memory_space<vmem>> -> memref<1x128xi32, #tpu.memory_space<vmem>>
          %dma_wait3A_68 = tpu.memref_squeeze %dma_wait3A_67 : memref<1x128xi32, #tpu.memory_space<vmem>> -> memref<128xi32, #tpu.memory_space<vmem>>
          %dma_wait3A_69 = arith.constant 0 : i32
          %dma_wait3A_70 = arith.constant 0 : i32
          %dma_wait3A_71 = tpu.memref_slice %arg9[%dma_wait3A_69, %dma_wait3A_70] : memref<10240x128xf32, #tpu.memory_space<vmem_shared>> -> memref<10240x128xf32, #tpu.memory_space<vmem_shared>>
          tpu.wait_indirect_dma semaphore(%run_scoped3A : memref<!tpu.dma_semaphore, #tpu.memory_space<semaphore_mem>>) src(%arg8 : memref<128x128xf32, #tpu.memory_space<vmem>>) dst(%dma_wait3A_71 : memref<10240x128xf32, #tpu.memory_space<vmem_shared>>)
          tpu.yield
        }) : () -> ()
        %scan3A_59 = arith.constant 0 : i32
        scf.yield %scan3A_59 : i32
      }
      %scan3A_45 = arith.constant 16 : i32
      %scan3A_46 = arith.constant 0 : i32
      scf.yield %scan3A_46 : i32
    }
    %scan3A_22 = arith.constant 5 : i32
    %barrier3A_23 = arith.constant 0 : index
    tpu.barrier barrier_id(%barrier3A_23)
    %scan3A_24 = arith.constant 0 : i32
    %scan3A_25 = arith.constant 0 : i32
    %scan3A_26 = arith.constant 5 : i32
    %scan3A_27 = arith.addi %scan3A_25, %scan3A_26 : i32
    %scan3A_28 = arith.constant 1 : i32
    %scan3A_29 = scf.for %scan3A_31 = %scan3A_25 to %scan3A_27 step %scan3A_28 iter_args(%scan3A_32 = %scan3A_24) -> (i32)  : i32 {
      %mul3A_33 = arith.constant 640 : i32
      %mul3A_34 = arith.muli %arg1, %mul3A_33 : i32
      %mul3A_35 = arith.constant 128 : i32
      %mul3A_36 = arith.muli %scan3A_31, %mul3A_35 : i32
      %add3A_37 = arith.addi %mul3A_34, %mul3A_36 : i32
      "tpu.region"() ({
        %run_scoped3A = tpu.sem_alloc : memref<!tpu.dma_semaphore, #tpu.memory_space<semaphore_mem>>
        %dma_start3A = arith.constant 0 : i32
        %dma_start3A_42 = tpu.memref_slice %arg9[%add3A_37, %dma_start3A] : memref<10240x128xf32, #tpu.memory_space<vmem_shared>> -> memref<128x128xf32, #tpu.memory_space<vmem_shared>>
        %dma_start3A_43 = arith.constant 0 : i32
        %dma_start3A_44 = tpu.memref_slice %arg9[%add3A_37, %dma_start3A_43] : memref<10240x128xf32, #tpu.memory_space<vmem_shared>> -> memref<128x128xf32, #tpu.memory_space<vmem_shared>>
        tpu.enqueue_dma source(%dma_start3A_44 : memref<128x128xf32, #tpu.memory_space<vmem_shared>>) target(%arg8 : memref<128x128xf32, #tpu.memory_space<vmem>>) target_semaphore(%run_scoped3A : memref<!tpu.dma_semaphore, #tpu.memory_space<semaphore_mem>>)
        %dma_wait3A = arith.constant 0 : i32
        %dma_wait3A_45 = tpu.memref_slice %arg9[%add3A_37, %dma_wait3A] : memref<10240x128xf32, #tpu.memory_space<vmem_shared>> -> memref<128x128xf32, #tpu.memory_space<vmem_shared>>
        %dma_wait3A_46 = arith.constant 0 : i32
        %dma_wait3A_47 = tpu.memref_slice %arg9[%add3A_37, %dma_wait3A_46] : memref<10240x128xf32, #tpu.memory_space<vmem_shared>> -> memref<128x128xf32, #tpu.memory_space<vmem_shared>>
        tpu.wait_dma2 semaphore(%run_scoped3A : memref<!tpu.dma_semaphore, #tpu.memory_space<semaphore_mem>>) src(%dma_wait3A_47 : memref<128x128xf32, #tpu.memory_space<vmem_shared>>) dst(%arg8 : memref<128x128xf32, #tpu.memory_space<vmem>>)
        tpu.yield
      }) : () -> ()
      %mul3A_38 = arith.constant 10240 : i32
      %mul3A_39 = arith.muli %arg0, %mul3A_38 : i32
      %add3A_40 = arith.addi %mul3A_39, %add3A_37 : i32
      "tpu.region"() ({
        %run_scoped3A = tpu.sem_alloc : memref<!tpu.dma_semaphore, #tpu.memory_space<semaphore_mem>>
        %dma_start3A = arith.constant 0 : i32
        %dma_start3A_42 = tpu.memref_slice %arg5[%add3A_40, %dma_start3A] : memref<20480x128xf32, #tpu.memory_space<hbm>> -> memref<128x128xf32, #tpu.memory_space<hbm>>
        %dma_start3A_43 = arith.constant 0 : i32
        %dma_start3A_44 = tpu.memref_slice %arg5[%add3A_40, %dma_start3A_43] : memref<20480x128xf32, #tpu.memory_space<hbm>> -> memref<128x128xf32, #tpu.memory_space<hbm>>
        tpu.enqueue_dma source(%arg8 : memref<128x128xf32, #tpu.memory_space<vmem>>) target(%dma_start3A_44 : memref<128x128xf32, #tpu.memory_space<hbm>>) target_semaphore(%run_scoped3A : memref<!tpu.dma_semaphore, #tpu.memory_space<semaphore_mem>>)
        %dma_wait3A = arith.constant 0 : i32
        %dma_wait3A_45 = tpu.memref_slice %arg5[%add3A_40, %dma_wait3A] : memref<20480x128xf32, #tpu.memory_space<hbm>> -> memref<128x128xf32, #tpu.memory_space<hbm>>
        %dma_wait3A_46 = arith.constant 0 : i32
        %dma_wait3A_47 = tpu.memref_slice %arg5[%add3A_40, %dma_wait3A_46] : memref<20480x128xf32, #tpu.memory_space<hbm>> -> memref<128x128xf32, #tpu.memory_space<hbm>>
        tpu.wait_dma2 semaphore(%run_scoped3A : memref<!tpu.dma_semaphore, #tpu.memory_space<semaphore_mem>>) src(%arg8 : memref<128x128xf32, #tpu.memory_space<vmem>>) dst(%dma_wait3A_47 : memref<128x128xf32, #tpu.memory_space<hbm>>)
        tpu.yield
      }) : () -> ()
      %scan3A_41 = arith.constant 0 : i32
      scf.yield %scan3A_41 : i32
    }
    %scan3A_30 = arith.constant 5 : i32
    return
  }
}

#map = affine_map<(d0, d1) -> (0, 0)>
module attributes {stable_mosaic.version = 14 : i64} {
  func.func @sc_agg128(%arg0: i32, %arg1: i32, %arg2: memref<10240x128xf32, #tpu.memory_space<hbm>>, %arg3: memref<2560x128xi32, #tpu.memory_space<hbm>>, %arg4: memref<2560x128xi32, #tpu.memory_space<hbm>>, %arg5: memref<20480x128xf32, #tpu.memory_space<hbm>>, %arg6: memref<16x128xi32, #tpu.memory_space<vmem>>, %arg7: memref<16x128xi32, #tpu.memory_space<vmem>>, %arg8: memref<128x128xf32, #tpu.memory_space<vmem>>, %arg9: memref<10240x128xf32, #tpu.memory_space<vmem_shared>>, %arg10: memref<!tpu.dma_semaphore, #tpu.memory_space<semaphore_mem>>) attributes {dimension_semantics = [#tpu.dimension_semantics<core_parallel>, #tpu.dimension_semantics<subcore_parallel>], iteration_bounds = array<i64: 2, 16>, scalar_prefetch = 0 : i64, scratch_operands = 5 : i64, tpu.core_type = #tpu.core_type<sc_vector_subcore>, window_params = [{transform_indices = #map}, {transform_indices = #map}, {transform_indices = #map}, {transform_indices = #map}]} {
    %mul3A = arith.constant 2 : i32
    %mul3A_0 = arith.muli %arg1, %mul3A : i32
    %add3A = arith.addi %mul3A_0, %arg0 : i32
    %mul3A_1 = arith.constant 80 : i32
    %mul3A_2 = arith.muli %add3A, %mul3A_1 : i32
    %scan3A = arith.constant 0 : i32
    %scan3A_3 = arith.constant 0 : i32
    %scan3A_4 = arith.constant 128 : i32
    %scan3A_5 = arith.addi %scan3A_3, %scan3A_4 : i32
    %scan3A_6 = arith.constant 1 : i32
    %scan3A_7 = scf.for %scan3A_31 = %scan3A_3 to %scan3A_5 step %scan3A_6 iter_args(%scan3A_32 = %scan3A) -> (i32)  : i32 {
      %broadcast_in_dim3A = arith.constant 0.000000e+00 : f32
      %broadcast_in_dim3A_33 = vector.broadcast %broadcast_in_dim3A : f32 to vector<16xf32>
      %swap3A = arith.index_cast %scan3A_31 : i32 to index
      %swap3A_34 = arith.constant 0 : index
      %swap3A_35 = tpu.vector_load %arg8[%swap3A, %swap3A_34] {strides = array<i32>} : memref<128x128xf32, #tpu.memory_space<vmem>>, vector<1x16xf32>,
      %swap3A_36 = vector.shape_cast %swap3A_35 : vector<1x16xf32> to vector<16xf32>
      %swap3A_37 = vector.shape_cast %broadcast_in_dim3A_33 : vector<16xf32> to vector<1x16xf32>
      tpu.vector_store %arg8[%swap3A, %swap3A_34], %swap3A_37 {strides = array<i32>} : memref<128x128xf32, #tpu.memory_space<vmem>>, vector<1x16xf32>,
      %broadcast_in_dim3A_38 = arith.constant 0.000000e+00 : f32
      %broadcast_in_dim3A_39 = vector.broadcast %broadcast_in_dim3A_38 : f32 to vector<16xf32>
      %swap3A_40 = arith.index_cast %scan3A_31 : i32 to index
      %swap3A_41 = arith.constant 16 : index
      %swap3A_42 = tpu.vector_load %arg8[%swap3A_40, %swap3A_41] {strides = array<i32>} : memref<128x128xf32, #tpu.memory_space<vmem>>, vector<1x16xf32>,
      %swap3A_43 = vector.shape_cast %swap3A_42 : vector<1x16xf32> to vector<16xf32>
      %swap3A_44 = vector.shape_cast %broadcast_in_dim3A_39 : vector<16xf32> to vector<1x16xf32>
      tpu.vector_store %arg8[%swap3A_40, %swap3A_41], %swap3A_44 {strides = array<i32>} : memref<128x128xf32, #tpu.memory_space<vmem>>, vector<1x16xf32>,
      %broadcast_in_dim3A_45 = arith.constant 0.000000e+00 : f32
      %broadcast_in_dim3A_46 = vector.broadcast %broadcast_in_dim3A_45 : f32 to vector<16xf32>
      %swap3A_47 = arith.index_cast %scan3A_31 : i32 to index
      %swap3A_48 = arith.constant 32 : index
      %swap3A_49 = tpu.vector_load %arg8[%swap3A_47, %swap3A_48] {strides = array<i32>} : memref<128x128xf32, #tpu.memory_space<vmem>>, vector<1x16xf32>,
      %swap3A_50 = vector.shape_cast %swap3A_49 : vector<1x16xf32> to vector<16xf32>
      %swap3A_51 = vector.shape_cast %broadcast_in_dim3A_46 : vector<16xf32> to vector<1x16xf32>
      tpu.vector_store %arg8[%swap3A_47, %swap3A_48], %swap3A_51 {strides = array<i32>} : memref<128x128xf32, #tpu.memory_space<vmem>>, vector<1x16xf32>,
      %broadcast_in_dim3A_52 = arith.constant 0.000000e+00 : f32
      %broadcast_in_dim3A_53 = vector.broadcast %broadcast_in_dim3A_52 : f32 to vector<16xf32>
      %swap3A_54 = arith.index_cast %scan3A_31 : i32 to index
      %swap3A_55 = arith.constant 48 : index
      %swap3A_56 = tpu.vector_load %arg8[%swap3A_54, %swap3A_55] {strides = array<i32>} : memref<128x128xf32, #tpu.memory_space<vmem>>, vector<1x16xf32>,
      %swap3A_57 = vector.shape_cast %swap3A_56 : vector<1x16xf32> to vector<16xf32>
      %swap3A_58 = vector.shape_cast %broadcast_in_dim3A_53 : vector<16xf32> to vector<1x16xf32>
      tpu.vector_store %arg8[%swap3A_54, %swap3A_55], %swap3A_58 {strides = array<i32>} : memref<128x128xf32, #tpu.memory_space<vmem>>, vector<1x16xf32>,
      %broadcast_in_dim3A_59 = arith.constant 0.000000e+00 : f32
      %broadcast_in_dim3A_60 = vector.broadcast %broadcast_in_dim3A_59 : f32 to vector<16xf32>
      %swap3A_61 = arith.index_cast %scan3A_31 : i32 to index
      %swap3A_62 = arith.constant 64 : index
      %swap3A_63 = tpu.vector_load %arg8[%swap3A_61, %swap3A_62] {strides = array<i32>} : memref<128x128xf32, #tpu.memory_space<vmem>>, vector<1x16xf32>,
      %swap3A_64 = vector.shape_cast %swap3A_63 : vector<1x16xf32> to vector<16xf32>
      %swap3A_65 = vector.shape_cast %broadcast_in_dim3A_60 : vector<16xf32> to vector<1x16xf32>
      tpu.vector_store %arg8[%swap3A_61, %swap3A_62], %swap3A_65 {strides = array<i32>} : memref<128x128xf32, #tpu.memory_space<vmem>>, vector<1x16xf32>,
      %broadcast_in_dim3A_66 = arith.constant 0.000000e+00 : f32
      %broadcast_in_dim3A_67 = vector.broadcast %broadcast_in_dim3A_66 : f32 to vector<16xf32>
      %swap3A_68 = arith.index_cast %scan3A_31 : i32 to index
      %swap3A_69 = arith.constant 80 : index
      %swap3A_70 = tpu.vector_load %arg8[%swap3A_68, %swap3A_69] {strides = array<i32>} : memref<128x128xf32, #tpu.memory_space<vmem>>, vector<1x16xf32>,
      %swap3A_71 = vector.shape_cast %swap3A_70 : vector<1x16xf32> to vector<16xf32>
      %swap3A_72 = vector.shape_cast %broadcast_in_dim3A_67 : vector<16xf32> to vector<1x16xf32>
      tpu.vector_store %arg8[%swap3A_68, %swap3A_69], %swap3A_72 {strides = array<i32>} : memref<128x128xf32, #tpu.memory_space<vmem>>, vector<1x16xf32>,
      %broadcast_in_dim3A_73 = arith.constant 0.000000e+00 : f32
      %broadcast_in_dim3A_74 = vector.broadcast %broadcast_in_dim3A_73 : f32 to vector<16xf32>
      %swap3A_75 = arith.index_cast %scan3A_31 : i32 to index
      %swap3A_76 = arith.constant 96 : index
      %swap3A_77 = tpu.vector_load %arg8[%swap3A_75, %swap3A_76] {strides = array<i32>} : memref<128x128xf32, #tpu.memory_space<vmem>>, vector<1x16xf32>,
      %swap3A_78 = vector.shape_cast %swap3A_77 : vector<1x16xf32> to vector<16xf32>
      %swap3A_79 = vector.shape_cast %broadcast_in_dim3A_74 : vector<16xf32> to vector<1x16xf32>
      tpu.vector_store %arg8[%swap3A_75, %swap3A_76], %swap3A_79 {strides = array<i32>} : memref<128x128xf32, #tpu.memory_space<vmem>>, vector<1x16xf32>,
      %broadcast_in_dim3A_80 = arith.constant 0.000000e+00 : f32
      %broadcast_in_dim3A_81 = vector.broadcast %broadcast_in_dim3A_80 : f32 to vector<16xf32>
      %swap3A_82 = arith.index_cast %scan3A_31 : i32 to index
      %swap3A_83 = arith.constant 112 : index
      %swap3A_84 = tpu.vector_load %arg8[%swap3A_82, %swap3A_83] {strides = array<i32>} : memref<128x128xf32, #tpu.memory_space<vmem>>, vector<1x16xf32>,
      %swap3A_85 = vector.shape_cast %swap3A_84 : vector<1x16xf32> to vector<16xf32>
      %swap3A_86 = vector.shape_cast %broadcast_in_dim3A_81 : vector<16xf32> to vector<1x16xf32>
      tpu.vector_store %arg8[%swap3A_82, %swap3A_83], %swap3A_86 {strides = array<i32>} : memref<128x128xf32, #tpu.memory_space<vmem>>, vector<1x16xf32>,
      %scan3A_87 = arith.constant 0 : i32
      scf.yield %scan3A_87 : i32
    }
    %scan3A_8 = arith.constant 128 : i32
    %scan3A_9 = arith.constant 0 : i32
    %scan3A_10 = arith.constant 0 : i32
    %scan3A_11 = arith.constant 5 : i32
    %scan3A_12 = arith.addi %scan3A_10, %scan3A_11 : i32
    %scan3A_13 = arith.constant 1 : i32
    %scan3A_14 = scf.for %scan3A_31 = %scan3A_10 to %scan3A_12 step %scan3A_13 iter_args(%scan3A_32 = %scan3A_9) -> (i32)  : i32 {
      %mul3A_33 = arith.constant 640 : i32
      %mul3A_34 = arith.muli %arg1, %mul3A_33 : i32
      %mul3A_35 = arith.constant 128 : i32
      %mul3A_36 = arith.muli %scan3A_31, %mul3A_35 : i32
      %add3A_37 = arith.addi %mul3A_34, %mul3A_36 : i32
      "tpu.region"() ({
        %run_scoped3A = tpu.sem_alloc : memref<!tpu.dma_semaphore, #tpu.memory_space<semaphore_mem>>
        %dma_start3A = arith.constant 0 : i32
        %dma_start3A_39 = tpu.memref_slice %arg9[%add3A_37, %dma_start3A] : memref<10240x128xf32, #tpu.memory_space<vmem_shared>> -> memref<128x128xf32, #tpu.memory_space<vmem_shared>>
        %dma_start3A_40 = arith.constant 0 : i32
        %dma_start3A_41 = tpu.memref_slice %arg9[%add3A_37, %dma_start3A_40] : memref<10240x128xf32, #tpu.memory_space<vmem_shared>> -> memref<128x128xf32, #tpu.memory_space<vmem_shared>>
        tpu.enqueue_dma source(%arg8 : memref<128x128xf32, #tpu.memory_space<vmem>>) target(%dma_start3A_41 : memref<128x128xf32, #tpu.memory_space<vmem_shared>>) target_semaphore(%run_scoped3A : memref<!tpu.dma_semaphore, #tpu.memory_space<semaphore_mem>>)
        %dma_wait3A = arith.constant 0 : i32
        %dma_wait3A_42 = tpu.memref_slice %arg9[%add3A_37, %dma_wait3A] : memref<10240x128xf32, #tpu.memory_space<vmem_shared>> -> memref<128x128xf32, #tpu.memory_space<vmem_shared>>
        %dma_wait3A_43 = arith.constant 0 : i32
        %dma_wait3A_44 = tpu.memref_slice %arg9[%add3A_37, %dma_wait3A_43] : memref<10240x128xf32, #tpu.memory_space<vmem_shared>> -> memref<128x128xf32, #tpu.memory_space<vmem_shared>>
        tpu.wait_dma2 semaphore(%run_scoped3A : memref<!tpu.dma_semaphore, #tpu.memory_space<semaphore_mem>>) src(%arg8 : memref<128x128xf32, #tpu.memory_space<vmem>>) dst(%dma_wait3A_44 : memref<128x128xf32, #tpu.memory_space<vmem_shared>>)
        tpu.yield
      }) : () -> ()
      %scan3A_38 = arith.constant 0 : i32
      scf.yield %scan3A_38 : i32
    }
    %scan3A_15 = arith.constant 5 : i32
    %barrier3A = arith.constant 0 : index
    tpu.barrier barrier_id(%barrier3A)
    %scan3A_16 = arith.constant 0 : i32
    %scan3A_17 = arith.constant 0 : i32
    %scan3A_18 = arith.constant 5 : i32
    %scan3A_19 = arith.addi %scan3A_17, %scan3A_18 : i32
    %scan3A_20 = arith.constant 1 : i32
    %scan3A_21 = scf.for %scan3A_31 = %scan3A_17 to %scan3A_19 step %scan3A_20 iter_args(%scan3A_32 = %scan3A_16) -> (i32)  : i32 {
      %mul3A_33 = arith.constant 16 : i32
      %mul3A_34 = arith.muli %scan3A_31, %mul3A_33 : i32
      %add3A_35 = arith.addi %mul3A_2, %mul3A_34 : i32
      "tpu.region"() ({
        %run_scoped3A = tpu.sem_alloc : memref<!tpu.dma_semaphore, #tpu.memory_space<semaphore_mem>>
        %dma_start3A = arith.constant 0 : i32
        %dma_start3A_47 = tpu.memref_slice %arg3[%add3A_35, %dma_start3A] : memref<2560x128xi32, #tpu.memory_space<hbm>> -> memref<16x128xi32, #tpu.memory_space<hbm>>
        %dma_start3A_48 = arith.constant 0 : i32
        %dma_start3A_49 = tpu.memref_slice %arg3[%add3A_35, %dma_start3A_48] : memref<2560x128xi32, #tpu.memory_space<hbm>> -> memref<16x128xi32, #tpu.memory_space<hbm>>
        tpu.enqueue_dma source(%dma_start3A_49 : memref<16x128xi32, #tpu.memory_space<hbm>>) target(%arg6 : memref<16x128xi32, #tpu.memory_space<vmem>>) target_semaphore(%run_scoped3A : memref<!tpu.dma_semaphore, #tpu.memory_space<semaphore_mem>>)
        %dma_wait3A = arith.constant 0 : i32
        %dma_wait3A_50 = tpu.memref_slice %arg3[%add3A_35, %dma_wait3A] : memref<2560x128xi32, #tpu.memory_space<hbm>> -> memref<16x128xi32, #tpu.memory_space<hbm>>
        %dma_wait3A_51 = arith.constant 0 : i32
        %dma_wait3A_52 = tpu.memref_slice %arg3[%add3A_35, %dma_wait3A_51] : memref<2560x128xi32, #tpu.memory_space<hbm>> -> memref<16x128xi32, #tpu.memory_space<hbm>>
        tpu.wait_dma2 semaphore(%run_scoped3A : memref<!tpu.dma_semaphore, #tpu.memory_space<semaphore_mem>>) src(%dma_wait3A_52 : memref<16x128xi32, #tpu.memory_space<hbm>>) dst(%arg6 : memref<16x128xi32, #tpu.memory_space<vmem>>)
        tpu.yield
      }) : () -> ()
      %mul3A_36 = arith.constant 16 : i32
      %mul3A_37 = arith.muli %scan3A_31, %mul3A_36 : i32
      %add3A_38 = arith.addi %mul3A_2, %mul3A_37 : i32
      "tpu.region"() ({
        %run_scoped3A = tpu.sem_alloc : memref<!tpu.dma_semaphore, #tpu.memory_space<semaphore_mem>>
        %dma_start3A = arith.constant 0 : i32
        %dma_start3A_47 = tpu.memref_slice %arg4[%add3A_38, %dma_start3A] : memref<2560x128xi32, #tpu.memory_space<hbm>> -> memref<16x128xi32, #tpu.memory_space<hbm>>
        %dma_start3A_48 = arith.constant 0 : i32
        %dma_start3A_49 = tpu.memref_slice %arg4[%add3A_38, %dma_start3A_48] : memref<2560x128xi32, #tpu.memory_space<hbm>> -> memref<16x128xi32, #tpu.memory_space<hbm>>
        tpu.enqueue_dma source(%dma_start3A_49 : memref<16x128xi32, #tpu.memory_space<hbm>>) target(%arg7 : memref<16x128xi32, #tpu.memory_space<vmem>>) target_semaphore(%run_scoped3A : memref<!tpu.dma_semaphore, #tpu.memory_space<semaphore_mem>>)
        %dma_wait3A = arith.constant 0 : i32
        %dma_wait3A_50 = tpu.memref_slice %arg4[%add3A_38, %dma_wait3A] : memref<2560x128xi32, #tpu.memory_space<hbm>> -> memref<16x128xi32, #tpu.memory_space<hbm>>
        %dma_wait3A_51 = arith.constant 0 : i32
        %dma_wait3A_52 = tpu.memref_slice %arg4[%add3A_38, %dma_wait3A_51] : memref<2560x128xi32, #tpu.memory_space<hbm>> -> memref<16x128xi32, #tpu.memory_space<hbm>>
        tpu.wait_dma2 semaphore(%run_scoped3A : memref<!tpu.dma_semaphore, #tpu.memory_space<semaphore_mem>>) src(%dma_wait3A_52 : memref<16x128xi32, #tpu.memory_space<hbm>>) dst(%arg7 : memref<16x128xi32, #tpu.memory_space<vmem>>)
        tpu.yield
      }) : () -> ()
      %scan3A_39 = arith.constant 0 : i32
      %scan3A_40 = arith.constant 0 : i32
      %scan3A_41 = arith.constant 16 : i32
      %scan3A_42 = arith.addi %scan3A_40, %scan3A_41 : i32
      %scan3A_43 = arith.constant 1 : i32
      %scan3A_44 = scf.for %scan3A_47 = %scan3A_40 to %scan3A_42 step %scan3A_43 iter_args(%scan3A_48 = %scan3A_39) -> (i32)  : i32 {
        %dma_start3A = arith.constant 0 : i32
        %dma_start3A_49 = tpu.memref_slice %arg6[%scan3A_47, %dma_start3A] : memref<16x128xi32, #tpu.memory_space<vmem>> -> memref<1x128xi32, #tpu.memory_space<vmem>>
        %dma_start3A_50 = tpu.memref_squeeze %dma_start3A_49 : memref<1x128xi32, #tpu.memory_space<vmem>> -> memref<128xi32, #tpu.memory_space<vmem>>
        %dma_start3A_51 = arith.constant 0 : i32
        %dma_start3A_52 = arith.constant 0 : i32
        %dma_start3A_53 = tpu.memref_slice %arg2[%dma_start3A_51, %dma_start3A_52] : memref<10240x128xf32, #tpu.memory_space<hbm>> -> memref<10240x128xf32, #tpu.memory_space<hbm>>
        tpu.enqueue_indirect_dma source(%dma_start3A_53 : memref<10240x128xf32, #tpu.memory_space<hbm>>) target(%arg8 : memref<128x128xf32, #tpu.memory_space<vmem>>) offsets(%dma_start3A_50 : memref<128xi32, #tpu.memory_space<vmem>>) semaphore(%arg10 : memref<!tpu.dma_semaphore, #tpu.memory_space<semaphore_mem>>)
        %dma_wait3A = arith.constant 0 : i32
        %dma_wait3A_54 = tpu.memref_slice %arg6[%scan3A_47, %dma_wait3A] : memref<16x128xi32, #tpu.memory_space<vmem>> -> memref<1x128xi32, #tpu.memory_space<vmem>>
        %dma_wait3A_55 = tpu.memref_squeeze %dma_wait3A_54 : memref<1x128xi32, #tpu.memory_space<vmem>> -> memref<128xi32, #tpu.memory_space<vmem>>
        %dma_wait3A_56 = arith.constant 0 : i32
        %dma_wait3A_57 = arith.constant 0 : i32
        %dma_wait3A_58 = tpu.memref_slice %arg2[%dma_wait3A_56, %dma_wait3A_57] : memref<10240x128xf32, #tpu.memory_space<hbm>> -> memref<10240x128xf32, #tpu.memory_space<hbm>>
        tpu.wait_indirect_dma semaphore(%arg10 : memref<!tpu.dma_semaphore, #tpu.memory_space<semaphore_mem>>) src(%dma_wait3A_58 : memref<10240x128xf32, #tpu.memory_space<hbm>>) dst(%arg8 : memref<128x128xf32, #tpu.memory_space<vmem>>)
        "tpu.region"() ({
          %run_scoped3A = tpu.sem_alloc : memref<!tpu.dma_semaphore, #tpu.memory_space<semaphore_mem>>
          %dma_start3A_60 = arith.constant 0 : i32
          %dma_start3A_61 = tpu.memref_slice %arg7[%scan3A_47, %dma_start3A_60] : memref<16x128xi32, #tpu.memory_space<vmem>> -> memref<1x128xi32, #tpu.memory_space<vmem>>
          %dma_start3A_62 = tpu.memref_squeeze %dma_start3A_61 : memref<1x128xi32, #tpu.memory_space<vmem>> -> memref<128xi32, #tpu.memory_space<vmem>>
          %dma_start3A_63 = arith.constant 0 : i32
          %dma_start3A_64 = arith.constant 0 : i32
          %dma_start3A_65 = tpu.memref_slice %arg9[%dma_start3A_63, %dma_start3A_64] : memref<10240x128xf32, #tpu.memory_space<vmem_shared>> -> memref<10240x128xf32, #tpu.memory_space<vmem_shared>>
          tpu.enqueue_indirect_dma source(%arg8 : memref<128x128xf32, #tpu.memory_space<vmem>>) target(%dma_start3A_65 : memref<10240x128xf32, #tpu.memory_space<vmem_shared>>) offsets(%dma_start3A_62 : memref<128xi32, #tpu.memory_space<vmem>>) semaphore(%run_scoped3A : memref<!tpu.dma_semaphore, #tpu.memory_space<semaphore_mem>>) {add = true}
          %dma_wait3A_66 = arith.constant 0 : i32
          %dma_wait3A_67 = tpu.memref_slice %arg7[%scan3A_47, %dma_wait3A_66] : memref<16x128xi32, #tpu.memory_space<vmem>> -> memref<1x128xi32, #tpu.memory_space<vmem>>
          %dma_wait3A_68 = tpu.memref_squeeze %dma_wait3A_67 : memref<1x128xi32, #tpu.memory_space<vmem>> -> memref<128xi32, #tpu.memory_space<vmem>>
          %dma_wait3A_69 = arith.constant 0 : i32
          %dma_wait3A_70 = arith.constant 0 : i32
          %dma_wait3A_71 = tpu.memref_slice %arg9[%dma_wait3A_69, %dma_wait3A_70] : memref<10240x128xf32, #tpu.memory_space<vmem_shared>> -> memref<10240x128xf32, #tpu.memory_space<vmem_shared>>
          tpu.wait_indirect_dma semaphore(%run_scoped3A : memref<!tpu.dma_semaphore, #tpu.memory_space<semaphore_mem>>) src(%arg8 : memref<128x128xf32, #tpu.memory_space<vmem>>) dst(%dma_wait3A_71 : memref<10240x128xf32, #tpu.memory_space<vmem_shared>>)
          tpu.yield
        }) : () -> ()
        %scan3A_59 = arith.constant 0 : i32
        scf.yield %scan3A_59 : i32
      }
      %scan3A_45 = arith.constant 16 : i32
      %scan3A_46 = arith.constant 0 : i32
      scf.yield %scan3A_46 : i32
    }
    %scan3A_22 = arith.constant 5 : i32
    %barrier3A_23 = arith.constant 0 : index
    tpu.barrier barrier_id(%barrier3A_23)
    %scan3A_24 = arith.constant 0 : i32
    %scan3A_25 = arith.constant 0 : i32
    %scan3A_26 = arith.constant 5 : i32
    %scan3A_27 = arith.addi %scan3A_25, %scan3A_26 : i32
    %scan3A_28 = arith.constant 1 : i32
    %scan3A_29 = scf.for %scan3A_31 = %scan3A_25 to %scan3A_27 step %scan3A_28 iter_args(%scan3A_32 = %scan3A_24) -> (i32)  : i32 {
      %mul3A_33 = arith.constant 640 : i32
      %mul3A_34 = arith.muli %arg1, %mul3A_33 : i32
      %mul3A_35 = arith.constant 128 : i32
      %mul3A_36 = arith.muli %scan3A_31, %mul3A_35 : i32
      %add3A_37 = arith.addi %mul3A_34, %mul3A_36 : i32
      "tpu.region"() ({
        %run_scoped3A = tpu.sem_alloc : memref<!tpu.dma_semaphore, #tpu.memory_space<semaphore_mem>>
        %dma_start3A = arith.constant 0 : i32
        %dma_start3A_42 = tpu.memref_slice %arg9[%add3A_37, %dma_start3A] : memref<10240x128xf32, #tpu.memory_space<vmem_shared>> -> memref<128x128xf32, #tpu.memory_space<vmem_shared>>
        %dma_start3A_43 = arith.constant 0 : i32
        %dma_start3A_44 = tpu.memref_slice %arg9[%add3A_37, %dma_start3A_43] : memref<10240x128xf32, #tpu.memory_space<vmem_shared>> -> memref<128x128xf32, #tpu.memory_space<vmem_shared>>
        tpu.enqueue_dma source(%dma_start3A_44 : memref<128x128xf32, #tpu.memory_space<vmem_shared>>) target(%arg8 : memref<128x128xf32, #tpu.memory_space<vmem>>) target_semaphore(%run_scoped3A : memref<!tpu.dma_semaphore, #tpu.memory_space<semaphore_mem>>)
        %dma_wait3A = arith.constant 0 : i32
        %dma_wait3A_45 = tpu.memref_slice %arg9[%add3A_37, %dma_wait3A] : memref<10240x128xf32, #tpu.memory_space<vmem_shared>> -> memref<128x128xf32, #tpu.memory_space<vmem_shared>>
        %dma_wait3A_46 = arith.constant 0 : i32
        %dma_wait3A_47 = tpu.memref_slice %arg9[%add3A_37, %dma_wait3A_46] : memref<10240x128xf32, #tpu.memory_space<vmem_shared>> -> memref<128x128xf32, #tpu.memory_space<vmem_shared>>
        tpu.wait_dma2 semaphore(%run_scoped3A : memref<!tpu.dma_semaphore, #tpu.memory_space<semaphore_mem>>) src(%dma_wait3A_47 : memref<128x128xf32, #tpu.memory_space<vmem_shared>>) dst(%arg8 : memref<128x128xf32, #tpu.memory_space<vmem>>)
        tpu.yield
      }) : () -> ()
      %mul3A_38 = arith.constant 10240 : i32
      %mul3A_39 = arith.muli %arg0, %mul3A_38 : i32
      %add3A_40 = arith.addi %mul3A_39, %add3A_37 : i32
      "tpu.region"() ({
        %run_scoped3A = tpu.sem_alloc : memref<!tpu.dma_semaphore, #tpu.memory_space<semaphore_mem>>
        %dma_start3A = arith.constant 0 : i32
        %dma_start3A_42 = tpu.memref_slice %arg5[%add3A_40, %dma_start3A] : memref<20480x128xf32, #tpu.memory_space<hbm>> -> memref<128x128xf32, #tpu.memory_space<hbm>>
        %dma_start3A_43 = arith.constant 0 : i32
        %dma_start3A_44 = tpu.memref_slice %arg5[%add3A_40, %dma_start3A_43] : memref<20480x128xf32, #tpu.memory_space<hbm>> -> memref<128x128xf32, #tpu.memory_space<hbm>>
        tpu.enqueue_dma source(%arg8 : memref<128x128xf32, #tpu.memory_space<vmem>>) target(%dma_start3A_44 : memref<128x128xf32, #tpu.memory_space<hbm>>) target_semaphore(%run_scoped3A : memref<!tpu.dma_semaphore, #tpu.memory_space<semaphore_mem>>)
        %dma_wait3A = arith.constant 0 : i32
        %dma_wait3A_45 = tpu.memref_slice %arg5[%add3A_40, %dma_wait3A] : memref<20480x128xf32, #tpu.memory_space<hbm>> -> memref<128x128xf32, #tpu.memory_space<hbm>>
        %dma_wait3A_46 = arith.constant 0 : i32
        %dma_wait3A_47 = tpu.memref_slice %arg5[%add3A_40, %dma_wait3A_46] : memref<20480x128xf32, #tpu.memory_space<hbm>> -> memref<128x128xf32, #tpu.memory_space<hbm>>
        tpu.wait_dma2 semaphore(%run_scoped3A : memref<!tpu.dma_semaphore, #tpu.memory_space<semaphore_mem>>) src(%arg8 : memref<128x128xf32, #tpu.memory_space<vmem>>) dst(%dma_wait3A_47 : memref<128x128xf32, #tpu.memory_space<hbm>>)
        tpu.yield
      }) : () -> ()
      %scan3A_41 = arith.constant 0 : i32
      scf.yield %scan3A_41 : i32
    }
    %scan3A_30 = arith.constant 5 : i32
    return
  }
}

#map = affine_map<(d0, d1) -> (0, 0)>
module attributes {stable_mosaic.version = 14 : i64} {
  func.func @sc_deg(%arg0: i32, %arg1: i32, %arg2: memref<2560x128xi32, #tpu.memory_space<hbm>>, %arg3: memref<20480x128xf32, #tpu.memory_space<hbm>>, %arg4: memref<16x128xi32, #tpu.memory_space<vmem>>, %arg5: memref<128x128xf32, #tpu.memory_space<vmem>>, %arg6: memref<10240x128xf32, #tpu.memory_space<vmem_shared>>) attributes {dimension_semantics = [#tpu.dimension_semantics<core_parallel>, #tpu.dimension_semantics<subcore_parallel>], iteration_bounds = array<i64: 2, 16>, scalar_prefetch = 0 : i64, scratch_operands = 3 : i64, tpu.core_type = #tpu.core_type<sc_vector_subcore>, window_params = [{transform_indices = #map}, {transform_indices = #map}]} {
    %mul3A = arith.constant 2 : i32
    %mul3A_0 = arith.muli %arg1, %mul3A : i32
    %add3A = arith.addi %mul3A_0, %arg0 : i32
    %mul3A_1 = arith.constant 80 : i32
    %mul3A_2 = arith.muli %add3A, %mul3A_1 : i32
    %scan3A = arith.constant 0 : i32
    %scan3A_3 = arith.constant 0 : i32
    %scan3A_4 = arith.constant 128 : i32
    %scan3A_5 = arith.addi %scan3A_3, %scan3A_4 : i32
    %scan3A_6 = arith.constant 1 : i32
    %scan3A_7 = scf.for %scan3A_38 = %scan3A_3 to %scan3A_5 step %scan3A_6 iter_args(%scan3A_39 = %scan3A) -> (i32)  : i32 {
      %broadcast_in_dim3A = arith.constant 0.000000e+00 : f32
      %broadcast_in_dim3A_40 = vector.broadcast %broadcast_in_dim3A : f32 to vector<16xf32>
      %swap3A = arith.index_cast %scan3A_38 : i32 to index
      %swap3A_41 = arith.constant 0 : index
      %swap3A_42 = tpu.vector_load %arg5[%swap3A, %swap3A_41] {strides = array<i32>} : memref<128x128xf32, #tpu.memory_space<vmem>>, vector<1x16xf32>,
      %swap3A_43 = vector.shape_cast %swap3A_42 : vector<1x16xf32> to vector<16xf32>
      %swap3A_44 = vector.shape_cast %broadcast_in_dim3A_40 : vector<16xf32> to vector<1x16xf32>
      tpu.vector_store %arg5[%swap3A, %swap3A_41], %swap3A_44 {strides = array<i32>} : memref<128x128xf32, #tpu.memory_space<vmem>>, vector<1x16xf32>,
      %broadcast_in_dim3A_45 = arith.constant 0.000000e+00 : f32
      %broadcast_in_dim3A_46 = vector.broadcast %broadcast_in_dim3A_45 : f32 to vector<16xf32>
      %swap3A_47 = arith.index_cast %scan3A_38 : i32 to index
      %swap3A_48 = arith.constant 16 : index
      %swap3A_49 = tpu.vector_load %arg5[%swap3A_47, %swap3A_48] {strides = array<i32>} : memref<128x128xf32, #tpu.memory_space<vmem>>, vector<1x16xf32>,
      %swap3A_50 = vector.shape_cast %swap3A_49 : vector<1x16xf32> to vector<16xf32>
      %swap3A_51 = vector.shape_cast %broadcast_in_dim3A_46 : vector<16xf32> to vector<1x16xf32>
      tpu.vector_store %arg5[%swap3A_47, %swap3A_48], %swap3A_51 {strides = array<i32>} : memref<128x128xf32, #tpu.memory_space<vmem>>, vector<1x16xf32>,
      %broadcast_in_dim3A_52 = arith.constant 0.000000e+00 : f32
      %broadcast_in_dim3A_53 = vector.broadcast %broadcast_in_dim3A_52 : f32 to vector<16xf32>
      %swap3A_54 = arith.index_cast %scan3A_38 : i32 to index
      %swap3A_55 = arith.constant 32 : index
      %swap3A_56 = tpu.vector_load %arg5[%swap3A_54, %swap3A_55] {strides = array<i32>} : memref<128x128xf32, #tpu.memory_space<vmem>>, vector<1x16xf32>,
      %swap3A_57 = vector.shape_cast %swap3A_56 : vector<1x16xf32> to vector<16xf32>
      %swap3A_58 = vector.shape_cast %broadcast_in_dim3A_53 : vector<16xf32> to vector<1x16xf32>
      tpu.vector_store %arg5[%swap3A_54, %swap3A_55], %swap3A_58 {strides = array<i32>} : memref<128x128xf32, #tpu.memory_space<vmem>>, vector<1x16xf32>,
      %broadcast_in_dim3A_59 = arith.constant 0.000000e+00 : f32
      %broadcast_in_dim3A_60 = vector.broadcast %broadcast_in_dim3A_59 : f32 to vector<16xf32>
      %swap3A_61 = arith.index_cast %scan3A_38 : i32 to index
      %swap3A_62 = arith.constant 48 : index
      %swap3A_63 = tpu.vector_load %arg5[%swap3A_61, %swap3A_62] {strides = array<i32>} : memref<128x128xf32, #tpu.memory_space<vmem>>, vector<1x16xf32>,
      %swap3A_64 = vector.shape_cast %swap3A_63 : vector<1x16xf32> to vector<16xf32>
      %swap3A_65 = vector.shape_cast %broadcast_in_dim3A_60 : vector<16xf32> to vector<1x16xf32>
      tpu.vector_store %arg5[%swap3A_61, %swap3A_62], %swap3A_65 {strides = array<i32>} : memref<128x128xf32, #tpu.memory_space<vmem>>, vector<1x16xf32>,
      %broadcast_in_dim3A_66 = arith.constant 0.000000e+00 : f32
      %broadcast_in_dim3A_67 = vector.broadcast %broadcast_in_dim3A_66 : f32 to vector<16xf32>
      %swap3A_68 = arith.index_cast %scan3A_38 : i32 to index
      %swap3A_69 = arith.constant 64 : index
      %swap3A_70 = tpu.vector_load %arg5[%swap3A_68, %swap3A_69] {strides = array<i32>} : memref<128x128xf32, #tpu.memory_space<vmem>>, vector<1x16xf32>,
      %swap3A_71 = vector.shape_cast %swap3A_70 : vector<1x16xf32> to vector<16xf32>
      %swap3A_72 = vector.shape_cast %broadcast_in_dim3A_67 : vector<16xf32> to vector<1x16xf32>
      tpu.vector_store %arg5[%swap3A_68, %swap3A_69], %swap3A_72 {strides = array<i32>} : memref<128x128xf32, #tpu.memory_space<vmem>>, vector<1x16xf32>,
      %broadcast_in_dim3A_73 = arith.constant 0.000000e+00 : f32
      %broadcast_in_dim3A_74 = vector.broadcast %broadcast_in_dim3A_73 : f32 to vector<16xf32>
      %swap3A_75 = arith.index_cast %scan3A_38 : i32 to index
      %swap3A_76 = arith.constant 80 : index
      %swap3A_77 = tpu.vector_load %arg5[%swap3A_75, %swap3A_76] {strides = array<i32>} : memref<128x128xf32, #tpu.memory_space<vmem>>, vector<1x16xf32>,
      %swap3A_78 = vector.shape_cast %swap3A_77 : vector<1x16xf32> to vector<16xf32>
      %swap3A_79 = vector.shape_cast %broadcast_in_dim3A_74 : vector<16xf32> to vector<1x16xf32>
      tpu.vector_store %arg5[%swap3A_75, %swap3A_76], %swap3A_79 {strides = array<i32>} : memref<128x128xf32, #tpu.memory_space<vmem>>, vector<1x16xf32>,
      %broadcast_in_dim3A_80 = arith.constant 0.000000e+00 : f32
      %broadcast_in_dim3A_81 = vector.broadcast %broadcast_in_dim3A_80 : f32 to vector<16xf32>
      %swap3A_82 = arith.index_cast %scan3A_38 : i32 to index
      %swap3A_83 = arith.constant 96 : index
      %swap3A_84 = tpu.vector_load %arg5[%swap3A_82, %swap3A_83] {strides = array<i32>} : memref<128x128xf32, #tpu.memory_space<vmem>>, vector<1x16xf32>,
      %swap3A_85 = vector.shape_cast %swap3A_84 : vector<1x16xf32> to vector<16xf32>
      %swap3A_86 = vector.shape_cast %broadcast_in_dim3A_81 : vector<16xf32> to vector<1x16xf32>
      tpu.vector_store %arg5[%swap3A_82, %swap3A_83], %swap3A_86 {strides = array<i32>} : memref<128x128xf32, #tpu.memory_space<vmem>>, vector<1x16xf32>,
      %broadcast_in_dim3A_87 = arith.constant 0.000000e+00 : f32
      %broadcast_in_dim3A_88 = vector.broadcast %broadcast_in_dim3A_87 : f32 to vector<16xf32>
      %swap3A_89 = arith.index_cast %scan3A_38 : i32 to index
      %swap3A_90 = arith.constant 112 : index
      %swap3A_91 = tpu.vector_load %arg5[%swap3A_89, %swap3A_90] {strides = array<i32>} : memref<128x128xf32, #tpu.memory_space<vmem>>, vector<1x16xf32>,
      %swap3A_92 = vector.shape_cast %swap3A_91 : vector<1x16xf32> to vector<16xf32>
      %swap3A_93 = vector.shape_cast %broadcast_in_dim3A_88 : vector<16xf32> to vector<1x16xf32>
      tpu.vector_store %arg5[%swap3A_89, %swap3A_90], %swap3A_93 {strides = array<i32>} : memref<128x128xf32, #tpu.memory_space<vmem>>, vector<1x16xf32>,
      %scan3A_94 = arith.constant 0 : i32
      scf.yield %scan3A_94 : i32
    }
    %scan3A_8 = arith.constant 128 : i32
    %scan3A_9 = arith.constant 0 : i32
    %scan3A_10 = arith.constant 0 : i32
    %scan3A_11 = arith.constant 5 : i32
    %scan3A_12 = arith.addi %scan3A_10, %scan3A_11 : i32
    %scan3A_13 = arith.constant 1 : i32
    %scan3A_14 = scf.for %scan3A_38 = %scan3A_10 to %scan3A_12 step %scan3A_13 iter_args(%scan3A_39 = %scan3A_9) -> (i32)  : i32 {
      %mul3A_40 = arith.constant 640 : i32
      %mul3A_41 = arith.muli %arg1, %mul3A_40 : i32
      %mul3A_42 = arith.constant 128 : i32
      %mul3A_43 = arith.muli %scan3A_38, %mul3A_42 : i32
      %add3A_44 = arith.addi %mul3A_41, %mul3A_43 : i32
      "tpu.region"() ({
        %run_scoped3A = tpu.sem_alloc : memref<!tpu.dma_semaphore, #tpu.memory_space<semaphore_mem>>
        %dma_start3A = arith.constant 0 : i32
        %dma_start3A_46 = tpu.memref_slice %arg6[%add3A_44, %dma_start3A] : memref<10240x128xf32, #tpu.memory_space<vmem_shared>> -> memref<128x128xf32, #tpu.memory_space<vmem_shared>>
        %dma_start3A_47 = arith.constant 0 : i32
        %dma_start3A_48 = tpu.memref_slice %arg6[%add3A_44, %dma_start3A_47] : memref<10240x128xf32, #tpu.memory_space<vmem_shared>> -> memref<128x128xf32, #tpu.memory_space<vmem_shared>>
        tpu.enqueue_dma source(%arg5 : memref<128x128xf32, #tpu.memory_space<vmem>>) target(%dma_start3A_48 : memref<128x128xf32, #tpu.memory_space<vmem_shared>>) target_semaphore(%run_scoped3A : memref<!tpu.dma_semaphore, #tpu.memory_space<semaphore_mem>>)
        %dma_wait3A = arith.constant 0 : i32
        %dma_wait3A_49 = tpu.memref_slice %arg6[%add3A_44, %dma_wait3A] : memref<10240x128xf32, #tpu.memory_space<vmem_shared>> -> memref<128x128xf32, #tpu.memory_space<vmem_shared>>
        %dma_wait3A_50 = arith.constant 0 : i32
        %dma_wait3A_51 = tpu.memref_slice %arg6[%add3A_44, %dma_wait3A_50] : memref<10240x128xf32, #tpu.memory_space<vmem_shared>> -> memref<128x128xf32, #tpu.memory_space<vmem_shared>>
        tpu.wait_dma2 semaphore(%run_scoped3A : memref<!tpu.dma_semaphore, #tpu.memory_space<semaphore_mem>>) src(%arg5 : memref<128x128xf32, #tpu.memory_space<vmem>>) dst(%dma_wait3A_51 : memref<128x128xf32, #tpu.memory_space<vmem_shared>>)
        tpu.yield
      }) : () -> ()
      %scan3A_45 = arith.constant 0 : i32
      scf.yield %scan3A_45 : i32
    }
    %scan3A_15 = arith.constant 5 : i32
    %scan3A_16 = arith.constant 0 : i32
    %scan3A_17 = arith.constant 0 : i32
    %scan3A_18 = arith.constant 128 : i32
    %scan3A_19 = arith.addi %scan3A_17, %scan3A_18 : i32
    %scan3A_20 = arith.constant 1 : i32
    %scan3A_21 = scf.for %scan3A_38 = %scan3A_17 to %scan3A_19 step %scan3A_20 iter_args(%scan3A_39 = %scan3A_16) -> (i32)  : i32 {
      %broadcast_in_dim3A = arith.constant 1.000000e+00 : f32
      %broadcast_in_dim3A_40 = vector.broadcast %broadcast_in_dim3A : f32 to vector<16xf32>
      %swap3A = arith.index_cast %scan3A_38 : i32 to index
      %swap3A_41 = arith.constant 0 : index
      %swap3A_42 = tpu.vector_load %arg5[%swap3A, %swap3A_41] {strides = array<i32>} : memref<128x128xf32, #tpu.memory_space<vmem>>, vector<1x16xf32>,
      %swap3A_43 = vector.shape_cast %swap3A_42 : vector<1x16xf32> to vector<16xf32>
      %swap3A_44 = vector.shape_cast %broadcast_in_dim3A_40 : vector<16xf32> to vector<1x16xf32>
      tpu.vector_store %arg5[%swap3A, %swap3A_41], %swap3A_44 {strides = array<i32>} : memref<128x128xf32, #tpu.memory_space<vmem>>, vector<1x16xf32>,
      %broadcast_in_dim3A_45 = arith.constant 1.000000e+00 : f32
      %broadcast_in_dim3A_46 = vector.broadcast %broadcast_in_dim3A_45 : f32 to vector<16xf32>
      %swap3A_47 = arith.index_cast %scan3A_38 : i32 to index
      %swap3A_48 = arith.constant 16 : index
      %swap3A_49 = tpu.vector_load %arg5[%swap3A_47, %swap3A_48] {strides = array<i32>} : memref<128x128xf32, #tpu.memory_space<vmem>>, vector<1x16xf32>,
      %swap3A_50 = vector.shape_cast %swap3A_49 : vector<1x16xf32> to vector<16xf32>
      %swap3A_51 = vector.shape_cast %broadcast_in_dim3A_46 : vector<16xf32> to vector<1x16xf32>
      tpu.vector_store %arg5[%swap3A_47, %swap3A_48], %swap3A_51 {strides = array<i32>} : memref<128x128xf32, #tpu.memory_space<vmem>>, vector<1x16xf32>,
      %broadcast_in_dim3A_52 = arith.constant 1.000000e+00 : f32
      %broadcast_in_dim3A_53 = vector.broadcast %broadcast_in_dim3A_52 : f32 to vector<16xf32>
      %swap3A_54 = arith.index_cast %scan3A_38 : i32 to index
      %swap3A_55 = arith.constant 32 : index
      %swap3A_56 = tpu.vector_load %arg5[%swap3A_54, %swap3A_55] {strides = array<i32>} : memref<128x128xf32, #tpu.memory_space<vmem>>, vector<1x16xf32>,
      %swap3A_57 = vector.shape_cast %swap3A_56 : vector<1x16xf32> to vector<16xf32>
      %swap3A_58 = vector.shape_cast %broadcast_in_dim3A_53 : vector<16xf32> to vector<1x16xf32>
      tpu.vector_store %arg5[%swap3A_54, %swap3A_55], %swap3A_58 {strides = array<i32>} : memref<128x128xf32, #tpu.memory_space<vmem>>, vector<1x16xf32>,
      %broadcast_in_dim3A_59 = arith.constant 1.000000e+00 : f32
      %broadcast_in_dim3A_60 = vector.broadcast %broadcast_in_dim3A_59 : f32 to vector<16xf32>
      %swap3A_61 = arith.index_cast %scan3A_38 : i32 to index
      %swap3A_62 = arith.constant 48 : index
      %swap3A_63 = tpu.vector_load %arg5[%swap3A_61, %swap3A_62] {strides = array<i32>} : memref<128x128xf32, #tpu.memory_space<vmem>>, vector<1x16xf32>,
      %swap3A_64 = vector.shape_cast %swap3A_63 : vector<1x16xf32> to vector<16xf32>
      %swap3A_65 = vector.shape_cast %broadcast_in_dim3A_60 : vector<16xf32> to vector<1x16xf32>
      tpu.vector_store %arg5[%swap3A_61, %swap3A_62], %swap3A_65 {strides = array<i32>} : memref<128x128xf32, #tpu.memory_space<vmem>>, vector<1x16xf32>,
      %broadcast_in_dim3A_66 = arith.constant 1.000000e+00 : f32
      %broadcast_in_dim3A_67 = vector.broadcast %broadcast_in_dim3A_66 : f32 to vector<16xf32>
      %swap3A_68 = arith.index_cast %scan3A_38 : i32 to index
      %swap3A_69 = arith.constant 64 : index
      %swap3A_70 = tpu.vector_load %arg5[%swap3A_68, %swap3A_69] {strides = array<i32>} : memref<128x128xf32, #tpu.memory_space<vmem>>, vector<1x16xf32>,
      %swap3A_71 = vector.shape_cast %swap3A_70 : vector<1x16xf32> to vector<16xf32>
      %swap3A_72 = vector.shape_cast %broadcast_in_dim3A_67 : vector<16xf32> to vector<1x16xf32>
      tpu.vector_store %arg5[%swap3A_68, %swap3A_69], %swap3A_72 {strides = array<i32>} : memref<128x128xf32, #tpu.memory_space<vmem>>, vector<1x16xf32>,
      %broadcast_in_dim3A_73 = arith.constant 1.000000e+00 : f32
      %broadcast_in_dim3A_74 = vector.broadcast %broadcast_in_dim3A_73 : f32 to vector<16xf32>
      %swap3A_75 = arith.index_cast %scan3A_38 : i32 to index
      %swap3A_76 = arith.constant 80 : index
      %swap3A_77 = tpu.vector_load %arg5[%swap3A_75, %swap3A_76] {strides = array<i32>} : memref<128x128xf32, #tpu.memory_space<vmem>>, vector<1x16xf32>,
      %swap3A_78 = vector.shape_cast %swap3A_77 : vector<1x16xf32> to vector<16xf32>
      %swap3A_79 = vector.shape_cast %broadcast_in_dim3A_74 : vector<16xf32> to vector<1x16xf32>
      tpu.vector_store %arg5[%swap3A_75, %swap3A_76], %swap3A_79 {strides = array<i32>} : memref<128x128xf32, #tpu.memory_space<vmem>>, vector<1x16xf32>,
      %broadcast_in_dim3A_80 = arith.constant 1.000000e+00 : f32
      %broadcast_in_dim3A_81 = vector.broadcast %broadcast_in_dim3A_80 : f32 to vector<16xf32>
      %swap3A_82 = arith.index_cast %scan3A_38 : i32 to index
      %swap3A_83 = arith.constant 96 : index
      %swap3A_84 = tpu.vector_load %arg5[%swap3A_82, %swap3A_83] {strides = array<i32>} : memref<128x128xf32, #tpu.memory_space<vmem>>, vector<1x16xf32>,
      %swap3A_85 = vector.shape_cast %swap3A_84 : vector<1x16xf32> to vector<16xf32>
      %swap3A_86 = vector.shape_cast %broadcast_in_dim3A_81 : vector<16xf32> to vector<1x16xf32>
      tpu.vector_store %arg5[%swap3A_82, %swap3A_83], %swap3A_86 {strides = array<i32>} : memref<128x128xf32, #tpu.memory_space<vmem>>, vector<1x16xf32>,
      %broadcast_in_dim3A_87 = arith.constant 1.000000e+00 : f32
      %broadcast_in_dim3A_88 = vector.broadcast %broadcast_in_dim3A_87 : f32 to vector<16xf32>
      %swap3A_89 = arith.index_cast %scan3A_38 : i32 to index
      %swap3A_90 = arith.constant 112 : index
      %swap3A_91 = tpu.vector_load %arg5[%swap3A_89, %swap3A_90] {strides = array<i32>} : memref<128x128xf32, #tpu.memory_space<vmem>>, vector<1x16xf32>,
      %swap3A_92 = vector.shape_cast %swap3A_91 : vector<1x16xf32> to vector<16xf32>
      %swap3A_93 = vector.shape_cast %broadcast_in_dim3A_88 : vector<16xf32> to vector<1x16xf32>
      tpu.vector_store %arg5[%swap3A_89, %swap3A_90], %swap3A_93 {strides = array<i32>} : memref<128x128xf32, #tpu.memory_space<vmem>>, vector<1x16xf32>,
      %scan3A_94 = arith.constant 0 : i32
      scf.yield %scan3A_94 : i32
    }
    %scan3A_22 = arith.constant 128 : i32
    %barrier3A = arith.constant 0 : index
    tpu.barrier barrier_id(%barrier3A)
    %scan3A_23 = arith.constant 0 : i32
    %scan3A_24 = arith.constant 0 : i32
    %scan3A_25 = arith.constant 5 : i32
    %scan3A_26 = arith.addi %scan3A_24, %scan3A_25 : i32
    %scan3A_27 = arith.constant 1 : i32
    %scan3A_28 = scf.for %scan3A_38 = %scan3A_24 to %scan3A_26 step %scan3A_27 iter_args(%scan3A_39 = %scan3A_23) -> (i32)  : i32 {
      %mul3A_40 = arith.constant 16 : i32
      %mul3A_41 = arith.muli %scan3A_38, %mul3A_40 : i32
      %add3A_42 = arith.addi %mul3A_2, %mul3A_41 : i32
      "tpu.region"() ({
        %run_scoped3A = tpu.sem_alloc : memref<!tpu.dma_semaphore, #tpu.memory_space<semaphore_mem>>
        %dma_start3A = arith.constant 0 : i32
        %dma_start3A_51 = tpu.memref_slice %arg2[%add3A_42, %dma_start3A] : memref<2560x128xi32, #tpu.memory_space<hbm>> -> memref<16x128xi32, #tpu.memory_space<hbm>>
        %dma_start3A_52 = arith.constant 0 : i32
        %dma_start3A_53 = tpu.memref_slice %arg2[%add3A_42, %dma_start3A_52] : memref<2560x128xi32, #tpu.memory_space<hbm>> -> memref<16x128xi32, #tpu.memory_space<hbm>>
        tpu.enqueue_dma source(%dma_start3A_53 : memref<16x128xi32, #tpu.memory_space<hbm>>) target(%arg4 : memref<16x128xi32, #tpu.memory_space<vmem>>) target_semaphore(%run_scoped3A : memref<!tpu.dma_semaphore, #tpu.memory_space<semaphore_mem>>)
        %dma_wait3A = arith.constant 0 : i32
        %dma_wait3A_54 = tpu.memref_slice %arg2[%add3A_42, %dma_wait3A] : memref<2560x128xi32, #tpu.memory_space<hbm>> -> memref<16x128xi32, #tpu.memory_space<hbm>>
        %dma_wait3A_55 = arith.constant 0 : i32
        %dma_wait3A_56 = tpu.memref_slice %arg2[%add3A_42, %dma_wait3A_55] : memref<2560x128xi32, #tpu.memory_space<hbm>> -> memref<16x128xi32, #tpu.memory_space<hbm>>
        tpu.wait_dma2 semaphore(%run_scoped3A : memref<!tpu.dma_semaphore, #tpu.memory_space<semaphore_mem>>) src(%dma_wait3A_56 : memref<16x128xi32, #tpu.memory_space<hbm>>) dst(%arg4 : memref<16x128xi32, #tpu.memory_space<vmem>>)
        tpu.yield
      }) : () -> ()
      %scan3A_43 = arith.constant 0 : i32
      %scan3A_44 = arith.constant 0 : i32
      %scan3A_45 = arith.constant 16 : i32
      %scan3A_46 = arith.addi %scan3A_44, %scan3A_45 : i32
      %scan3A_47 = arith.constant 1 : i32
      %scan3A_48 = scf.for %scan3A_51 = %scan3A_44 to %scan3A_46 step %scan3A_47 iter_args(%scan3A_52 = %scan3A_43) -> (i32)  : i32 {
        "tpu.region"() ({
          %run_scoped3A = tpu.sem_alloc : memref<!tpu.dma_semaphore, #tpu.memory_space<semaphore_mem>>
          %dma_start3A = arith.constant 0 : i32
          %dma_start3A_54 = tpu.memref_slice %arg4[%scan3A_51, %dma_start3A] : memref<16x128xi32, #tpu.memory_space<vmem>> -> memref<1x128xi32, #tpu.memory_space<vmem>>
          %dma_start3A_55 = tpu.memref_squeeze %dma_start3A_54 : memref<1x128xi32, #tpu.memory_space<vmem>> -> memref<128xi32, #tpu.memory_space<vmem>>
          %dma_start3A_56 = arith.constant 0 : i32
          %dma_start3A_57 = arith.constant 0 : i32
          %dma_start3A_58 = tpu.memref_slice %arg6[%dma_start3A_56, %dma_start3A_57] : memref<10240x128xf32, #tpu.memory_space<vmem_shared>> -> memref<10240x128xf32, #tpu.memory_space<vmem_shared>>
          tpu.enqueue_indirect_dma source(%arg5 : memref<128x128xf32, #tpu.memory_space<vmem>>) target(%dma_start3A_58 : memref<10240x128xf32, #tpu.memory_space<vmem_shared>>) offsets(%dma_start3A_55 : memref<128xi32, #tpu.memory_space<vmem>>) semaphore(%run_scoped3A : memref<!tpu.dma_semaphore, #tpu.memory_space<semaphore_mem>>) {add = true}
          %dma_wait3A = arith.constant 0 : i32
          %dma_wait3A_59 = tpu.memref_slice %arg4[%scan3A_51, %dma_wait3A] : memref<16x128xi32, #tpu.memory_space<vmem>> -> memref<1x128xi32, #tpu.memory_space<vmem>>
          %dma_wait3A_60 = tpu.memref_squeeze %dma_wait3A_59 : memref<1x128xi32, #tpu.memory_space<vmem>> -> memref<128xi32, #tpu.memory_space<vmem>>
          %dma_wait3A_61 = arith.constant 0 : i32
          %dma_wait3A_62 = arith.constant 0 : i32
          %dma_wait3A_63 = tpu.memref_slice %arg6[%dma_wait3A_61, %dma_wait3A_62] : memref<10240x128xf32, #tpu.memory_space<vmem_shared>> -> memref<10240x128xf32, #tpu.memory_space<vmem_shared>>
          tpu.wait_indirect_dma semaphore(%run_scoped3A : memref<!tpu.dma_semaphore, #tpu.memory_space<semaphore_mem>>) src(%arg5 : memref<128x128xf32, #tpu.memory_space<vmem>>) dst(%dma_wait3A_63 : memref<10240x128xf32, #tpu.memory_space<vmem_shared>>)
          tpu.yield
        }) : () -> ()
        %scan3A_53 = arith.constant 0 : i32
        scf.yield %scan3A_53 : i32
      }
      %scan3A_49 = arith.constant 16 : i32
      %scan3A_50 = arith.constant 0 : i32
      scf.yield %scan3A_50 : i32
    }
    %scan3A_29 = arith.constant 5 : i32
    %barrier3A_30 = arith.constant 0 : index
    tpu.barrier barrier_id(%barrier3A_30)
    %scan3A_31 = arith.constant 0 : i32
    %scan3A_32 = arith.constant 0 : i32
    %scan3A_33 = arith.constant 5 : i32
    %scan3A_34 = arith.addi %scan3A_32, %scan3A_33 : i32
    %scan3A_35 = arith.constant 1 : i32
    %scan3A_36 = scf.for %scan3A_38 = %scan3A_32 to %scan3A_34 step %scan3A_35 iter_args(%scan3A_39 = %scan3A_31) -> (i32)  : i32 {
      %mul3A_40 = arith.constant 640 : i32
      %mul3A_41 = arith.muli %arg1, %mul3A_40 : i32
      %mul3A_42 = arith.constant 128 : i32
      %mul3A_43 = arith.muli %scan3A_38, %mul3A_42 : i32
      %add3A_44 = arith.addi %mul3A_41, %mul3A_43 : i32
      "tpu.region"() ({
        %run_scoped3A = tpu.sem_alloc : memref<!tpu.dma_semaphore, #tpu.memory_space<semaphore_mem>>
        %dma_start3A = arith.constant 0 : i32
        %dma_start3A_49 = tpu.memref_slice %arg6[%add3A_44, %dma_start3A] : memref<10240x128xf32, #tpu.memory_space<vmem_shared>> -> memref<128x128xf32, #tpu.memory_space<vmem_shared>>
        %dma_start3A_50 = arith.constant 0 : i32
        %dma_start3A_51 = tpu.memref_slice %arg6[%add3A_44, %dma_start3A_50] : memref<10240x128xf32, #tpu.memory_space<vmem_shared>> -> memref<128x128xf32, #tpu.memory_space<vmem_shared>>
        tpu.enqueue_dma source(%dma_start3A_51 : memref<128x128xf32, #tpu.memory_space<vmem_shared>>) target(%arg5 : memref<128x128xf32, #tpu.memory_space<vmem>>) target_semaphore(%run_scoped3A : memref<!tpu.dma_semaphore, #tpu.memory_space<semaphore_mem>>)
        %dma_wait3A = arith.constant 0 : i32
        %dma_wait3A_52 = tpu.memref_slice %arg6[%add3A_44, %dma_wait3A] : memref<10240x128xf32, #tpu.memory_space<vmem_shared>> -> memref<128x128xf32, #tpu.memory_space<vmem_shared>>
        %dma_wait3A_53 = arith.constant 0 : i32
        %dma_wait3A_54 = tpu.memref_slice %arg6[%add3A_44, %dma_wait3A_53] : memref<10240x128xf32, #tpu.memory_space<vmem_shared>> -> memref<128x128xf32, #tpu.memory_space<vmem_shared>>
        tpu.wait_dma2 semaphore(%run_scoped3A : memref<!tpu.dma_semaphore, #tpu.memory_space<semaphore_mem>>) src(%dma_wait3A_54 : memref<128x128xf32, #tpu.memory_space<vmem_shared>>) dst(%arg5 : memref<128x128xf32, #tpu.memory_space<vmem>>)
        tpu.yield
      }) : () -> ()
      %mul3A_45 = arith.constant 10240 : i32
      %mul3A_46 = arith.muli %arg0, %mul3A_45 : i32
      %add3A_47 = arith.addi %mul3A_46, %add3A_44 : i32
      "tpu.region"() ({
        %run_scoped3A = tpu.sem_alloc : memref<!tpu.dma_semaphore, #tpu.memory_space<semaphore_mem>>
        %dma_start3A = arith.constant 0 : i32
        %dma_start3A_49 = tpu.memref_slice %arg3[%add3A_47, %dma_start3A] : memref<20480x128xf32, #tpu.memory_space<hbm>> -> memref<128x128xf32, #tpu.memory_space<hbm>>
        %dma_start3A_50 = arith.constant 0 : i32
        %dma_start3A_51 = tpu.memref_slice %arg3[%add3A_47, %dma_start3A_50] : memref<20480x128xf32, #tpu.memory_space<hbm>> -> memref<128x128xf32, #tpu.memory_space<hbm>>
        tpu.enqueue_dma source(%arg5 : memref<128x128xf32, #tpu.memory_space<vmem>>) target(%dma_start3A_51 : memref<128x128xf32, #tpu.memory_space<hbm>>) target_semaphore(%run_scoped3A : memref<!tpu.dma_semaphore, #tpu.memory_space<semaphore_mem>>)
        %dma_wait3A = arith.constant 0 : i32
        %dma_wait3A_52 = tpu.memref_slice %arg3[%add3A_47, %dma_wait3A] : memref<20480x128xf32, #tpu.memory_space<hbm>> -> memref<128x128xf32, #tpu.memory_space<hbm>>
        %dma_wait3A_53 = arith.constant 0 : i32
        %dma_wait3A_54 = tpu.memref_slice %arg3[%add3A_47, %dma_wait3A_53] : memref<20480x128xf32, #tpu.memory_space<hbm>> -> memref<128x128xf32, #tpu.memory_space<hbm>>
        tpu.wait_dma2 semaphore(%run_scoped3A : memref<!tpu.dma_semaphore, #tpu.memory_space<semaphore_mem>>) src(%arg5 : memref<128x128xf32, #tpu.memory_space<vmem>>) dst(%dma_wait3A_54 : memref<128x128xf32, #tpu.memory_space<hbm>>)
        tpu.yield
      }) : () -> ()
      %scan3A_48 = arith.constant 0 : i32
      scf.yield %scan3A_48 : i32
    }
    %scan3A_37 = arith.constant 5 : i32
    return
  }
}

#map = affine_map<(d0, d1) -> (0, 0)>
module attributes {stable_mosaic.version = 14 : i64} {
  func.func @sc_edge_emb(%arg0: i32, %arg1: i32, %arg2: memref<10240x128xf32, #tpu.memory_space<hbm>>, %arg3: memref<10240x128xf32, #tpu.memory_space<hbm>>, %arg4: memref<2560x128xi32, #tpu.memory_space<hbm>>, %arg5: memref<2560x128xi32, #tpu.memory_space<hbm>>, %arg6: memref<327680x128xf32, #tpu.memory_space<hbm>>, %arg7: memref<80x128xi32, #tpu.memory_space<vmem>>, %arg8: memref<80x128xi32, #tpu.memory_space<vmem>>, %arg9: memref<128x128xf32, #tpu.memory_space<vmem>>, %arg10: memref<128x128xf32, #tpu.memory_space<vmem>>, %arg11: memref<!tpu.dma_semaphore, #tpu.memory_space<semaphore_mem>>, %arg12: memref<!tpu.dma_semaphore, #tpu.memory_space<semaphore_mem>>) attributes {dimension_semantics = [#tpu.dimension_semantics<core_parallel>, #tpu.dimension_semantics<subcore_parallel>], iteration_bounds = array<i64: 2, 16>, scalar_prefetch = 0 : i64, scratch_operands = 6 : i64, tpu.core_type = #tpu.core_type<sc_vector_subcore>, window_params = [{transform_indices = #map}, {transform_indices = #map}, {transform_indices = #map}, {transform_indices = #map}, {transform_indices = #map}]} {
    %mul3A = arith.constant 2 : i32
    %mul3A_0 = arith.muli %arg1, %mul3A : i32
    %add3A = arith.addi %mul3A_0, %arg0 : i32
    %mul3A_1 = arith.constant 80 : i32
    %mul3A_2 = arith.muli %add3A, %mul3A_1 : i32
    "tpu.region"() ({
      %run_scoped3A = tpu.sem_alloc : memref<!tpu.dma_semaphore, #tpu.memory_space<semaphore_mem>>
      %dma_start3A = arith.constant 0 : i32
      %dma_start3A_9 = tpu.memref_slice %arg4[%mul3A_2, %dma_start3A] : memref<2560x128xi32, #tpu.memory_space<hbm>> -> memref<80x128xi32, #tpu.memory_space<hbm>>
      %dma_start3A_10 = arith.constant 0 : i32
      %dma_start3A_11 = tpu.memref_slice %arg4[%mul3A_2, %dma_start3A_10] : memref<2560x128xi32, #tpu.memory_space<hbm>> -> memref<80x128xi32, #tpu.memory_space<hbm>>
      tpu.enqueue_dma source(%dma_start3A_11 : memref<80x128xi32, #tpu.memory_space<hbm>>) target(%arg7 : memref<80x128xi32, #tpu.memory_space<vmem>>) target_semaphore(%run_scoped3A : memref<!tpu.dma_semaphore, #tpu.memory_space<semaphore_mem>>)
      %dma_wait3A = arith.constant 0 : i32
      %dma_wait3A_12 = tpu.memref_slice %arg4[%mul3A_2, %dma_wait3A] : memref<2560x128xi32, #tpu.memory_space<hbm>> -> memref<80x128xi32, #tpu.memory_space<hbm>>
      %dma_wait3A_13 = arith.constant 0 : i32
      %dma_wait3A_14 = tpu.memref_slice %arg4[%mul3A_2, %dma_wait3A_13] : memref<2560x128xi32, #tpu.memory_space<hbm>> -> memref<80x128xi32, #tpu.memory_space<hbm>>
      tpu.wait_dma2 semaphore(%run_scoped3A : memref<!tpu.dma_semaphore, #tpu.memory_space<semaphore_mem>>) src(%dma_wait3A_14 : memref<80x128xi32, #tpu.memory_space<hbm>>) dst(%arg7 : memref<80x128xi32, #tpu.memory_space<vmem>>)
      tpu.yield
    }) : () -> ()
    "tpu.region"() ({
      %run_scoped3A = tpu.sem_alloc : memref<!tpu.dma_semaphore, #tpu.memory_space<semaphore_mem>>
      %dma_start3A = arith.constant 0 : i32
      %dma_start3A_9 = tpu.memref_slice %arg5[%mul3A_2, %dma_start3A] : memref<2560x128xi32, #tpu.memory_space<hbm>> -> memref<80x128xi32, #tpu.memory_space<hbm>>
      %dma_start3A_10 = arith.constant 0 : i32
      %dma_start3A_11 = tpu.memref_slice %arg5[%mul3A_2, %dma_start3A_10] : memref<2560x128xi32, #tpu.memory_space<hbm>> -> memref<80x128xi32, #tpu.memory_space<hbm>>
      tpu.enqueue_dma source(%dma_start3A_11 : memref<80x128xi32, #tpu.memory_space<hbm>>) target(%arg8 : memref<80x128xi32, #tpu.memory_space<vmem>>) target_semaphore(%run_scoped3A : memref<!tpu.dma_semaphore, #tpu.memory_space<semaphore_mem>>)
      %dma_wait3A = arith.constant 0 : i32
      %dma_wait3A_12 = tpu.memref_slice %arg5[%mul3A_2, %dma_wait3A] : memref<2560x128xi32, #tpu.memory_space<hbm>> -> memref<80x128xi32, #tpu.memory_space<hbm>>
      %dma_wait3A_13 = arith.constant 0 : i32
      %dma_wait3A_14 = tpu.memref_slice %arg5[%mul3A_2, %dma_wait3A_13] : memref<2560x128xi32, #tpu.memory_space<hbm>> -> memref<80x128xi32, #tpu.memory_space<hbm>>
      tpu.wait_dma2 semaphore(%run_scoped3A : memref<!tpu.dma_semaphore, #tpu.memory_space<semaphore_mem>>) src(%dma_wait3A_14 : memref<80x128xi32, #tpu.memory_space<hbm>>) dst(%arg8 : memref<80x128xi32, #tpu.memory_space<vmem>>)
      tpu.yield
    }) : () -> ()
    %scan3A = arith.constant 0 : i32
    %scan3A_3 = arith.constant 0 : i32
    %scan3A_4 = arith.constant 80 : i32
    %scan3A_5 = arith.addi %scan3A_3, %scan3A_4 : i32
    %scan3A_6 = arith.constant 1 : i32
    %scan3A_7 = scf.for %scan3A_9 = %scan3A_3 to %scan3A_5 step %scan3A_6 iter_args(%scan3A_10 = %scan3A) -> (i32)  : i32 {
      %dma_start3A = arith.constant 0 : i32
      %dma_start3A_11 = tpu.memref_slice %arg7[%scan3A_9, %dma_start3A] : memref<80x128xi32, #tpu.memory_space<vmem>> -> memref<1x128xi32, #tpu.memory_space<vmem>>
      %dma_start3A_12 = tpu.memref_squeeze %dma_start3A_11 : memref<1x128xi32, #tpu.memory_space<vmem>> -> memref<128xi32, #tpu.memory_space<vmem>>
      %dma_start3A_13 = arith.constant 0 : i32
      %dma_start3A_14 = arith.constant 0 : i32
      %dma_start3A_15 = tpu.memref_slice %arg2[%dma_start3A_13, %dma_start3A_14] : memref<10240x128xf32, #tpu.memory_space<hbm>> -> memref<10240x128xf32, #tpu.memory_space<hbm>>
      tpu.enqueue_indirect_dma source(%dma_start3A_15 : memref<10240x128xf32, #tpu.memory_space<hbm>>) target(%arg9 : memref<128x128xf32, #tpu.memory_space<vmem>>) offsets(%dma_start3A_12 : memref<128xi32, #tpu.memory_space<vmem>>) semaphore(%arg11 : memref<!tpu.dma_semaphore, #tpu.memory_space<semaphore_mem>>)
      %dma_start3A_16 = arith.constant 0 : i32
      %dma_start3A_17 = tpu.memref_slice %arg8[%scan3A_9, %dma_start3A_16] : memref<80x128xi32, #tpu.memory_space<vmem>> -> memref<1x128xi32, #tpu.memory_space<vmem>>
      %dma_start3A_18 = tpu.memref_squeeze %dma_start3A_17 : memref<1x128xi32, #tpu.memory_space<vmem>> -> memref<128xi32, #tpu.memory_space<vmem>>
      %dma_start3A_19 = arith.constant 0 : i32
      %dma_start3A_20 = arith.constant 0 : i32
      %dma_start3A_21 = tpu.memref_slice %arg3[%dma_start3A_19, %dma_start3A_20] : memref<10240x128xf32, #tpu.memory_space<hbm>> -> memref<10240x128xf32, #tpu.memory_space<hbm>>
      tpu.enqueue_indirect_dma source(%dma_start3A_21 : memref<10240x128xf32, #tpu.memory_space<hbm>>) target(%arg10 : memref<128x128xf32, #tpu.memory_space<vmem>>) offsets(%dma_start3A_18 : memref<128xi32, #tpu.memory_space<vmem>>) semaphore(%arg12 : memref<!tpu.dma_semaphore, #tpu.memory_space<semaphore_mem>>)
      %dma_wait3A = arith.constant 0 : i32
      %dma_wait3A_22 = tpu.memref_slice %arg7[%scan3A_9, %dma_wait3A] : memref<80x128xi32, #tpu.memory_space<vmem>> -> memref<1x128xi32, #tpu.memory_space<vmem>>
      %dma_wait3A_23 = tpu.memref_squeeze %dma_wait3A_22 : memref<1x128xi32, #tpu.memory_space<vmem>> -> memref<128xi32, #tpu.memory_space<vmem>>
      %dma_wait3A_24 = arith.constant 0 : i32
      %dma_wait3A_25 = arith.constant 0 : i32
      %dma_wait3A_26 = tpu.memref_slice %arg2[%dma_wait3A_24, %dma_wait3A_25] : memref<10240x128xf32, #tpu.memory_space<hbm>> -> memref<10240x128xf32, #tpu.memory_space<hbm>>
      tpu.wait_indirect_dma semaphore(%arg11 : memref<!tpu.dma_semaphore, #tpu.memory_space<semaphore_mem>>) src(%dma_wait3A_26 : memref<10240x128xf32, #tpu.memory_space<hbm>>) dst(%arg9 : memref<128x128xf32, #tpu.memory_space<vmem>>)
      %dma_wait3A_27 = arith.constant 0 : i32
      %dma_wait3A_28 = tpu.memref_slice %arg8[%scan3A_9, %dma_wait3A_27] : memref<80x128xi32, #tpu.memory_space<vmem>> -> memref<1x128xi32, #tpu.memory_space<vmem>>
      %dma_wait3A_29 = tpu.memref_squeeze %dma_wait3A_28 : memref<1x128xi32, #tpu.memory_space<vmem>> -> memref<128xi32, #tpu.memory_space<vmem>>
      %dma_wait3A_30 = arith.constant 0 : i32
      %dma_wait3A_31 = arith.constant 0 : i32
      %dma_wait3A_32 = tpu.memref_slice %arg3[%dma_wait3A_30, %dma_wait3A_31] : memref<10240x128xf32, #tpu.memory_space<hbm>> -> memref<10240x128xf32, #tpu.memory_space<hbm>>
      tpu.wait_indirect_dma semaphore(%arg12 : memref<!tpu.dma_semaphore, #tpu.memory_space<semaphore_mem>>) src(%dma_wait3A_32 : memref<10240x128xf32, #tpu.memory_space<hbm>>) dst(%arg10 : memref<128x128xf32, #tpu.memory_space<vmem>>)
      %scan3A_33 = arith.constant 0 : i32
      %scan3A_34 = arith.constant 0 : i32
      %scan3A_35 = arith.constant 128 : i32
      %scan3A_36 = arith.addi %scan3A_34, %scan3A_35 : i32
      %scan3A_37 = arith.constant 1 : i32
      %scan3A_38 = scf.for %scan3A_44 = %scan3A_34 to %scan3A_36 step %scan3A_37 iter_args(%scan3A_45 = %scan3A_33) -> (i32)  : i32 {
        %get3A = arith.index_cast %scan3A_44 : i32 to index
        %get3A_46 = arith.constant 0 : index
        %get3A_47 = tpu.vector_load %arg9[%get3A, %get3A_46] {strides = array<i32>} : memref<128x128xf32, #tpu.memory_space<vmem>>, vector<1x16xf32>,
        %get3A_48 = vector.shape_cast %get3A_47 : vector<1x16xf32> to vector<16xf32>
        %get3A_49 = arith.index_cast %scan3A_44 : i32 to index
        %get3A_50 = arith.constant 0 : index
        %get3A_51 = tpu.vector_load %arg10[%get3A_49, %get3A_50] {strides = array<i32>} : memref<128x128xf32, #tpu.memory_space<vmem>>, vector<1x16xf32>,
        %get3A_52 = vector.shape_cast %get3A_51 : vector<1x16xf32> to vector<16xf32>
        %add3A_53 = arith.addf %get3A_48, %get3A_52 : vector<16xf32>
        %swap3A = arith.index_cast %scan3A_44 : i32 to index
        %swap3A_54 = arith.constant 0 : index
        %swap3A_55 = tpu.vector_load %arg9[%swap3A, %swap3A_54] {strides = array<i32>} : memref<128x128xf32, #tpu.memory_space<vmem>>, vector<1x16xf32>,
        %swap3A_56 = vector.shape_cast %swap3A_55 : vector<1x16xf32> to vector<16xf32>
        %swap3A_57 = vector.shape_cast %add3A_53 : vector<16xf32> to vector<1x16xf32>
        tpu.vector_store %arg9[%swap3A, %swap3A_54], %swap3A_57 {strides = array<i32>} : memref<128x128xf32, #tpu.memory_space<vmem>>, vector<1x16xf32>,
        %get3A_58 = arith.index_cast %scan3A_44 : i32 to index
        %get3A_59 = arith.constant 16 : index
        %get3A_60 = tpu.vector_load %arg9[%get3A_58, %get3A_59] {strides = array<i32>} : memref<128x128xf32, #tpu.memory_space<vmem>>, vector<1x16xf32>,
        %get3A_61 = vector.shape_cast %get3A_60 : vector<1x16xf32> to vector<16xf32>
        %get3A_62 = arith.index_cast %scan3A_44 : i32 to index
        %get3A_63 = arith.constant 16 : index
        %get3A_64 = tpu.vector_load %arg10[%get3A_62, %get3A_63] {strides = array<i32>} : memref<128x128xf32, #tpu.memory_space<vmem>>, vector<1x16xf32>,
        %get3A_65 = vector.shape_cast %get3A_64 : vector<1x16xf32> to vector<16xf32>
        %add3A_66 = arith.addf %get3A_61, %get3A_65 : vector<16xf32>
        %swap3A_67 = arith.index_cast %scan3A_44 : i32 to index
        %swap3A_68 = arith.constant 16 : index
        %swap3A_69 = tpu.vector_load %arg9[%swap3A_67, %swap3A_68] {strides = array<i32>} : memref<128x128xf32, #tpu.memory_space<vmem>>, vector<1x16xf32>,
        %swap3A_70 = vector.shape_cast %swap3A_69 : vector<1x16xf32> to vector<16xf32>
        %swap3A_71 = vector.shape_cast %add3A_66 : vector<16xf32> to vector<1x16xf32>
        tpu.vector_store %arg9[%swap3A_67, %swap3A_68], %swap3A_71 {strides = array<i32>} : memref<128x128xf32, #tpu.memory_space<vmem>>, vector<1x16xf32>,
        %get3A_72 = arith.index_cast %scan3A_44 : i32 to index
        %get3A_73 = arith.constant 32 : index
        %get3A_74 = tpu.vector_load %arg9[%get3A_72, %get3A_73] {strides = array<i32>} : memref<128x128xf32, #tpu.memory_space<vmem>>, vector<1x16xf32>,
        %get3A_75 = vector.shape_cast %get3A_74 : vector<1x16xf32> to vector<16xf32>
        %get3A_76 = arith.index_cast %scan3A_44 : i32 to index
        %get3A_77 = arith.constant 32 : index
        %get3A_78 = tpu.vector_load %arg10[%get3A_76, %get3A_77] {strides = array<i32>} : memref<128x128xf32, #tpu.memory_space<vmem>>, vector<1x16xf32>,
        %get3A_79 = vector.shape_cast %get3A_78 : vector<1x16xf32> to vector<16xf32>
        %add3A_80 = arith.addf %get3A_75, %get3A_79 : vector<16xf32>
        %swap3A_81 = arith.index_cast %scan3A_44 : i32 to index
        %swap3A_82 = arith.constant 32 : index
        %swap3A_83 = tpu.vector_load %arg9[%swap3A_81, %swap3A_82] {strides = array<i32>} : memref<128x128xf32, #tpu.memory_space<vmem>>, vector<1x16xf32>,
        %swap3A_84 = vector.shape_cast %swap3A_83 : vector<1x16xf32> to vector<16xf32>
        %swap3A_85 = vector.shape_cast %add3A_80 : vector<16xf32> to vector<1x16xf32>
        tpu.vector_store %arg9[%swap3A_81, %swap3A_82], %swap3A_85 {strides = array<i32>} : memref<128x128xf32, #tpu.memory_space<vmem>>, vector<1x16xf32>,
        %get3A_86 = arith.index_cast %scan3A_44 : i32 to index
        %get3A_87 = arith.constant 48 : index
        %get3A_88 = tpu.vector_load %arg9[%get3A_86, %get3A_87] {strides = array<i32>} : memref<128x128xf32, #tpu.memory_space<vmem>>, vector<1x16xf32>,
        %get3A_89 = vector.shape_cast %get3A_88 : vector<1x16xf32> to vector<16xf32>
        %get3A_90 = arith.index_cast %scan3A_44 : i32 to index
        %get3A_91 = arith.constant 48 : index
        %get3A_92 = tpu.vector_load %arg10[%get3A_90, %get3A_91] {strides = array<i32>} : memref<128x128xf32, #tpu.memory_space<vmem>>, vector<1x16xf32>,
        %get3A_93 = vector.shape_cast %get3A_92 : vector<1x16xf32> to vector<16xf32>
        %add3A_94 = arith.addf %get3A_89, %get3A_93 : vector<16xf32>
        %swap3A_95 = arith.index_cast %scan3A_44 : i32 to index
        %swap3A_96 = arith.constant 48 : index
        %swap3A_97 = tpu.vector_load %arg9[%swap3A_95, %swap3A_96] {strides = array<i32>} : memref<128x128xf32, #tpu.memory_space<vmem>>, vector<1x16xf32>,
        %swap3A_98 = vector.shape_cast %swap3A_97 : vector<1x16xf32> to vector<16xf32>
        %swap3A_99 = vector.shape_cast %add3A_94 : vector<16xf32> to vector<1x16xf32>
        tpu.vector_store %arg9[%swap3A_95, %swap3A_96], %swap3A_99 {strides = array<i32>} : memref<128x128xf32, #tpu.memory_space<vmem>>, vector<1x16xf32>,
        %get3A_100 = arith.index_cast %scan3A_44 : i32 to index
        %get3A_101 = arith.constant 64 : index
        %get3A_102 = tpu.vector_load %arg9[%get3A_100, %get3A_101] {strides = array<i32>} : memref<128x128xf32, #tpu.memory_space<vmem>>, vector<1x16xf32>,
        %get3A_103 = vector.shape_cast %get3A_102 : vector<1x16xf32> to vector<16xf32>
        %get3A_104 = arith.index_cast %scan3A_44 : i32 to index
        %get3A_105 = arith.constant 64 : index
        %get3A_106 = tpu.vector_load %arg10[%get3A_104, %get3A_105] {strides = array<i32>} : memref<128x128xf32, #tpu.memory_space<vmem>>, vector<1x16xf32>,
        %get3A_107 = vector.shape_cast %get3A_106 : vector<1x16xf32> to vector<16xf32>
        %add3A_108 = arith.addf %get3A_103, %get3A_107 : vector<16xf32>
        %swap3A_109 = arith.index_cast %scan3A_44 : i32 to index
        %swap3A_110 = arith.constant 64 : index
        %swap3A_111 = tpu.vector_load %arg9[%swap3A_109, %swap3A_110] {strides = array<i32>} : memref<128x128xf32, #tpu.memory_space<vmem>>, vector<1x16xf32>,
        %swap3A_112 = vector.shape_cast %swap3A_111 : vector<1x16xf32> to vector<16xf32>
        %swap3A_113 = vector.shape_cast %add3A_108 : vector<16xf32> to vector<1x16xf32>
        tpu.vector_store %arg9[%swap3A_109, %swap3A_110], %swap3A_113 {strides = array<i32>} : memref<128x128xf32, #tpu.memory_space<vmem>>, vector<1x16xf32>,
        %get3A_114 = arith.index_cast %scan3A_44 : i32 to index
        %get3A_115 = arith.constant 80 : index
        %get3A_116 = tpu.vector_load %arg9[%get3A_114, %get3A_115] {strides = array<i32>} : memref<128x128xf32, #tpu.memory_space<vmem>>, vector<1x16xf32>,
        %get3A_117 = vector.shape_cast %get3A_116 : vector<1x16xf32> to vector<16xf32>
        %get3A_118 = arith.index_cast %scan3A_44 : i32 to index
        %get3A_119 = arith.constant 80 : index
        %get3A_120 = tpu.vector_load %arg10[%get3A_118, %get3A_119] {strides = array<i32>} : memref<128x128xf32, #tpu.memory_space<vmem>>, vector<1x16xf32>,
        %get3A_121 = vector.shape_cast %get3A_120 : vector<1x16xf32> to vector<16xf32>
        %add3A_122 = arith.addf %get3A_117, %get3A_121 : vector<16xf32>
        %swap3A_123 = arith.index_cast %scan3A_44 : i32 to index
        %swap3A_124 = arith.constant 80 : index
        %swap3A_125 = tpu.vector_load %arg9[%swap3A_123, %swap3A_124] {strides = array<i32>} : memref<128x128xf32, #tpu.memory_space<vmem>>, vector<1x16xf32>,
        %swap3A_126 = vector.shape_cast %swap3A_125 : vector<1x16xf32> to vector<16xf32>
        %swap3A_127 = vector.shape_cast %add3A_122 : vector<16xf32> to vector<1x16xf32>
        tpu.vector_store %arg9[%swap3A_123, %swap3A_124], %swap3A_127 {strides = array<i32>} : memref<128x128xf32, #tpu.memory_space<vmem>>, vector<1x16xf32>,
        %get3A_128 = arith.index_cast %scan3A_44 : i32 to index
        %get3A_129 = arith.constant 96 : index
        %get3A_130 = tpu.vector_load %arg9[%get3A_128, %get3A_129] {strides = array<i32>} : memref<128x128xf32, #tpu.memory_space<vmem>>, vector<1x16xf32>,
        %get3A_131 = vector.shape_cast %get3A_130 : vector<1x16xf32> to vector<16xf32>
        %get3A_132 = arith.index_cast %scan3A_44 : i32 to index
        %get3A_133 = arith.constant 96 : index
        %get3A_134 = tpu.vector_load %arg10[%get3A_132, %get3A_133] {strides = array<i32>} : memref<128x128xf32, #tpu.memory_space<vmem>>, vector<1x16xf32>,
        %get3A_135 = vector.shape_cast %get3A_134 : vector<1x16xf32> to vector<16xf32>
        %add3A_136 = arith.addf %get3A_131, %get3A_135 : vector<16xf32>
        %swap3A_137 = arith.index_cast %scan3A_44 : i32 to index
        %swap3A_138 = arith.constant 96 : index
        %swap3A_139 = tpu.vector_load %arg9[%swap3A_137, %swap3A_138] {strides = array<i32>} : memref<128x128xf32, #tpu.memory_space<vmem>>, vector<1x16xf32>,
        %swap3A_140 = vector.shape_cast %swap3A_139 : vector<1x16xf32> to vector<16xf32>
        %swap3A_141 = vector.shape_cast %add3A_136 : vector<16xf32> to vector<1x16xf32>
        tpu.vector_store %arg9[%swap3A_137, %swap3A_138], %swap3A_141 {strides = array<i32>} : memref<128x128xf32, #tpu.memory_space<vmem>>, vector<1x16xf32>,
        %get3A_142 = arith.index_cast %scan3A_44 : i32 to index
        %get3A_143 = arith.constant 112 : index
        %get3A_144 = tpu.vector_load %arg9[%get3A_142, %get3A_143] {strides = array<i32>} : memref<128x128xf32, #tpu.memory_space<vmem>>, vector<1x16xf32>,
        %get3A_145 = vector.shape_cast %get3A_144 : vector<1x16xf32> to vector<16xf32>
        %get3A_146 = arith.index_cast %scan3A_44 : i32 to index
        %get3A_147 = arith.constant 112 : index
        %get3A_148 = tpu.vector_load %arg10[%get3A_146, %get3A_147] {strides = array<i32>} : memref<128x128xf32, #tpu.memory_space<vmem>>, vector<1x16xf32>,
        %get3A_149 = vector.shape_cast %get3A_148 : vector<1x16xf32> to vector<16xf32>
        %add3A_150 = arith.addf %get3A_145, %get3A_149 : vector<16xf32>
        %swap3A_151 = arith.index_cast %scan3A_44 : i32 to index
        %swap3A_152 = arith.constant 112 : index
        %swap3A_153 = tpu.vector_load %arg9[%swap3A_151, %swap3A_152] {strides = array<i32>} : memref<128x128xf32, #tpu.memory_space<vmem>>, vector<1x16xf32>,
        %swap3A_154 = vector.shape_cast %swap3A_153 : vector<1x16xf32> to vector<16xf32>
        %swap3A_155 = vector.shape_cast %add3A_150 : vector<16xf32> to vector<1x16xf32>
        tpu.vector_store %arg9[%swap3A_151, %swap3A_152], %swap3A_155 {strides = array<i32>} : memref<128x128xf32, #tpu.memory_space<vmem>>, vector<1x16xf32>,
        %scan3A_156 = arith.constant 0 : i32
        scf.yield %scan3A_156 : i32
      }
      %scan3A_39 = arith.constant 128 : i32
      %add3A_40 = arith.addi %mul3A_2, %scan3A_9 : i32
      %mul3A_41 = arith.constant 128 : i32
      %mul3A_42 = arith.muli %add3A_40, %mul3A_41 : i32
      "tpu.region"() ({
        %run_scoped3A = tpu.sem_alloc : memref<!tpu.dma_semaphore, #tpu.memory_space<semaphore_mem>>
        %dma_start3A_44 = arith.constant 0 : i32
        %dma_start3A_45 = tpu.memref_slice %arg6[%mul3A_42, %dma_start3A_44] : memref<327680x128xf32, #tpu.memory_space<hbm>> -> memref<128x128xf32, #tpu.memory_space<hbm>>
        %dma_start3A_46 = arith.constant 0 : i32
        %dma_start3A_47 = tpu.memref_slice %arg6[%mul3A_42, %dma_start3A_46] : memref<327680x128xf32, #tpu.memory_space<hbm>> -> memref<128x128xf32, #tpu.memory_space<hbm>>
        tpu.enqueue_dma source(%arg9 : memref<128x128xf32, #tpu.memory_space<vmem>>) target(%dma_start3A_47 : memref<128x128xf32, #tpu.memory_space<hbm>>) target_semaphore(%run_scoped3A : memref<!tpu.dma_semaphore, #tpu.memory_space<semaphore_mem>>)
        %dma_wait3A_48 = arith.constant 0 : i32
        %dma_wait3A_49 = tpu.memref_slice %arg6[%mul3A_42, %dma_wait3A_48] : memref<327680x128xf32, #tpu.memory_space<hbm>> -> memref<128x128xf32, #tpu.memory_space<hbm>>
        %dma_wait3A_50 = arith.constant 0 : i32
        %dma_wait3A_51 = tpu.memref_slice %arg6[%mul3A_42, %dma_wait3A_50] : memref<327680x128xf32, #tpu.memory_space<hbm>> -> memref<128x128xf32, #tpu.memory_space<hbm>>
        tpu.wait_dma2 semaphore(%run_scoped3A : memref<!tpu.dma_semaphore, #tpu.memory_space<semaphore_mem>>) src(%arg9 : memref<128x128xf32, #tpu.memory_space<vmem>>) dst(%dma_wait3A_51 : memref<128x128xf32, #tpu.memory_space<hbm>>)
        tpu.yield
      }) : () -> ()
      %scan3A_43 = arith.constant 0 : i32
      scf.yield %scan3A_43 : i32
    }
    %scan3A_8 = arith.constant 80 : i32
    return
  }
}

module attributes {stable_mosaic.version = 14 : i64} {
  func.func @_lambda_(%arg0: i32, %arg1: memref<2x1024x128xf32, #tpu.memory_space<vmem>>, %arg2: memref<2x1024x16xf32, #tpu.memory_space<vmem>>, %arg3: memref<128x128xf32, #tpu.memory_space<vmem>>, %arg4: memref<1x128xf32, #tpu.memory_space<vmem>>, %arg5: memref<1024x128xf32, #tpu.memory_space<vmem>>) attributes {dimension_semantics = [#tpu.dimension_semantics<arbitrary>], iteration_bounds = array<i64: 10>, scalar_prefetch = 0 : i64, scratch_operands = 0 : i64, tpu.core_type = #tpu.core_type<tc>, window_params = [{transform_indices = @transform_0, window_bounds = array<i64: 2, 1024, 128>}, {transform_indices = @transform_1, window_bounds = array<i64: 2, 1024, 16>}, {pipeline_mode = #tpu.pipeline_mode<synchronous>, transform_indices = @transform_2, window_bounds = array<i64: 128, 128>}, {pipeline_mode = #tpu.pipeline_mode<synchronous>, transform_indices = @transform_3, window_bounds = array<i64: 1, 128>}, {transform_indices = @transform_4, window_bounds = array<i64: 1024, 128>}]} {
    %get3A = arith.constant 0 : index
    %get3A_0 = arith.constant 0 : index
    %get3A_1 = arith.constant 0 : index
    %get3A_2 = vector.load %arg1[%get3A, %get3A_0, %get3A_1] : memref<2x1024x128xf32, #tpu.memory_space<vmem>>, vector<1x1024x128xf32>
    %get3A_3 = vector.shape_cast %get3A_2 : vector<1x1024x128xf32> to vector<1024x128xf32>
    %get3A_4 = arith.constant 1 : index
    %get3A_5 = arith.constant 0 : index
    %get3A_6 = arith.constant 0 : index
    %get3A_7 = vector.load %arg1[%get3A_4, %get3A_5, %get3A_6] : memref<2x1024x128xf32, #tpu.memory_space<vmem>>, vector<1x1024x128xf32>
    %get3A_8 = vector.shape_cast %get3A_7 : vector<1x1024x128xf32> to vector<1024x128xf32>
    %add3A = arith.addf %get3A_3, %get3A_8 : vector<1024x128xf32>
    %get3A_9 = arith.constant 0 : index
    %get3A_10 = arith.constant 0 : index
    %get3A_11 = arith.constant 0 : index
    %get3A_12 = vector.load %arg2[%get3A_9, %get3A_10, %get3A_11] : memref<2x1024x16xf32, #tpu.memory_space<vmem>>, vector<1x1024x16xf32>
    %get3A_13 = vector.shape_cast %get3A_12 : vector<1x1024x16xf32> to vector<1024x16xf32>
    %slice3A = vector.extract_strided_slice %get3A_13 {offsets = [0, 0], sizes = [1024, 1], strides = [1, 1]} : vector<1024x16xf32> to vector<1024x1xf32>
    %get3A_14 = arith.constant 1 : index
    %get3A_15 = arith.constant 0 : index
    %get3A_16 = arith.constant 0 : index
    %get3A_17 = vector.load %arg2[%get3A_14, %get3A_15, %get3A_16] : memref<2x1024x16xf32, #tpu.memory_space<vmem>>, vector<1x1024x16xf32>
    %get3A_18 = vector.shape_cast %get3A_17 : vector<1x1024x16xf32> to vector<1024x16xf32>
    %slice3A_19 = vector.extract_strided_slice %get3A_18 {offsets = [0, 0], sizes = [1024, 1], strides = [1, 1]} : vector<1024x16xf32> to vector<1024x1xf32>
    %add3A_20 = arith.addf %slice3A, %slice3A_19 : vector<1024x1xf32>
    %max3A = arith.constant 1.000000e+00 : f32
    %max3A_21 = vector.broadcast %max3A : f32 to vector<1024x1xf32>
    %max3A_22 = arith.maximumf %add3A_20, %max3A_21 : vector<1024x1xf32>
    %div3A = vector.broadcast %max3A_22 : vector<1024x1xf32> to vector<1024x128xf32>
    %div3A_23 = arith.divf %add3A, %div3A : vector<1024x128xf32>
    %get3A_24 = arith.constant 0 : index
    %get3A_25 = arith.constant 0 : index
    %get3A_26 = vector.load %arg3[%get3A_24, %get3A_25] : memref<128x128xf32, #tpu.memory_space<vmem>>, vector<128x128xf32>
    %dot_general3A = arith.constant dense<0.000000e+00> : vector<1024x128xf32>
    %dot_general3A_27 = tpu.matmul %div3A_23, %get3A_26, %dot_general3A {dimension_numbers = #tpu.dot_dimension_numbers<[1], [0], [0], [1], [0, 0, 1, 1], [], []>, transpose_lhs_hint = false} : vector<1024x128xf32>, vector<128x128xf32>, vector<1024x128xf32> -> vector<1024x128xf32>
    %get3A_28 = arith.constant 0 : index
    %get3A_29 = arith.constant 0 : index
    %get3A_30 = vector.load %arg4[%get3A_28, %get3A_29] : memref<1x128xf32, #tpu.memory_space<vmem>>, vector<1x128xf32>
    %add3A_31 = vector.broadcast %get3A_30 : vector<1x128xf32> to vector<1024x128xf32>
    %add3A_32 = arith.addf %dot_general3A_27, %add3A_31 : vector<1024x128xf32>
    %max3A_33 = arith.constant 0.000000e+00 : f32
    %max3A_34 = vector.broadcast %max3A_33 : f32 to vector<1024x128xf32>
    %max3A_35 = arith.maximumf %add3A_32, %max3A_34 : vector<1024x128xf32>
    %swap3A = arith.constant 0 : index
    %swap3A_36 = arith.constant 0 : index
    %swap3A_37 = vector.load %arg5[%swap3A, %swap3A_36] : memref<1024x128xf32, #tpu.memory_space<vmem>>, vector<1024x128xf32>
    tpu.vector_store %arg5[%swap3A, %swap3A_36], %max3A_35 {strides = array<i32>} : memref<1024x128xf32, #tpu.memory_space<vmem>>, vector<1024x128xf32>,
    return
  }
  func.func @transform_0(%arg0: i32) -> (i32, i32, i32) {
    %c0_i32 = arith.constant 0 : i32
    %c0_i32_0 = arith.constant 0 : i32
    %c0_i32_1 = arith.constant 0 : i32
    return %c0_i32, %arg0, %c0_i32_0 : i32, i32, i32
  }
  func.func @transform_1(%arg0: i32) -> (i32, i32, i32) {
    %c0_i32 = arith.constant 0 : i32
    %c0_i32_0 = arith.constant 0 : i32
    %c0_i32_1 = arith.constant 0 : i32
    return %c0_i32, %arg0, %c0_i32_0 : i32, i32, i32
  }
  func.func @transform_2(%arg0: i32) -> (i32, i32) {
    %c0_i32 = arith.constant 0 : i32
    %c0_i32_0 = arith.constant 0 : i32
    %c0_i32_1 = arith.constant 0 : i32
    return %c0_i32, %c0_i32_0 : i32, i32
  }
  func.func @transform_3(%arg0: i32) -> (i32, i32) {
    %c0_i32 = arith.constant 0 : i32
    %c0_i32_0 = arith.constant 0 : i32
    %c0_i32_1 = arith.constant 0 : i32
    return %c0_i32, %c0_i32_0 : i32, i32
  }
  func.func @transform_4(%arg0: i32) -> (i32, i32) {
    %c0_i32 = arith.constant 0 : i32
    %c0_i32_0 = arith.constant 0 : i32
    return %arg0, %c0_i32 : i32, i32
  }
}

module attributes {stable_mosaic.version = 14 : i64} {
  func.func @_lambda_(%arg0: i32, %arg1: memref<2x1024x128xf32, #tpu.memory_space<vmem>>, %arg2: memref<2x1024x16xf32, #tpu.memory_space<vmem>>, %arg3: memref<128x128xf32, #tpu.memory_space<vmem>>, %arg4: memref<1x128xf32, #tpu.memory_space<vmem>>, %arg5: memref<128x128xf32, #tpu.memory_space<vmem>>, %arg6: memref<128x128xf32, #tpu.memory_space<vmem>>, %arg7: memref<1x128xf32, #tpu.memory_space<vmem>>, %arg8: memref<1024x128xf32, #tpu.memory_space<vmem>>, %arg9: memref<1024x128xf32, #tpu.memory_space<vmem>>) attributes {dimension_semantics = [#tpu.dimension_semantics<arbitrary>], iteration_bounds = array<i64: 10>, scalar_prefetch = 0 : i64, scratch_operands = 0 : i64, tpu.core_type = #tpu.core_type<tc>, window_params = [{transform_indices = @transform_0, window_bounds = array<i64: 2, 1024, 128>}, {transform_indices = @transform_1, window_bounds = array<i64: 2, 1024, 16>}, {pipeline_mode = #tpu.pipeline_mode<synchronous>, transform_indices = @transform_2, window_bounds = array<i64: 128, 128>}, {pipeline_mode = #tpu.pipeline_mode<synchronous>, transform_indices = @transform_3, window_bounds = array<i64: 1, 128>}, {pipeline_mode = #tpu.pipeline_mode<synchronous>, transform_indices = @transform_4, window_bounds = array<i64: 128, 128>}, {pipeline_mode = #tpu.pipeline_mode<synchronous>, transform_indices = @transform_5, window_bounds = array<i64: 128, 128>}, {pipeline_mode = #tpu.pipeline_mode<synchronous>, transform_indices = @transform_6, window_bounds = array<i64: 1, 128>}, {transform_indices = @transform_7, window_bounds = array<i64: 1024, 128>}, {transform_indices = @transform_8, window_bounds = array<i64: 1024, 128>}]} {
    %get3A = arith.constant 0 : index
    %get3A_0 = arith.constant 0 : index
    %get3A_1 = arith.constant 0 : index
    %get3A_2 = vector.load %arg1[%get3A, %get3A_0, %get3A_1] : memref<2x1024x128xf32, #tpu.memory_space<vmem>>, vector<1x1024x128xf32>
    %get3A_3 = vector.shape_cast %get3A_2 : vector<1x1024x128xf32> to vector<1024x128xf32>
    %get3A_4 = arith.constant 1 : index
    %get3A_5 = arith.constant 0 : index
    %get3A_6 = arith.constant 0 : index
    %get3A_7 = vector.load %arg1[%get3A_4, %get3A_5, %get3A_6] : memref<2x1024x128xf32, #tpu.memory_space<vmem>>, vector<1x1024x128xf32>
    %get3A_8 = vector.shape_cast %get3A_7 : vector<1x1024x128xf32> to vector<1024x128xf32>
    %add3A = arith.addf %get3A_3, %get3A_8 : vector<1024x128xf32>
    %get3A_9 = arith.constant 0 : index
    %get3A_10 = arith.constant 0 : index
    %get3A_11 = arith.constant 0 : index
    %get3A_12 = vector.load %arg2[%get3A_9, %get3A_10, %get3A_11] : memref<2x1024x16xf32, #tpu.memory_space<vmem>>, vector<1x1024x16xf32>
    %get3A_13 = vector.shape_cast %get3A_12 : vector<1x1024x16xf32> to vector<1024x16xf32>
    %slice3A = vector.extract_strided_slice %get3A_13 {offsets = [0, 0], sizes = [1024, 1], strides = [1, 1]} : vector<1024x16xf32> to vector<1024x1xf32>
    %get3A_14 = arith.constant 1 : index
    %get3A_15 = arith.constant 0 : index
    %get3A_16 = arith.constant 0 : index
    %get3A_17 = vector.load %arg2[%get3A_14, %get3A_15, %get3A_16] : memref<2x1024x16xf32, #tpu.memory_space<vmem>>, vector<1x1024x16xf32>
    %get3A_18 = vector.shape_cast %get3A_17 : vector<1x1024x16xf32> to vector<1024x16xf32>
    %slice3A_19 = vector.extract_strided_slice %get3A_18 {offsets = [0, 0], sizes = [1024, 1], strides = [1, 1]} : vector<1024x16xf32> to vector<1024x1xf32>
    %add3A_20 = arith.addf %slice3A, %slice3A_19 : vector<1024x1xf32>
    %max3A = arith.constant 1.000000e+00 : f32
    %max3A_21 = vector.broadcast %max3A : f32 to vector<1024x1xf32>
    %max3A_22 = arith.maximumf %add3A_20, %max3A_21 : vector<1024x1xf32>
    %div3A = vector.broadcast %max3A_22 : vector<1024x1xf32> to vector<1024x128xf32>
    %div3A_23 = arith.divf %add3A, %div3A : vector<1024x128xf32>
    %get3A_24 = arith.constant 0 : index
    %get3A_25 = arith.constant 0 : index
    %get3A_26 = vector.load %arg3[%get3A_24, %get3A_25] : memref<128x128xf32, #tpu.memory_space<vmem>>, vector<128x128xf32>
    %dot_general3A = arith.constant dense<0.000000e+00> : vector<1024x128xf32>
    %dot_general3A_27 = tpu.matmul %div3A_23, %get3A_26, %dot_general3A {dimension_numbers = #tpu.dot_dimension_numbers<[1], [0], [0], [1], [0, 0, 1, 1], [], []>, transpose_lhs_hint = false} : vector<1024x128xf32>, vector<128x128xf32>, vector<1024x128xf32> -> vector<1024x128xf32>
    %get3A_28 = arith.constant 0 : index
    %get3A_29 = arith.constant 0 : index
    %get3A_30 = vector.load %arg4[%get3A_28, %get3A_29] : memref<1x128xf32, #tpu.memory_space<vmem>>, vector<1x128xf32>
    %add3A_31 = vector.broadcast %get3A_30 : vector<1x128xf32> to vector<1024x128xf32>
    %add3A_32 = arith.addf %dot_general3A_27, %add3A_31 : vector<1024x128xf32>
    %get3A_33 = arith.constant 0 : index
    %get3A_34 = arith.constant 0 : index
    %get3A_35 = vector.load %arg5[%get3A_33, %get3A_34] : memref<128x128xf32, #tpu.memory_space<vmem>>, vector<128x128xf32>
    %dot_general3A_36 = arith.constant dense<0.000000e+00> : vector<1024x128xf32>
    %dot_general3A_37 = tpu.matmul %add3A_32, %get3A_35, %dot_general3A_36 {dimension_numbers = #tpu.dot_dimension_numbers<[1], [0], [0], [1], [0, 0, 1, 1], [], []>, transpose_lhs_hint = false} : vector<1024x128xf32>, vector<128x128xf32>, vector<1024x128xf32> -> vector<1024x128xf32>
    %get3A_38 = arith.constant 0 : index
    %get3A_39 = arith.constant 0 : index
    %get3A_40 = vector.load %arg7[%get3A_38, %get3A_39] : memref<1x128xf32, #tpu.memory_space<vmem>>, vector<1x128xf32>
    %add3A_41 = vector.broadcast %get3A_40 : vector<1x128xf32> to vector<1024x128xf32>
    %add3A_42 = arith.addf %dot_general3A_37, %add3A_41 : vector<1024x128xf32>
    %swap3A = arith.constant 0 : index
    %swap3A_43 = arith.constant 0 : index
    %swap3A_44 = vector.load %arg8[%swap3A, %swap3A_43] : memref<1024x128xf32, #tpu.memory_space<vmem>>, vector<1024x128xf32>
    tpu.vector_store %arg8[%swap3A, %swap3A_43], %add3A_42 {strides = array<i32>} : memref<1024x128xf32, #tpu.memory_space<vmem>>, vector<1024x128xf32>,
    %get3A_45 = arith.constant 0 : index
    %get3A_46 = arith.constant 0 : index
    %get3A_47 = vector.load %arg6[%get3A_45, %get3A_46] : memref<128x128xf32, #tpu.memory_space<vmem>>, vector<128x128xf32>
    %dot_general3A_48 = arith.constant dense<0.000000e+00> : vector<1024x128xf32>
    %dot_general3A_49 = tpu.matmul %add3A_32, %get3A_47, %dot_general3A_48 {dimension_numbers = #tpu.dot_dimension_numbers<[1], [0], [0], [1], [0, 0, 1, 1], [], []>, transpose_lhs_hint = false} : vector<1024x128xf32>, vector<128x128xf32>, vector<1024x128xf32> -> vector<1024x128xf32>
    %swap3A_50 = arith.constant 0 : index
    %swap3A_51 = arith.constant 0 : index
    %swap3A_52 = vector.load %arg9[%swap3A_50, %swap3A_51] : memref<1024x128xf32, #tpu.memory_space<vmem>>, vector<1024x128xf32>
    tpu.vector_store %arg9[%swap3A_50, %swap3A_51], %dot_general3A_49 {strides = array<i32>} : memref<1024x128xf32, #tpu.memory_space<vmem>>, vector<1024x128xf32>,
    return
  }
  func.func @transform_0(%arg0: i32) -> (i32, i32, i32) {
    %c0_i32 = arith.constant 0 : i32
    %c0_i32_0 = arith.constant 0 : i32
    %c0_i32_1 = arith.constant 0 : i32
    return %c0_i32, %arg0, %c0_i32_0 : i32, i32, i32
  }
  func.func @transform_1(%arg0: i32) -> (i32, i32, i32) {
    %c0_i32 = arith.constant 0 : i32
    %c0_i32_0 = arith.constant 0 : i32
    %c0_i32_1 = arith.constant 0 : i32
    return %c0_i32, %arg0, %c0_i32_0 : i32, i32, i32
  }
  func.func @transform_2(%arg0: i32) -> (i32, i32) {
    %c0_i32 = arith.constant 0 : i32
    %c0_i32_0 = arith.constant 0 : i32
    %c0_i32_1 = arith.constant 0 : i32
    return %c0_i32, %c0_i32_0 : i32, i32
  }
  func.func @transform_3(%arg0: i32) -> (i32, i32) {
    %c0_i32 = arith.constant 0 : i32
    %c0_i32_0 = arith.constant 0 : i32
    %c0_i32_1 = arith.constant 0 : i32
    return %c0_i32, %c0_i32_0 : i32, i32
  }
  func.func @transform_4(%arg0: i32) -> (i32, i32) {
    %c0_i32 = arith.constant 0 : i32
    %c0_i32_0 = arith.constant 0 : i32
    %c0_i32_1 = arith.constant 0 : i32
    return %c0_i32, %c0_i32_0 : i32, i32
  }
  func.func @transform_5(%arg0: i32) -> (i32, i32) {
    %c0_i32 = arith.constant 0 : i32
    %c0_i32_0 = arith.constant 0 : i32
    %c0_i32_1 = arith.constant 0 : i32
    return %c0_i32, %c0_i32_0 : i32, i32
  }
  func.func @transform_6(%arg0: i32) -> (i32, i32) {
    %c0_i32 = arith.constant 0 : i32
    %c0_i32_0 = arith.constant 0 : i32
    %c0_i32_1 = arith.constant 0 : i32
    return %c0_i32, %c0_i32_0 : i32, i32
  }
  func.func @transform_7(%arg0: i32) -> (i32, i32) {
    %c0_i32 = arith.constant 0 : i32
    %c0_i32_0 = arith.constant 0 : i32
    return %arg0, %c0_i32 : i32, i32
  }
  func.func @transform_8(%arg0: i32) -> (i32, i32) {
    %c0_i32 = arith.constant 0 : i32
    %c0_i32_0 = arith.constant 0 : i32
    return %arg0, %c0_i32 : i32, i32
  }
}

module attributes {stable_mosaic.version = 14 : i64} {
  func.func @_edge_mlp_body(%arg0: i32, %arg1: memref<2000x128xf32, #tpu.memory_space<vmem>>, %arg2: memref<128x64xf32, #tpu.memory_space<vmem>>, %arg3: memref<1x64xf32, #tpu.memory_space<vmem>>, %arg4: memref<64x18xf32, #tpu.memory_space<vmem>>, %arg5: memref<1x18xf32, #tpu.memory_space<vmem>>, %arg6: memref<2000x18xf32, #tpu.memory_space<vmem>>) attributes {dimension_semantics = [#tpu.dimension_semantics<arbitrary>], iteration_bounds = array<i64: 160>, scalar_prefetch = 0 : i64, scratch_operands = 0 : i64, tpu.core_type = #tpu.core_type<tc>, window_params = [{transform_indices = @transform_0, window_bounds = array<i64: 2000, 128>}, {pipeline_mode = #tpu.pipeline_mode<synchronous>, transform_indices = @transform_1, window_bounds = array<i64: 128, 64>}, {pipeline_mode = #tpu.pipeline_mode<synchronous>, transform_indices = @transform_2, window_bounds = array<i64: 1, 64>}, {pipeline_mode = #tpu.pipeline_mode<synchronous>, transform_indices = @transform_3, window_bounds = array<i64: 64, 18>}, {pipeline_mode = #tpu.pipeline_mode<synchronous>, transform_indices = @transform_4, window_bounds = array<i64: 1, 18>}, {transform_indices = @transform_5, window_bounds = array<i64: 2000, 18>}]} {
    %get3A = arith.constant 0 : index
    %get3A_0 = arith.constant 0 : index
    %get3A_1 = vector.load %arg1[%get3A, %get3A_0] : memref<2000x128xf32, #tpu.memory_space<vmem>>, vector<2000x128xf32>
    %max3A = arith.constant 0.000000e+00 : f32
    %max3A_2 = vector.broadcast %max3A : f32 to vector<2000x128xf32>
    %max3A_3 = arith.maximumf %get3A_1, %max3A_2 : vector<2000x128xf32>
    %get3A_4 = arith.constant 0 : index
    %get3A_5 = arith.constant 0 : index
    %get3A_6 = vector.load %arg2[%get3A_4, %get3A_5] : memref<128x64xf32, #tpu.memory_space<vmem>>, vector<128x64xf32>
    %dot_general3A = arith.constant dense<0.000000e+00> : vector<2000x64xf32>
    %dot_general3A_7 = tpu.matmul %max3A_3, %get3A_6, %dot_general3A {dimension_numbers = #tpu.dot_dimension_numbers<[1], [0], [0], [1], [0, 0, 1, 1], [], []>, transpose_lhs_hint = false} : vector<2000x128xf32>, vector<128x64xf32>, vector<2000x64xf32> -> vector<2000x64xf32>
    %get3A_8 = arith.constant 0 : index
    %get3A_9 = arith.constant 0 : index
    %get3A_10 = vector.load %arg3[%get3A_8, %get3A_9] : memref<1x64xf32, #tpu.memory_space<vmem>>, vector<1x64xf32>
    %add3A = vector.broadcast %get3A_10 : vector<1x64xf32> to vector<2000x64xf32>
    %add3A_11 = arith.addf %dot_general3A_7, %add3A : vector<2000x64xf32>
    %max3A_12 = arith.constant 0.000000e+00 : f32
    %max3A_13 = vector.broadcast %max3A_12 : f32 to vector<2000x64xf32>
    %max3A_14 = arith.maximumf %add3A_11, %max3A_13 : vector<2000x64xf32>
    %get3A_15 = arith.constant 0 : index
    %get3A_16 = arith.constant 0 : index
    %get3A_17 = vector.load %arg4[%get3A_15, %get3A_16] : memref<64x18xf32, #tpu.memory_space<vmem>>, vector<64x18xf32>
    %dot_general3A_18 = arith.constant dense<0.000000e+00> : vector<2000x18xf32>
    %dot_general3A_19 = tpu.matmul %max3A_14, %get3A_17, %dot_general3A_18 {dimension_numbers = #tpu.dot_dimension_numbers<[1], [0], [0], [1], [0, 0, 1, 1], [], []>, transpose_lhs_hint = false} : vector<2000x64xf32>, vector<64x18xf32>, vector<2000x18xf32> -> vector<2000x18xf32>
    %get3A_20 = arith.constant 0 : index
    %get3A_21 = arith.constant 0 : index
    %get3A_22 = vector.load %arg5[%get3A_20, %get3A_21] : memref<1x18xf32, #tpu.memory_space<vmem>>, vector<1x18xf32>
    %add3A_23 = vector.broadcast %get3A_22 : vector<1x18xf32> to vector<2000x18xf32>
    %add3A_24 = arith.addf %dot_general3A_19, %add3A_23 : vector<2000x18xf32>
    %swap3A = arith.constant 0 : index
    %swap3A_25 = arith.constant 0 : index
    %swap3A_26 = vector.load %arg6[%swap3A, %swap3A_25] : memref<2000x18xf32, #tpu.memory_space<vmem>>, vector<2000x18xf32>
    tpu.vector_store %arg6[%swap3A, %swap3A_25], %add3A_24 {strides = array<i32>} : memref<2000x18xf32, #tpu.memory_space<vmem>>, vector<2000x18xf32>,
    return
  }
  func.func @transform_0(%arg0: i32) -> (i32, i32) {
    %c0_i32 = arith.constant 0 : i32
    %c0_i32_0 = arith.constant 0 : i32
    return %arg0, %c0_i32 : i32, i32
  }
  func.func @transform_1(%arg0: i32) -> (i32, i32) {
    %c0_i32 = arith.constant 0 : i32
    %c0_i32_0 = arith.constant 0 : i32
    %c0_i32_1 = arith.constant 0 : i32
    return %c0_i32, %c0_i32_0 : i32, i32
  }
  func.func @transform_2(%arg0: i32) -> (i32, i32) {
    %c0_i32 = arith.constant 0 : i32
    %c0_i32_0 = arith.constant 0 : i32
    %c0_i32_1 = arith.constant 0 : i32
    return %c0_i32, %c0_i32_0 : i32, i32
  }
  func.func @transform_3(%arg0: i32) -> (i32, i32) {
    %c0_i32 = arith.constant 0 : i32
    %c0_i32_0 = arith.constant 0 : i32
    %c0_i32_1 = arith.constant 0 : i32
    return %c0_i32, %c0_i32_0 : i32, i32
  }
  func.func @transform_4(%arg0: i32) -> (i32, i32) {
    %c0_i32 = arith.constant 0 : i32
    %c0_i32_0 = arith.constant 0 : i32
    %c0_i32_1 = arith.constant 0 : i32
    return %c0_i32, %c0_i32_0 : i32, i32
  }
  func.func @transform_5(%arg0: i32) -> (i32, i32) {
    %c0_i32 = arith.constant 0 : i32
    %c0_i32_0 = arith.constant 0 : i32
    return %arg0, %c0_i32 : i32, i32
  }
}

</mosaic_0001>

<sc_bundles>
// kernel: sc_agg128.11.cloned.1.call-start
scs
__scs_entry_jumppad:
0x0: {  	(pc) =	sbr.rel $0x88, $3  }
0x1: {  	(tag) =	ssettag $0x0;
	lr =	simm.s32 $0x1  }
0x2: {  	[smem:$0x3F93] =	sst lr;
	_ =	strace $0xD0000000  }
0x3: {  	_ = 	snop  }
0x4: {  	_ = 	snop  }
0x5: {  	_ = 	snop  }
0x6: {  	_ = 	snop  }
0x7: {  	_ = 	snop  }
__scs_overlays_trampoline_lowered:
0x8: {  	[smem:$0x3FA2] =	sst s0  }
0x9: {  	[smem:$0x3FA3] =	sst s1  }
0xa: {  	[smem:$0x3FA4] =	sst s2  }
0xb: {  	[smem:$0x3FA5] =	sst s3  }
0xc: {  	[smem:$0x3FA6] =	sst s4  }
0xd: {  	[smem:$0x3FA7] =	sst s5  }
0xe: {  	[smem:$0x3FA8] =	sst s6  }
0xf: {  	[smem:$0x3FA9] =	sst s7  }
0x10: {  	[smem:$0x3FAA] =	sst s8  }
0x11: {  	[smem:$0x3FAB] =	sst s9;
	s0 =	simm.s32 @!p0 $0x0  }
0x12: {  	s1 =	sld [smem:$0x3F91];
	s0 =	simm.s32 @p0 $0x1  }
0x13: {  	[smem:$0x3FAC] =	sst s0;
	s0 =	simm.s32 @!p1 $0x0  }
0x14: {  	s2 =	sld [smem:$0x3F90];
	s0 =	simm.s32 @p1 $0x1  }
0x15: {  	[smem:$0x3FAD] =	sst s0;
	s0 =	simm.s32 @!p2 $0x0  }
0x16: {  	s3 =	sld [smem:$0x3FDB];
	s0 =	simm.s32 @p2 $0x1  }
0x17: {  	s4 =	simm.s32 $0x1BF5;
	[smem:$0x3FAF] =	sst s0  }
0x18: {  	s0 =	sld [smem:$0x3F92];
	_ =	swait.ge [sflag:s4], $0x0  }
0x19: {  	s7 =	sld [smem:$0x3F93]  }
0x1a: {  	s8 =	sadd.s32 $0xFFFFE003, lr  }
0x1b: {  	s9 =	sadd.s32 $0xFFFFFEF7, lr;
	s5 =	simm.s32 $0xFFFFFFFF;
	p2 =	slt.u32 s8, $0xFFFFF086  }
0x1c: {  	p1 =	slt.u32 s9, $0xF7A;
	s5 =	simm.s32 @!p2 $0x0  }
0x1d: {  	s5 =	simm.s32 @p1 $0x1;
	p0 =	seq.s32 s7, s2  }
0x1e: {  	s7 =	smul.u32 @!p0 $0xF7A, s2;
	p2 =	seq.s32 @!p0 s5, $0x0  }
0x1f: {  	s9 =	smul.u32 $0xF7A, s1;
	s8 =	simm.s32 @!p0 $0x1BF5;
	p2 =	por !p2, p0  }
0x20: {  	[sflag:s8] =	ssyncset.s32 @!p0 $0xFFFFF086;
	s6 =	sadd.s32 @!p0 s3, s7;
	s7 =	simm.s32 @!p0 $0x108  }
0x21: {  	s3 =	sadd.s32 s3, s9;
	s6 =	sadd.s32 @!p0 $0x88, s6;
	s7 =	simm.s32 @p2 $0x1082  }
0x22: {  	[simem:s7], [sflag:s8] =	dma.local @!p0 [hbm:s6], $0xF7A  }
0x23: {  	s9 =	sor.u32 $0xD0000000, s2;
	s6 =	simm.s32 $0x108;
	_ =	swait.ge @!p0 [sflag:s8], $0x0  }
0x24: {  	s3 =	sadd.s32 $0x88, s3;
	s6 =	simm.s32 @!p1 $0x1082;
	[sflag:s4] =	ssyncset.s32 $0xFFFFF086  }
0x25: {  	[simem:s6], [sflag:s4] =	dma.local [hbm:s3], $0xF7A  }
0x26: {  	[smem:$0x3F93] =	sst s1;
	(tag) =	ssettag s2;
	_ =	strace s9  }
0x27: {  	s1 =	sld [smem:$0x3FA3]  }
0x28: {  	s2 =	sld [smem:$0x3FA4]  }
0x29: {  	s4 =	sld [smem:$0x3FA6]  }
0x2a: {  	p0 =	seq.s32 s5, $0x0;
	s5 =	sld [smem:$0x3FA7]  }
0x2b: {  	s6 =	sld [smem:$0x3FA8]  }
0x2c: {  	s7 =	sld [smem:$0x3FA9]  }
0x2d: {  	s3 =	simm.s32 $0x108;
	s8 =	sld [smem:$0x3FAA]  }
0x2e: {  	s3 =	simm.s32 @!p0 $0x1082;
	s9 =	sld [smem:$0x3FAB]  }
0x2f: {  	lr =	sadd.s32 s0, s3;
	s0 =	sld [smem:$0x3FA2]  }
0x30: {  	s3 =	sld [smem:$0x3FA5]  }
0x31: {  	[smem:$0x3FAE] =	sst s10  }
0x32: {  	s10 =	sld [smem:$0x3FAC];
	_ =	sdelay $0x3  }
0x33: {  	p0 =	seq.s32 s10, $0x1;
	s10 =	sld [smem:$0x3FAE];
	_ =	sdelay $0x3  }
0x34: {  	[smem:$0x3FAE] =	sst s10  }
0x35: {  	s10 =	sld [smem:$0x3FAD];
	_ =	sdelay $0x3  }
0x36: {  	p1 =	seq.s32 s10, $0x1;
	s10 =	sld [smem:$0x3FAE];
	_ =	sdelay $0x3  }
0x37: {  	[smem:$0x3FAE] =	sst s10  }
0x38: {  	s10 =	sld [smem:$0x3FAF]  }
0x39: {  	_ = 	snop;
	(pc) =	sbr.ind lr, $3  }
0x3a: {  	_ = 	snop  }
0x3b: {  	_ = 	snop  }
0x3c: {  	p2 =	seq.s32 s10, $0x1;
	s10 =	sld [smem:$0x3FAE]  }
0x3d: {  	_ =	shalt  }
0x3e: {  	_ =	shalt  }
0x3f: {  	_ =	shalt  }
0x40: {  	_ =	shalt  }
0x41: {  	_ =	shalt  }
0x42: {  	_ =	shalt  }
0x43: {  	_ =	shalt  }
0x44: {  	_ =	shalt  }
0x45: {  	_ =	shalt  }
0x46: {  	_ =	shalt  }
0x47: {  	_ =	shalt  }
0x48: {  	_ =	shalt  }
0x49: {  	_ =	shalt  }
0x4a: {  	_ =	shalt  }
0x4b: {  	_ =	shalt  }
0x4c: {  	_ =	shalt  }
0x4d: {  	_ =	shalt  }
0x4e: {  	_ =	shalt  }
0x4f: {  	_ =	shalt  }
0x50: {  	_ =	shalt  }
0x51: {  	_ =	shalt  }
0x52: {  	_ =	shalt  }
0x53: {  	_ =	shalt  }
0x54: {  	_ =	shalt  }
0x55: {  	_ =	shalt  }
0x56: {  	_ =	shalt  }
0x57: {  	_ =	shalt  }
0x58: {  	_ =	shalt  }
0x59: {  	_ =	shalt  }
0x5a: {  	_ =	shalt  }
0x5b: {  	_ =	shalt  }
0x5c: {  	_ =	shalt  }
0x5d: {  	_ =	shalt  }
0x5e: {  	_ =	shalt  }
0x5f: {  	_ =	shalt  }
0x60: {  	_ =	shalt  }
0x61: {  	_ =	shalt  }
0x62: {  	_ =	shalt  }
0x63: {  	_ =	shalt  }
0x64: {  	_ =	shalt  }
0x65: {  	_ =	shalt  }
0x66: {  	_ =	shalt  }
0x67: {  	_ =	shalt  }
0x68: {  	_ =	shalt  }
0x69: {  	_ =	shalt  }
0x6a: {  	_ =	shalt  }
0x6b: {  	_ =	shalt  }
0x6c: {  	_ =	shalt  }
0x6d: {  	_ =	shalt  }
0x6e: {  	_ =	shalt  }
0x6f: {  	_ =	shalt  }
0x70: {  	_ =	shalt  }
0x71: {  	_ =	shalt  }
0x72: {  	_ =	shalt  }
0x73: {  	_ =	shalt  }
0x74: {  	_ =	shalt  }
0x75: {  	_ =	shalt  }
0x76: {  	_ =	shalt  }
0x77: {  	_ =	shalt  }
0x78: {  	_ =	shalt  }
0x79: {  	_ =	shalt  }
0x7a: {  	_ =	shalt  }
0x7b: {  	_ =	shalt  }
0x7c: {  	_ =	shalt  }
0x7d: {  	_ =	shalt  }
0x7e: {  	_ =	shalt  }
0x7f: {  	_ =	shalt  }
0x80: {  	_ =	shalt  }
0x81: {  	_ =	shalt  }
0x82: {  	_ =	shalt  }
0x83: {  	_ =	shalt  }
0x84: {  	_ =	shalt  }
0x85: {  	_ =	shalt  }
0x86: {  	_ =	shalt  }
0x87: {  	_ =	shalt  }
.Lfunc_end0:
.L_simem_size_0:
called_computation.3_lowered:
.L_overlay_start_0:
0x88: {  	s2 =	sld [smem:$0x3FD9]  }
0x89: {  	s3 =	sld [smem:$0x3FFE];
	_ =	sdelay $0x1  }
0x8a: {  	s1 =	srdreg.scid  }
0x8b: {  	s0 =	sand.u32 $0x1, s1  }
0x8c: {  	s17 =	sshll.u32 s0, $0xA;
	s2 =	sadd.s32 s3, s2  }
0x8d: {  	s2 =	sadd.s32 s2, s17  }
0x8e: {  	[smem:$0x3FBA] =	sst s2  }
0x8f: {  	_ = 	snop  }
0x90: {  	s2 =	sld [smem:$0x3FD0];
	(tm) =	ssettm $0x1  }
0x91: {  	s18 =	sld [smem:$0x3FFB];
	_ =	sdelay $0x3  }
0x92: {  	_ =	strace s18  }
0x93: {  	s3 =	sld [smem:$0x3FFC];
	_ =	sdelay $0x3  }
0x94: {  	_ =	strace s3  }
0x95: {  	s3 =	sld [smem:$0x3FFD];
	_ =	sdelay $0x3  }
0x96: {  	_ =	strace s3  }
0x97: {  	_ =	strace $0x8FFFFFFF  }
0x98: {  	s19 =	sld [smem:$0x3FDB];
	_ =	sdelay $0x1  }
0x99: {  	s4 =	simm.s32 $_scs_section_size  }
0x9a: {  	s5 =	simm.s32 $_size__tile_overlayer_lowered;
	s6 =	simm.s32 $_tile_overlayer_lowered  }
0x9b: {  	s22 =	simm.s32 $0x1BFF;
	s21 =	sshll.u32 s6, $0x1;
	s3 =	sadd.s32 s4, s19  }
0x9c: {  	s7 =	simm.s32 $0x0;
	s20 =	sshll.u32 s5, $0x1;
	s5 =	sadd.s32 s21, s3  }
0x9d: {  	[timem:s7], [sflag:s22] =	dma.local [hbm:s5], s20  }
0x9e: {  	_ =	swait.ge [sflag:s22], s20  }
0x9f: {  	s4 =	ssub.s32 $0x0, s20;
	[sflag:s22] =	ssyncset.done $0x0  }
0xa0: {  	[sflag:s22] =	ssyncadd.s32 s4;
	_ =	sdelay $0x1  }
0xa1: {  	s23 =	simm.s32 $0x1B8B  }
0xa2: {  	_ =	swait.ge [sflag:s23], $0x1  }
0xa3: {  	[sflag:s23] =	ssyncset.done $0x0  }
0xa4: {  	s25 =	simm.s32 $0x1B8E;
	s24 =	sld [smem:$0x3FFE];
	[sflag:s23] =	ssyncadd.s32 $0xFFFFFFFF  }
0xa5: {  	s26 =	simm.s32 $execute0_lowered;
	[smem:$0x3FD2] =	sst s25  }
0xa6: {  	s5 =	sshll.u32 s26, $0x1;
	_ =	strace $0x8000004F;
	[dreg:$0x1] =	wrdreg $0xFFFFFFFF  }
0xa7: {  	s28 =	simm.s32 $_size_execute0_lowered;
	s3 =	sadd.s32 s3, s5;
	[dreg:$0x0] =	wrdreg $0x0  }
0xa8: {  	s5 =	sshll.u32 s28, $0x1;
	[dreg:$0x2] =	wrdreg s3  }
0xa9: {  	[dreg:$0x3] =	wrdreg s5  }
0xaa: {  	[dreg:$0x4] =	wrdreg $0xC0  }
0xab: {  	_ =	task [dreg:s7], $0x5FFFF  }
0xac: {  	[dreg:$0x1] =	wrdreg $0xFFFFFFFF  }
0xad: {  	[dreg:$0x0] =	wrdreg $0x60  }
0xae: {  	[dreg:$0x2] =	wrdreg s24  }
0xaf: {  	[dreg:$0x3] =	wrdreg s2  }
0xb0: {  	[dreg:$0x4] =	wrdreg $0x50000  }
0xb1: {  	[dreg:$0x5] =	wrdreg $0x9  }
0xb2: {  	_ =	task.clear_ibuf [dreg:s7], $0x6FFFF;
	_ =	strace $0x9000004F  }
0xb3: {  	s29 =	simm.s32 $0x9;
	_ =	strace $0x80000051  }
0xb4: {  	_ =	swait.ge [sflag:s29], $0x1  }
0xb5: {  	[sflag:s29] =	ssyncadd.s32 $0xFFFFFFFF  }
0xb6: {  	_ =	strace $0x90000051  }
0xb7: {  	_ =	sfence  }
0xb8: {  	s30 =	sld [smem:$0x0];
	_ =	sdelay $0x2  }
0xb9: {  	s31 =	sshll.u32 s1, $0xD;
	s1 =	sshrl.u32 s1, $0x2  }
0xba: {  	s3 =	sand.u32 $0x4000, s31;
	s1 =	sadd.s32 s1, s30  }
0xbb: {  	s0 =	sor.u32 s3, s0;
	s1 =	sshll.u32 s1, $0x11  }
0xbc: {  	s0 =	sor.u32 s1, s0  }
0xbd: {  	s0 =	sadd.s32 $0x8F2B, s0  }
0xbe: {  	[sflag:s0] =	ssyncadd.remote.s32 $0x1  }
0xbf: {  	_ =	sfence.sel $0xFFFF  }
0xc0: {  	[dreg:$0x0] =	wrdreg $0xFFFFFFFF;
	(pc) =	sbr.abs _section_cstart, $3  }
0xc1: {  	[dreg:$0x1] =	wrdreg $0xFFFFFFFF  }
0xc2: {  	_ =	task.clear_ibuf [dreg:s7], $0x2FFFF;
	_ =	strace $0x9FFFFFFF  }
0xc3: {  	(tm) =	ssettm $0x7FFFFFFF  }
tec
execute0_lowered:
.L_overlay_start_1:
0x0: {  	(tag) =	ssettag $0x1  }
0x1: {  	s0 =	rddreg [dreg:$0x0]  }
0x2: {  	s3 =	rddreg [dreg:$0x1]  }
0x3: {  	s1 =	rddreg [dreg:$0x2]  }
0x4: {  	s2 =	simm.s32 $0x0;
	s4 =	srdreg.scid;
	s11 =	stileid.u32  }
0x5: {  	s28 =	simm.s32 $0x1;
	s29 =	simm.s32 $0x0;
	[smem:$0x7FF] =	sst s2  }
0x6: {  	s8 =	sand.u32 $0x1, s4;
	s4 =	sadd.s32 $0x3A00, s0;
	s10 =	smul.u32 $0x50000, s11  }
0x7: {  	s5 =	sadd.s32 $0x2BA00, s0;
	s6 =	sadd.s32 $0x35A00, s0;
	s14 =	sshll.u32 s11, $0x1  }
0x8: {  	s19 =	smul.u32 $0x280, s11;
	_ =	strace $0x80000050;
	s7 =	ssub.s32 $0x2, s8  }
0x9: {  	s16 =	sor.u32 s8, s14;
	s20 =	smul.u32 $0x2800, s8;
	s9 =	sshrl.u32 s7, $0x1  }
0xa: {  	s15 =	sshrl.u32 s10, $0x2;
	s8 =	smul.u32 $0x2800, s16;
	s13 =	ssub.s32 s7, s9  }
0xb: {  	s7 =	sadd.s32 s15, s1;
	s18 =	sadd.s32 s20, s19;
	s15 =	sadd.s32 $0x80, s19  }
0xc: {  	s0 =	smax.u32 s13, $0x1;
	s17 =	sadd.s32 $0x4000, s7;
	s11 =	sadd.s32 $0x8000, s7  }
0xd: {  	s12 =	sadd.s32 $0xC000, s7;
	s13 =	sadd.s32 $0x10000, s7;
	[dreg:$0x4] =	wrdreg s0  }
0xe: {  	s21 =	sshll.u32 s15, $0x7;
	s16 =	sadd.s32 s20, s15;
	[dreg:$0x5] =	wrdreg s17  }
0xf: {  	s0 =	sshll.u32 s18, $0x4;
	s15 =	sadd.s32 s21, s1;
	s22 =	sshll.u32 s16, $0x4  }
0x10: {  	s17 =	sadd.s32 $0x100, s19;
	s21 =	sadd.s32 $0x180, s19;
	s14 =	sadd.s32 s3, s0  }
0x11: {  	s16 =	sadd.s32 s3, s22;
	s23 =	sshll.u32 s17, $0x7;
	s18 =	sadd.s32 s20, s17  }
0x12: {  	s25 =	sshll.u32 s21, $0x7;
	s22 =	sadd.s32 $0x200, s19;
	s26 =	sadd.s32 s20, s21  }
0x13: {  	s17 =	sadd.s32 s23, s1;
	s24 =	sshll.u32 s18, $0x4;
	s19 =	sadd.s32 s25, s1  }
0x14: {  	s20 =	sadd.s32 s20, s22;
	s0 =	sshll.u32 s26, $0x4;
	s30 =	sshll.u32 s22, $0x7  }
0x15: {  	s23 =	simm.s32 $0x1000;
	s25 =	simm.s32 $0x800;
	s26 =	simm.s32 $0x80  }
0x16: {  	s18 =	sadd.s32 s3, s24;
	s31 =	sshll.u32 s20, $0x4;
	s20 =	sadd.s32 s3, s0  }
0x17: {  	v0 =	vimm.f32 $0.0e+00;
	s21 =	sadd.s32 s30, s1;
	s24 =	simm.s32 $0x2;
	s22 =	sadd.s32 s3, s31  }
.LBB2_1:
0x18: {  	s30 =	simm.s32 $0x0;
	s0 =	simm.s32 $0x200  }
.LBB2_2:
0x19: {  	p0 =	sne.s32 s0, $0xFE00;
	[tilespmem:s30+$0x1070] =	vst v0  }
0x1a: {  	[tilespmem:s30+$0x1000] =	vst v0  }
0x1b: {  	[tilespmem:s30+$0x1010] =	vst v0  }
.Ltmp0:
0x1c: {  	[tilespmem:s30+$0x1020] =	vst v0;
	(pc) =	sbr.rel @p0 .LBB2_2-.Ltmp0, $4  }
0x1d: {  	[tilespmem:s30+$0x1030] =	vst v0  }
0x1e: {  	[tilespmem:s30+$0x1040] =	vst v0  }
0x1f: {  	[tilespmem:s30+$0x1050] =	vst v0  }
0x20: {  	[tilespmem:s30+$0x1060] =	vst v0;
	s30 =	sshra.s32 s0, $0x2;
	s0 =	sadd.s32 $0x200, s0  }
0x21: {  	[tilespmem:s30+$0x1070] =	vst v0  }
0x22: {  	[tilespmem:s30+$0x1000] =	vst v0  }
0x23: {  	[tilespmem:s30+$0x1010] =	vst v0  }
0x24: {  	[tilespmem:s30+$0x1020] =	vst v0  }
0x25: {  	[tilespmem:s30+$0x1030] =	vst v0  }
0x26: {  	[tilespmem:s30+$0x1040] =	vst v0  }
0x27: {  	[tilespmem:s30+$0x1050] =	vst v0  }
0x28: {  	[tilespmem:s30+$0x1060] =	vst v0  }
0x29: {  	[spmem:s7] =	stream.linear.scatter [tilespmem:s23], [sflag:$0x2], $0x4000, $0x38;
	[tilespmem:$0x19000] =	vst v63  }
0x2a: {  	_ =	swait.ge [sflag:s24], $0x4000  }
0x2b: {  	[sflag:s24] =	ssyncset.done $0x0  }
0x2c: {  	s0 =	rddreg [dreg:$0x5];
	[sflag:s24] =	ssyncadd.s32 $0xFFFFC000  }
0x2d: {  	[spmem:s0] =	stream.linear.scatter [tilespmem:s23], [sflag:$0x2], $0x4000, $0x38;
	[tilespmem:$0x19000] =	vst v63  }
0x2e: {  	_ =	swait.ge [sflag:s24], $0x4000  }
0x2f: {  	[sflag:s24] =	ssyncset.done $0x0  }
0x30: {  	[sflag:s24] =	ssyncadd.s32 $0xFFFFC000  }
0x31: {  	[spmem:s11] =	stream.linear.scatter [tilespmem:s23], [sflag:$0x2], $0x4000, $0x38;
	[tilespmem:$0x19000] =	vst v63  }
0x32: {  	_ =	swait.ge [sflag:s24], $0x4000  }
0x33: {  	[sflag:s24] =	ssyncset.done $0x0  }
0x34: {  	[sflag:s24] =	ssyncadd.s32 $0xFFFFC000  }
0x35: {  	[spmem:s12] =	stream.linear.scatter [tilespmem:s23], [sflag:$0x2], $0x4000, $0x38;
	[tilespmem:$0x19000] =	vst v63  }
0x36: {  	_ =	swait.ge [sflag:s24], $0x4000  }
0x37: {  	[sflag:s24] =	ssyncset.done $0x0  }
0x38: {  	[sflag:s24] =	ssyncadd.s32 $0xFFFFC000  }
0x39: {  	[spmem:s13] =	stream.linear.scatter [tilespmem:s23], [sflag:$0x2], $0x4000, $0x38;
	[tilespmem:$0x19000] =	vst v63  }
0x3a: {  	_ =	swait.ge [sflag:s24], $0x4000  }
0x3b: {  	[sflag:s24] =	ssyncset.done $0x0  }
0x3c: {  	[sflag:s24] =	ssyncadd.s32 $0xFFFFC000  }
0x3d: {  	s30 =	simm.s32 $0x0;
	s31 =	simm.s32 $0x0;
	[bflag:$0x0] =	sbarrier.arrive $0xFFFF  }
.LBB2_4:
0x3e: {  	s0 =	sshll.u32 s31, $0xB  }
0x3f: {  	s0 =	sadd.s32 s8, s0  }
0x40: {  	s0 =	sshrl.u32 s0, $0x3  }
0x41: {  	s3 =	sadd.s32 s5, s0  }
0x42: {  	[tilespmem:s30], [sflag:$0x2] =	stream.linear.gather [hbm4b:s3+s30], $0x800, $0x38;
	[tilespmem:$0x19000] =	vst v63  }
0x43: {  	_ =	swait.ge [sflag:s24], $0x800  }
0x44: {  	[sflag:s24] =	ssyncset.done $0x0  }
0x45: {  	s0 =	sadd.s32 s6, s0;
	[sflag:s24] =	ssyncadd.s32 $0xFFFFF800  }
0x46: {  	[tilespmem:s25], [sflag:$0x2] =	stream.linear.gather [hbm4b:s0+s30], $0x800, $0x38;
	[tilespmem:$0x19000] =	vst v63  }
0x47: {  	_ =	swait.ge [sflag:s24], $0x800  }
0x48: {  	[sflag:s24] =	ssyncset.done $0x0  }
0x49: {  	s9 =	simm.s32 $0x0;
	[sflag:s24] =	ssyncadd.s32 $0xFFFFF800  }
0x4a: {  	[tilespmem:s23], [sflag:$0x1] =	stream.indirect.gather [hbm4b:s4+s26], $0x80, s9, s26, $0xb8;
	[tilespmem:$0x19000] =	vst v63  }
0x4b: {  	_ =	swait.ge [sflag:s28], $0x4000  }
0x4c: {  	[sflag:s28] =	ssyncset.done $0x0  }
0x4d: {  	s10 =	simm.s32 $0x800;
	[sflag:s28] =	ssyncadd.s32 $0xFFFFC000  }
0x4e: {  	[spmem:s1] =	stream.indirect.scatter.add.f32 [tilespmem:s23], [sflag:$0x2], $0x80, s10, s26, $0xb8;
	[tilespmem:$0x19000] =	vst v63  }
0x4f: {  	_ =	swait.ge [sflag:s24], $0x4000  }
0x50: {  	s3 =	simm.s32 $0x400;
	s0 =	simm.s32 $0x200;
	[sflag:s24] =	ssyncset.done $0x0  }
.LBB2_5:
0x51: {  	s9 =	sshra.s32 s0, $0x2  }
0x52: {  	[sflag:s24] =	ssyncadd.s32 $0xFFFFC000;
	s0 =	smov.u32 s3;
	s10 =	sadd.s32 $0x200, s3  }
0x53: {  	[tilespmem:s23], [sflag:$0x1] =	stream.indirect.gather [hbm4b:s4+s26], $0x80, s9, s26, $0xb8;
	[tilespmem:$0x19000] =	vst v63  }
0x54: {  	p0 =	sne.s32 s3, $0x1E00;
	_ =	swait.ge [sflag:s28], $0x4000  }
.Ltmp1:
0x55: {  	[sflag:s28] =	ssyncset.done $0x0;
	(pc) =	sbr.rel @p0 .LBB2_5-.Ltmp1, $4  }
0x56: {  	s3 =	sadd.s32 $0x800, s9;
	[sflag:s28] =	ssyncadd.s32 $0xFFFFC000  }
0x57: {  	[spmem:s1] =	stream.indirect.scatter.add.f32 [tilespmem:s23], [sflag:$0x2], $0x80, s3, s26, $0xb8;
	[tilespmem:$0x19000] =	vst v63  }
0x58: {  	_ =	swait.ge [sflag:s24], $0x4000  }
0x59: {  	s3 =	smov.u32 s10;
	[sflag:s24] =	ssyncset.done $0x0  }
0x5a: {  	s0 =	sshra.s32 s0, $0x2;
	[sflag:s24] =	ssyncadd.s32 $0xFFFFC000  }
0x5b: {  	[tilespmem:s23], [sflag:$0x1] =	stream.indirect.gather [hbm4b:s4+s26], $0x80, s0, s26, $0xb8;
	[tilespmem:$0x19000] =	vst v63  }
0x5c: {  	s31 =	sadd.s32 $0x1, s31;
	_ =	swait.ge [sflag:s28], $0x4000  }
0x5d: {  	p0 =	sne.s32 s31, $0x5;
	[sflag:s28] =	ssyncset.done $0x0  }
.Ltmp2:
0x5e: {  	s0 =	sadd.s32 $0x800, s0;
	[sflag:s28] =	ssyncadd.s32 $0xFFFFC000;
	(pc) =	sbr.rel @p0 .LBB2_4-.Ltmp2, $4  }
0x5f: {  	[spmem:s1] =	stream.indirect.scatter.add.f32 [tilespmem:s23], [sflag:$0x2], $0x80, s0, s26, $0xb8;
	[tilespmem:$0x19000] =	vst v63  }
0x60: {  	_ =	swait.ge [sflag:s24], $0x4000  }
0x61: {  	[sflag:s24] =	ssyncset.done $0x0  }
0x62: {  	[sflag:s24] =	ssyncadd.s32 $0xFFFFC000  }
0x63: {  	[bflag:$0x0] =	sbarrier.arrive $0xFFFF  }
0x64: {  	[tilespmem:s23], [sflag:$0x2] =	stream.linear.gather [spmem:s7], $0x4000, $0x38;
	[tilespmem:$0x19000] =	vst v63  }
0x65: {  	_ =	swait.ge [sflag:s24], $0x4000  }
0x66: {  	[sflag:s24] =	ssyncset.done $0x0  }
0x67: {  	[sflag:s24] =	ssyncadd.s32 $0xFFFFC000  }
0x68: {  	[hbm4b:s14+s2] =	stream.linear.scatter [tilespmem:s23], [sflag:$0x2], $0x4000, $0x38;
	[tilespmem:$0x19000] =	vst v63  }
0x69: {  	_ =	swait.ge [sflag:s24], $0x4000  }
0x6a: {  	[sflag:s24] =	ssyncset.done $0x0  }
0x6b: {  	[sflag:s24] =	ssyncadd.s32 $0xFFFFC000  }
0x6c: {  	[tilespmem:s23], [sflag:$0x2] =	stream.linear.gather [spmem:s15], $0x4000, $0x38;
	[tilespmem:$0x19000] =	vst v63  }
0x6d: {  	_ =	swait.ge [sflag:s24], $0x4000  }
0x6e: {  	[sflag:s24] =	ssyncset.done $0x0  }
0x6f: {  	[sflag:s24] =	ssyncadd.s32 $0xFFFFC000  }
0x70: {  	[hbm4b:s16+s2] =	stream.linear.scatter [tilespmem:s23], [sflag:$0x2], $0x4000, $0x38;
	[tilespmem:$0x19000] =	vst v63  }
0x71: {  	_ =	swait.ge [sflag:s24], $0x4000  }
0x72: {  	[sflag:s24] =	ssyncset.done $0x0  }
0x73: {  	[sflag:s24] =	ssyncadd.s32 $0xFFFFC000  }
0x74: {  	[tilespmem:s23], [sflag:$0x2] =	stream.linear.gather [spmem:s17], $0x4000, $0x38;
	[tilespmem:$0x19000] =	vst v63  }
0x75: {  	_ =	swait.ge [sflag:s24], $0x4000  }
0x76: {  	[sflag:s24] =	ssyncset.done $0x0  }
0x77: {  	[sflag:s24] =	ssyncadd.s32 $0xFFFFC000  }
0x78: {  	[hbm4b:s18+s2] =	stream.linear.scatter [tilespmem:s23], [sflag:$0x2], $0x4000, $0x38;
	[tilespmem:$0x19000] =	vst v63  }
0x79: {  	_ =	swait.ge [sflag:s24], $0x4000  }
0x7a: {  	[sflag:s24] =	ssyncset.done $0x0  }
0x7b: {  	[sflag:s24] =	ssyncadd.s32 $0xFFFFC000  }
0x7c: {  	[tilespmem:s23], [sflag:$0x2] =	stream.linear.gather [spmem:s19], $0x4000, $0x38;
	[tilespmem:$0x19000] =	vst v63  }
0x7d: {  	_ =	swait.ge [sflag:s24], $0x4000  }
0x7e: {  	[sflag:s24] =	ssyncset.done $0x0  }
0x7f: {  	[sflag:s24] =	ssyncadd.s32 $0xFFFFC000  }
0x80: {  	[hbm4b:s20+s2] =	stream.linear.scatter [tilespmem:s23], [sflag:$0x2], $0x4000, $0x38;
	[tilespmem:$0x19000] =	vst v63  }
0x81: {  	_ =	swait.ge [sflag:s24], $0x4000  }
0x82: {  	[sflag:s24] =	ssyncset.done $0x0  }
0x83: {  	[sflag:s24] =	ssyncadd.s32 $0xFFFFC000  }
0x84: {  	[tilespmem:s23], [sflag:$0x2] =	stream.linear.gather [spmem:s21], $0x4000, $0x38;
	[tilespmem:$0x19000] =	vst v63  }
0x85: {  	_ =	swait.ge [sflag:s24], $0x4000  }
0x86: {  	[sflag:s24] =	ssyncset.done $0x0  }
0x87: {  	[sflag:s24] =	ssyncadd.s32 $0xFFFFC000  }
0x88: {  	[hbm4b:s22+s2] =	stream.linear.scatter [tilespmem:s23], [sflag:$0x2], $0x4000, $0x38;
	[tilespmem:$0x19000] =	vst v63  }
0x89: {  	_ =	swait.ge [sflag:s24], $0x4000  }
0x8a: {  	s29 =	sadd.s32 $0x1, s29;
	s0 =	rddreg [dreg:$0x4]  }
0x8b: {  	p0 =	sne.s32 s29, s0  }
.Ltmp3:
0x8c: {  	_ = 	snop;
	(pc) =	sbr.rel @p0 .LBB2_1-.Ltmp3, $3  }
0x8d: {  	_ =	sdelay $0x1  }
0x8e: {  	[sflag:s24] =	ssyncset.done $0x0  }
0x8f: {  	[sflag:s24] =	ssyncadd.s32 $0xFFFFC000  }
0x90: {  	_ =	sfence.sel $0x180000  }
0x91: {  	[bflag:$0x0] =	sbarrier.arrive $0xFFFF  }
0x92: {  	_ =	strace $0x90000050  }
0x93: {  	s0 =	stileid.u32;
	[bflag:$0x2] =	sbarrier.arrive $0xFFFF  }
0x94: {  	p0 =	sne.s32 s0, $0x0;
	s0 =	rddreg [dreg:$0x3]  }
0x95: {  	s0 =	sadd.s32 @!p0 $0x100000, s0  }
0x96: {  	[sflag:s0] =	ssyncadd.tile.s32 @!p0 $0x1;
	_ =	shalt  }
.Lfunc_end2:
_tile_overlayer_lowered:
.L_overlay_start_2:
0x97: {  	(tag) =	ssettag $0x2  }
0x98: {  	s0 =	rddreg [dreg:$0x0];
	s2 =	stileid.u32  }
0x99: {  	s1 =	rddreg [dreg:$0x1];
	p0 =	sne.s32 s2, $0x0  }
0x9a: {  	s3 =	rddreg [dreg:$0x2];
	[bflag:$0x3] =	sbarrier.arrive $0xFFFF;
	s2 =	simm.s32 @!p0 $0x1C02  }
0x9b: {  	[timem:s3], [sflag:s2] =	dma.local @!p0 [hbm:s0], s1  }
0x9c: {  	s0 =	simm.s32 @!p0 $0x2  }
0x9d: {  	_ =	swait.ge @!p0 [sflag:s0], s1  }
0x9e: {  	s1 =	ssub.s32 @!p0 $0x0, s1;
	[sflag:s0] =	ssyncset.done @!p0 $0x0  }
0x9f: {  	[sflag:s0] =	ssyncadd.s32 @!p0 s1  }
0xa0: {  	[bflag:$0x3] =	sbarrier.arrive $0xFFFF  }
0xa1: {  	_ =	shalt  }

// kernel: sc_agg128.5.cloned.1.call-start
scs
__scs_entry_jumppad:
0x0: {  	(pc) =	sbr.rel $0x88, $3  }
0x1: {  	(tag) =	ssettag $0x0;
	lr =	simm.s32 $0x1  }
0x2: {  	[smem:$0x3F93] =	sst lr;
	_ =	strace $0xD0000000  }
0x3: {  	_ = 	snop  }
0x4: {  	_ = 	snop  }
0x5: {  	_ = 	snop  }
0x6: {  	_ = 	snop  }
0x7: {  	_ = 	snop  }
__scs_overlays_trampoline_lowered:
0x8: {  	[smem:$0x3FA2] =	sst s0  }
0x9: {  	[smem:$0x3FA3] =	sst s1  }
0xa: {  	[smem:$0x3FA4] =	sst s2  }
0xb: {  	[smem:$0x3FA5] =	sst s3  }
0xc: {  	[smem:$0x3FA6] =	sst s4  }
0xd: {  	[smem:$0x3FA7] =	sst s5  }
0xe: {  	[smem:$0x3FA8] =	sst s6  }
0xf: {  	[smem:$0x3FA9] =	sst s7  }
0x10: {  	[smem:$0x3FAA] =	sst s8  }
0x11: {  	[smem:$0x3FAB] =	sst s9;
	s0 =	simm.s32 @!p0 $0x0  }
0x12: {  	s1 =	sld [smem:$0x3F91];
	s0 =	simm.s32 @p0 $0x1  }
0x13: {  	[smem:$0x3FAC] =	sst s0;
	s0 =	simm.s32 @!p1 $0x0  }
0x14: {  	s2 =	sld [smem:$0x3F90];
	s0 =	simm.s32 @p1 $0x1  }
0x15: {  	[smem:$0x3FAD] =	sst s0;
	s0 =	simm.s32 @!p2 $0x0  }
0x16: {  	s3 =	sld [smem:$0x3FDB];
	s0 =	simm.s32 @p2 $0x1  }
0x17: {  	s4 =	simm.s32 $0x1BF5;
	[smem:$0x3FAF] =	sst s0  }
0x18: {  	s0 =	sld [smem:$0x3F92];
	_ =	swait.ge [sflag:s4], $0x0  }
0x19: {  	s7 =	sld [smem:$0x3F93]  }
0x1a: {  	s8 =	sadd.s32 $0xFFFFE003, lr  }
0x1b: {  	s9 =	sadd.s32 $0xFFFFFEF7, lr;
	s5 =	simm.s32 $0xFFFFFFFF;
	p2 =	slt.u32 s8, $0xFFFFF086  }
0x1c: {  	p1 =	slt.u32 s9, $0xF7A;
	s5 =	simm.s32 @!p2 $0x0  }
0x1d: {  	s5 =	simm.s32 @p1 $0x1;
	p0 =	seq.s32 s7, s2  }
0x1e: {  	s7 =	smul.u32 @!p0 $0xF7A, s2;
	p2 =	seq.s32 @!p0 s5, $0x0  }
0x1f: {  	s9 =	smul.u32 $0xF7A, s1;
	s8 =	simm.s32 @!p0 $0x1BF5;
	p2 =	por !p2, p0  }
0x20: {  	[sflag:s8] =	ssyncset.s32 @!p0 $0xFFFFF086;
	s6 =	sadd.s32 @!p0 s3, s7;
	s7 =	simm.s32 @!p0 $0x108  }
0x21: {  	s3 =	sadd.s32 s3, s9;
	s6 =	sadd.s32 @!p0 $0x88, s6;
	s7 =	simm.s32 @p2 $0x1082  }
0x22: {  	[simem:s7], [sflag:s8] =	dma.local @!p0 [hbm:s6], $0xF7A  }
0x23: {  	s9 =	sor.u32 $0xD0000000, s2;
	s6 =	simm.s32 $0x108;
	_ =	swait.ge @!p0 [sflag:s8], $0x0  }
0x24: {  	s3 =	sadd.s32 $0x88, s3;
	s6 =	simm.s32 @!p1 $0x1082;
	[sflag:s4] =	ssyncset.s32 $0xFFFFF086  }
0x25: {  	[simem:s6], [sflag:s4] =	dma.local [hbm:s3], $0xF7A  }
0x26: {  	[smem:$0x3F93] =	sst s1;
	(tag) =	ssettag s2;
	_ =	strace s9  }
0x27: {  	s1 =	sld [smem:$0x3FA3]  }
0x28: {  	s2 =	sld [smem:$0x3FA4]  }
0x29: {  	s4 =	sld [smem:$0x3FA6]  }
0x2a: {  	p0 =	seq.s32 s5, $0x0;
	s5 =	sld [smem:$0x3FA7]  }
0x2b: {  	s6 =	sld [smem:$0x3FA8]  }
0x2c: {  	s7 =	sld [smem:$0x3FA9]  }
0x2d: {  	s3 =	simm.s32 $0x108;
	s8 =	sld [smem:$0x3FAA]  }
0x2e: {  	s3 =	simm.s32 @!p0 $0x1082;
	s9 =	sld [smem:$0x3FAB]  }
0x2f: {  	lr =	sadd.s32 s0, s3;
	s0 =	sld [smem:$0x3FA2]  }
0x30: {  	s3 =	sld [smem:$0x3FA5]  }
0x31: {  	[smem:$0x3FAE] =	sst s10  }
0x32: {  	s10 =	sld [smem:$0x3FAC];
	_ =	sdelay $0x3  }
0x33: {  	p0 =	seq.s32 s10, $0x1;
	s10 =	sld [smem:$0x3FAE];
	_ =	sdelay $0x3  }
0x34: {  	[smem:$0x3FAE] =	sst s10  }
0x35: {  	s10 =	sld [smem:$0x3FAD];
	_ =	sdelay $0x3  }
0x36: {  	p1 =	seq.s32 s10, $0x1;
	s10 =	sld [smem:$0x3FAE];
	_ =	sdelay $0x3  }
0x37: {  	[smem:$0x3FAE] =	sst s10  }
0x38: {  	s10 =	sld [smem:$0x3FAF]  }
0x39: {  	_ = 	snop;
	(pc) =	sbr.ind lr, $3  }
0x3a: {  	_ = 	snop  }
0x3b: {  	_ = 	snop  }
0x3c: {  	p2 =	seq.s32 s10, $0x1;
	s10 =	sld [smem:$0x3FAE]  }
0x3d: {  	_ =	shalt  }
0x3e: {  	_ =	shalt  }
0x3f: {  	_ =	shalt  }
0x40: {  	_ =	shalt  }
0x41: {  	_ =	shalt  }
0x42: {  	_ =	shalt  }
0x43: {  	_ =	shalt  }
0x44: {  	_ =	shalt  }
0x45: {  	_ =	shalt  }
0x46: {  	_ =	shalt  }
0x47: {  	_ =	shalt  }
0x48: {  	_ =	shalt  }
0x49: {  	_ =	shalt  }
0x4a: {  	_ =	shalt  }
0x4b: {  	_ =	shalt  }
0x4c: {  	_ =	shalt  }
0x4d: {  	_ =	shalt  }
0x4e: {  	_ =	shalt  }
0x4f: {  	_ =	shalt  }
0x50: {  	_ =	shalt  }
0x51: {  	_ =	shalt  }
0x52: {  	_ =	shalt  }
0x53: {  	_ =	shalt  }
0x54: {  	_ =	shalt  }
0x55: {  	_ =	shalt  }
0x56: {  	_ =	shalt  }
0x57: {  	_ =	shalt  }
0x58: {  	_ =	shalt  }
0x59: {  	_ =	shalt  }
0x5a: {  	_ =	shalt  }
0x5b: {  	_ =	shalt  }
0x5c: {  	_ =	shalt  }
0x5d: {  	_ =	shalt  }
0x5e: {  	_ =	shalt  }
0x5f: {  	_ =	shalt  }
0x60: {  	_ =	shalt  }
0x61: {  	_ =	shalt  }
0x62: {  	_ =	shalt  }
0x63: {  	_ =	shalt  }
0x64: {  	_ =	shalt  }
0x65: {  	_ =	shalt  }
0x66: {  	_ =	shalt  }
0x67: {  	_ =	shalt  }
0x68: {  	_ =	shalt  }
0x69: {  	_ =	shalt  }
0x6a: {  	_ =	shalt  }
0x6b: {  	_ =	shalt  }
0x6c: {  	_ =	shalt  }
0x6d: {  	_ =	shalt  }
0x6e: {  	_ =	shalt  }
0x6f: {  	_ =	shalt  }
0x70: {  	_ =	shalt  }
0x71: {  	_ =	shalt  }
0x72: {  	_ =	shalt  }
0x73: {  	_ =	shalt  }
0x74: {  	_ =	shalt  }
0x75: {  	_ =	shalt  }
0x76: {  	_ =	shalt  }
0x77: {  	_ =	shalt  }
0x78: {  	_ =	shalt  }
0x79: {  	_ =	shalt  }
0x7a: {  	_ =	shalt  }
0x7b: {  	_ =	shalt  }
0x7c: {  	_ =	shalt  }
0x7d: {  	_ =	shalt  }
0x7e: {  	_ =	shalt  }
0x7f: {  	_ =	shalt  }
0x80: {  	_ =	shalt  }
0x81: {  	_ =	shalt  }
0x82: {  	_ =	shalt  }
0x83: {  	_ =	shalt  }
0x84: {  	_ =	shalt  }
0x85: {  	_ =	shalt  }
0x86: {  	_ =	shalt  }
0x87: {  	_ =	shalt  }
.Lfunc_end0:
.L_simem_size_0:
called_computation.1_lowered:
.L_overlay_start_0:
0x88: {  	s2 =	sld [smem:$0x3FD9]  }
0x89: {  	s3 =	sld [smem:$0x3FFE];
	_ =	sdelay $0x1  }
0x8a: {  	s1 =	srdreg.scid  }
0x8b: {  	s0 =	sand.u32 $0x1, s1  }
0x8c: {  	s17 =	sshll.u32 s0, $0xA;
	s2 =	sadd.s32 s3, s2  }
0x8d: {  	s2 =	sadd.s32 s2, s17  }
0x8e: {  	[smem:$0x3FBA] =	sst s2  }
0x8f: {  	_ = 	snop  }
0x90: {  	s2 =	sld [smem:$0x3FD0];
	(tm) =	ssettm $0x1  }
0x91: {  	s18 =	sld [smem:$0x3FFB];
	_ =	sdelay $0x3  }
0x92: {  	_ =	strace s18  }
0x93: {  	s3 =	sld [smem:$0x3FFC];
	_ =	sdelay $0x3  }
0x94: {  	_ =	strace s3  }
0x95: {  	s3 =	sld [smem:$0x3FFD];
	_ =	sdelay $0x3  }
0x96: {  	_ =	strace s3  }
0x97: {  	_ =	strace $0x8FFFFFFF  }
0x98: {  	s19 =	sld [smem:$0x3FDB];
	_ =	sdelay $0x1  }
0x99: {  	s4 =	simm.s32 $_scs_section_size  }
0x9a: {  	s5 =	simm.s32 $_size__tile_overlayer_lowered;
	s6 =	simm.s32 $_tile_overlayer_lowered  }
0x9b: {  	s22 =	simm.s32 $0x1BFF;
	s21 =	sshll.u32 s6, $0x1;
	s3 =	sadd.s32 s4, s19  }
0x9c: {  	s7 =	simm.s32 $0x0;
	s20 =	sshll.u32 s5, $0x1;
	s5 =	sadd.s32 s21, s3  }
0x9d: {  	[timem:s7], [sflag:s22] =	dma.local [hbm:s5], s20  }
0x9e: {  	_ =	swait.ge [sflag:s22], s20  }
0x9f: {  	s4 =	ssub.s32 $0x0, s20;
	[sflag:s22] =	ssyncset.done $0x0  }
0xa0: {  	[sflag:s22] =	ssyncadd.s32 s4;
	_ =	sdelay $0x1  }
0xa1: {  	s23 =	simm.s32 $0x1B8B  }
0xa2: {  	_ =	swait.ge [sflag:s23], $0x1  }
0xa3: {  	[sflag:s23] =	ssyncset.done $0x0  }
0xa4: {  	s25 =	simm.s32 $0x1B8E;
	s24 =	sld [smem:$0x3FFE];
	[sflag:s23] =	ssyncadd.s32 $0xFFFFFFFF  }
0xa5: {  	s26 =	simm.s32 $execute0_lowered;
	[smem:$0x3FD2] =	sst s25  }
0xa6: {  	s5 =	sshll.u32 s26, $0x1;
	_ =	strace $0x80000046;
	[dreg:$0x1] =	wrdreg $0xFFFFFFFF  }
0xa7: {  	s28 =	simm.s32 $_size_execute0_lowered;
	s3 =	sadd.s32 s3, s5;
	[dreg:$0x0] =	wrdreg $0x0  }
0xa8: {  	s5 =	sshll.u32 s28, $0x1;
	[dreg:$0x2] =	wrdreg s3  }
0xa9: {  	[dreg:$0x3] =	wrdreg s5  }
0xaa: {  	[dreg:$0x4] =	wrdreg $0xC0  }
0xab: {  	_ =	task [dreg:s7], $0x5FFFF  }
0xac: {  	[dreg:$0x1] =	wrdreg $0xFFFFFFFF  }
0xad: {  	[dreg:$0x0] =	wrdreg $0x60  }
0xae: {  	[dreg:$0x2] =	wrdreg s24  }
0xaf: {  	[dreg:$0x3] =	wrdreg s2  }
0xb0: {  	[dreg:$0x4] =	wrdreg $0x50000  }
0xb1: {  	[dreg:$0x5] =	wrdreg $0xA  }
0xb2: {  	_ =	task.clear_ibuf [dreg:s7], $0x6FFFF;
	_ =	strace $0x90000046  }
0xb3: {  	s29 =	simm.s32 $0xA;
	_ =	strace $0x80000048  }
0xb4: {  	_ =	swait.ge [sflag:s29], $0x1  }
0xb5: {  	[sflag:s29] =	ssyncadd.s32 $0xFFFFFFFF  }
0xb6: {  	_ =	strace $0x90000048  }
0xb7: {  	_ =	sfence  }
0xb8: {  	s30 =	sld [smem:$0x0];
	_ =	sdelay $0x2  }
0xb9: {  	s31 =	sshll.u32 s1, $0xD;
	s1 =	sshrl.u32 s1, $0x2  }
0xba: {  	s3 =	sand.u32 $0x4000, s31;
	s1 =	sadd.s32 s1, s30  }
0xbb: {  	s0 =	sor.u32 s3, s0;
	s1 =	sshll.u32 s1, $0x11  }
0xbc: {  	s0 =	sor.u32 s1, s0  }
0xbd: {  	s0 =	sadd.s32 $0x8F2B, s0  }
0xbe: {  	[sflag:s0] =	ssyncadd.remote.s32 $0x1  }
0xbf: {  	_ =	sfence.sel $0xFFFF  }
0xc0: {  	[dreg:$0x0] =	wrdreg $0xFFFFFFFF;
	(pc) =	sbr.abs _section_cstart, $3  }
0xc1: {  	[dreg:$0x1] =	wrdreg $0xFFFFFFFF  }
0xc2: {  	_ =	task.clear_ibuf [dreg:s7], $0x2FFFF;
	_ =	strace $0x9FFFFFFF  }
0xc3: {  	(tm) =	ssettm $0x7FFFFFFF  }
tec
execute0_lowered:
.L_overlay_start_1:
0x0: {  	(tag) =	ssettag $0x1  }
0x1: {  	s0 =	rddreg [dreg:$0x0]  }
0x2: {  	s3 =	rddreg [dreg:$0x1]  }
0x3: {  	s1 =	rddreg [dreg:$0x2]  }
0x4: {  	s2 =	simm.s32 $0x0;
	s4 =	srdreg.scid;
	s11 =	stileid.u32  }
0x5: {  	s28 =	simm.s32 $0x1;
	s29 =	simm.s32 $0x0;
	[smem:$0x7FF] =	sst s2  }
0x6: {  	s8 =	sand.u32 $0x1, s4;
	s4 =	sadd.s32 $0x3A00, s0;
	s10 =	smul.u32 $0x50000, s11  }
0x7: {  	s5 =	sadd.s32 $0x2BA00, s0;
	s6 =	sadd.s32 $0x35A00, s0;
	s14 =	sshll.u32 s11, $0x1  }
0x8: {  	s19 =	smul.u32 $0x280, s11;
	_ =	strace $0x80000047;
	s7 =	ssub.s32 $0x2, s8  }
0x9: {  	s16 =	sor.u32 s8, s14;
	s20 =	smul.u32 $0x2800, s8;
	s9 =	sshrl.u32 s7, $0x1  }
0xa: {  	s15 =	sshrl.u32 s10, $0x2;
	s8 =	smul.u32 $0x2800, s16;
	s13 =	ssub.s32 s7, s9  }
0xb: {  	s7 =	sadd.s32 s15, s1;
	s18 =	sadd.s32 s20, s19;
	s15 =	sadd.s32 $0x80, s19  }
0xc: {  	s0 =	smax.u32 s13, $0x1;
	s17 =	sadd.s32 $0x4000, s7;
	s11 =	sadd.s32 $0x8000, s7  }
0xd: {  	s12 =	sadd.s32 $0xC000, s7;
	s13 =	sadd.s32 $0x10000, s7;
	[dreg:$0x4] =	wrdreg s0  }
0xe: {  	s21 =	sshll.u32 s15, $0x7;
	s16 =	sadd.s32 s20, s15;
	[dreg:$0x5] =	wrdreg s17  }
0xf: {  	s0 =	sshll.u32 s18, $0x4;
	s15 =	sadd.s32 s21, s1;
	s22 =	sshll.u32 s16, $0x4  }
0x10: {  	s17 =	sadd.s32 $0x100, s19;
	s21 =	sadd.s32 $0x180, s19;
	s14 =	sadd.s32 s3, s0  }
0x11: {  	s16 =	sadd.s32 s3, s22;
	s23 =	sshll.u32 s17, $0x7;
	s18 =	sadd.s32 s20, s17  }
0x12: {  	s25 =	sshll.u32 s21, $0x7;
	s22 =	sadd.s32 $0x200, s19;
	s26 =	sadd.s32 s20, s21  }
0x13: {  	s17 =	sadd.s32 s23, s1;
	s24 =	sshll.u32 s18, $0x4;
	s19 =	sadd.s32 s25, s1  }
0x14: {  	s20 =	sadd.s32 s20, s22;
	s0 =	sshll.u32 s26, $0x4;
	s30 =	sshll.u32 s22, $0x7  }
0x15: {  	s23 =	simm.s32 $0x1000;
	s25 =	simm.s32 $0x800;
	s26 =	simm.s32 $0x80  }
0x16: {  	s18 =	sadd.s32 s3, s24;
	s31 =	sshll.u32 s20, $0x4;
	s20 =	sadd.s32 s3, s0  }
0x17: {  	v0 =	vimm.f32 $0.0e+00;
	s21 =	sadd.s32 s30, s1;
	s24 =	simm.s32 $0x2;
	s22 =	sadd.s32 s3, s31  }
.LBB2_1:
0x18: {  	s30 =	simm.s32 $0x0;
	s0 =	simm.s32 $0x200  }
.LBB2_2:
0x19: {  	p0 =	sne.s32 s0, $0xFE00;
	[tilespmem:s30+$0x1070] =	vst v0  }
0x1a: {  	[tilespmem:s30+$0x1000] =	vst v0  }
0x1b: {  	[tilespmem:s30+$0x1010] =	vst v0  }
.Ltmp0:
0x1c: {  	[tilespmem:s30+$0x1020] =	vst v0;
	(pc) =	sbr.rel @p0 .LBB2_2-.Ltmp0, $4  }
0x1d: {  	[tilespmem:s30+$0x1030] =	vst v0  }
0x1e: {  	[tilespmem:s30+$0x1040] =	vst v0  }
0x1f: {  	[tilespmem:s30+$0x1050] =	vst v0  }
0x20: {  	[tilespmem:s30+$0x1060] =	vst v0;
	s30 =	sshra.s32 s0, $0x2;
	s0 =	sadd.s32 $0x200, s0  }
0x21: {  	[tilespmem:s30+$0x1070] =	vst v0  }
0x22: {  	[tilespmem:s30+$0x1000] =	vst v0  }
0x23: {  	[tilespmem:s30+$0x1010] =	vst v0  }
0x24: {  	[tilespmem:s30+$0x1020] =	vst v0  }
0x25: {  	[tilespmem:s30+$0x1030] =	vst v0  }
0x26: {  	[tilespmem:s30+$0x1040] =	vst v0  }
0x27: {  	[tilespmem:s30+$0x1050] =	vst v0  }
0x28: {  	[tilespmem:s30+$0x1060] =	vst v0  }
0x29: {  	[spmem:s7] =	stream.linear.scatter [tilespmem:s23], [sflag:$0x2], $0x4000, $0x38;
	[tilespmem:$0x19000] =	vst v63  }
0x2a: {  	_ =	swait.ge [sflag:s24], $0x4000  }
0x2b: {  	[sflag:s24] =	ssyncset.done $0x0  }
0x2c: {  	s0 =	rddreg [dreg:$0x5];
	[sflag:s24] =	ssyncadd.s32 $0xFFFFC000  }
0x2d: {  	[spmem:s0] =	stream.linear.scatter [tilespmem:s23], [sflag:$0x2], $0x4000, $0x38;
	[tilespmem:$0x19000] =	vst v63  }
0x2e: {  	_ =	swait.ge [sflag:s24], $0x4000  }
0x2f: {  	[sflag:s24] =	ssyncset.done $0x0  }
0x30: {  	[sflag:s24] =	ssyncadd.s32 $0xFFFFC000  }
0x31: {  	[spmem:s11] =	stream.linear.scatter [tilespmem:s23], [sflag:$0x2], $0x4000, $0x38;
	[tilespmem:$0x19000] =	vst v63  }
0x32: {  	_ =	swait.ge [sflag:s24], $0x4000  }
0x33: {  	[sflag:s24] =	ssyncset.done $0x0  }
0x34: {  	[sflag:s24] =	ssyncadd.s32 $0xFFFFC000  }
0x35: {  	[spmem:s12] =	stream.linear.scatter [tilespmem:s23], [sflag:$0x2], $0x4000, $0x38;
	[tilespmem:$0x19000] =	vst v63  }
0x36: {  	_ =	swait.ge [sflag:s24], $0x4000  }
0x37: {  	[sflag:s24] =	ssyncset.done $0x0  }
0x38: {  	[sflag:s24] =	ssyncadd.s32 $0xFFFFC000  }
0x39: {  	[spmem:s13] =	stream.linear.scatter [tilespmem:s23], [sflag:$0x2], $0x4000, $0x38;
	[tilespmem:$0x19000] =	vst v63  }
0x3a: {  	_ =	swait.ge [sflag:s24], $0x4000  }
0x3b: {  	[sflag:s24] =	ssyncset.done $0x0  }
0x3c: {  	[sflag:s24] =	ssyncadd.s32 $0xFFFFC000  }
0x3d: {  	s30 =	simm.s32 $0x0;
	s31 =	simm.s32 $0x0;
	[bflag:$0x0] =	sbarrier.arrive $0xFFFF  }
.LBB2_4:
0x3e: {  	s0 =	sshll.u32 s31, $0xB  }
0x3f: {  	s0 =	sadd.s32 s8, s0  }
0x40: {  	s0 =	sshrl.u32 s0, $0x3  }
0x41: {  	s3 =	sadd.s32 s5, s0  }
0x42: {  	[tilespmem:s30], [sflag:$0x2] =	stream.linear.gather [hbm4b:s3+s30], $0x800, $0x38;
	[tilespmem:$0x19000] =	vst v63  }
0x43: {  	_ =	swait.ge [sflag:s24], $0x800  }
0x44: {  	[sflag:s24] =	ssyncset.done $0x0  }
0x45: {  	s0 =	sadd.s32 s6, s0;
	[sflag:s24] =	ssyncadd.s32 $0xFFFFF800  }
0x46: {  	[tilespmem:s25], [sflag:$0x2] =	stream.linear.gather [hbm4b:s0+s30], $0x800, $0x38;
	[tilespmem:$0x19000] =	vst v63  }
0x47: {  	_ =	swait.ge [sflag:s24], $0x800  }
0x48: {  	[sflag:s24] =	ssyncset.done $0x0  }
0x49: {  	s9 =	simm.s32 $0x0;
	[sflag:s24] =	ssyncadd.s32 $0xFFFFF800  }
0x4a: {  	[tilespmem:s23], [sflag:$0x1] =	stream.indirect.gather [hbm4b:s4+s26], $0x80, s9, s26, $0xb8;
	[tilespmem:$0x19000] =	vst v63  }
0x4b: {  	_ =	swait.ge [sflag:s28], $0x4000  }
0x4c: {  	[sflag:s28] =	ssyncset.done $0x0  }
0x4d: {  	s10 =	simm.s32 $0x800;
	[sflag:s28] =	ssyncadd.s32 $0xFFFFC000  }
0x4e: {  	[spmem:s1] =	stream.indirect.scatter.add.f32 [tilespmem:s23], [sflag:$0x2], $0x80, s10, s26, $0xb8;
	[tilespmem:$0x19000] =	vst v63  }
0x4f: {  	_ =	swait.ge [sflag:s24], $0x4000  }
0x50: {  	s3 =	simm.s32 $0x400;
	s0 =	simm.s32 $0x200;
	[sflag:s24] =	ssyncset.done $0x0  }
.LBB2_5:
0x51: {  	s9 =	sshra.s32 s0, $0x2  }
0x52: {  	[sflag:s24] =	ssyncadd.s32 $0xFFFFC000;
	s0 =	smov.u32 s3;
	s10 =	sadd.s32 $0x200, s3  }
0x53: {  	[tilespmem:s23], [sflag:$0x1] =	stream.indirect.gather [hbm4b:s4+s26], $0x80, s9, s26, $0xb8;
	[tilespmem:$0x19000] =	vst v63  }
0x54: {  	p0 =	sne.s32 s3, $0x1E00;
	_ =	swait.ge [sflag:s28], $0x4000  }
.Ltmp1:
0x55: {  	[sflag:s28] =	ssyncset.done $0x0;
	(pc) =	sbr.rel @p0 .LBB2_5-.Ltmp1, $4  }
0x56: {  	s3 =	sadd.s32 $0x800, s9;
	[sflag:s28] =	ssyncadd.s32 $0xFFFFC000  }
0x57: {  	[spmem:s1] =	stream.indirect.scatter.add.f32 [tilespmem:s23], [sflag:$0x2], $0x80, s3, s26, $0xb8;
	[tilespmem:$0x19000] =	vst v63  }
0x58: {  	_ =	swait.ge [sflag:s24], $0x4000  }
0x59: {  	s3 =	smov.u32 s10;
	[sflag:s24] =	ssyncset.done $0x0  }
0x5a: {  	s0 =	sshra.s32 s0, $0x2;
	[sflag:s24] =	ssyncadd.s32 $0xFFFFC000  }
0x5b: {  	[tilespmem:s23], [sflag:$0x1] =	stream.indirect.gather [hbm4b:s4+s26], $0x80, s0, s26, $0xb8;
	[tilespmem:$0x19000] =	vst v63  }
0x5c: {  	s31 =	sadd.s32 $0x1, s31;
	_ =	swait.ge [sflag:s28], $0x4000  }
0x5d: {  	p0 =	sne.s32 s31, $0x5;
	[sflag:s28] =	ssyncset.done $0x0  }
.Ltmp2:
0x5e: {  	s0 =	sadd.s32 $0x800, s0;
	[sflag:s28] =	ssyncadd.s32 $0xFFFFC000;
	(pc) =	sbr.rel @p0 .LBB2_4-.Ltmp2, $4  }
0x5f: {  	[spmem:s1] =	stream.indirect.scatter.add.f32 [tilespmem:s23], [sflag:$0x2], $0x80, s0, s26, $0xb8;
	[tilespmem:$0x19000] =	vst v63  }
0x60: {  	_ =	swait.ge [sflag:s24], $0x4000  }
0x61: {  	[sflag:s24] =	ssyncset.done $0x0  }
0x62: {  	[sflag:s24] =	ssyncadd.s32 $0xFFFFC000  }
0x63: {  	[bflag:$0x0] =	sbarrier.arrive $0xFFFF  }
0x64: {  	[tilespmem:s23], [sflag:$0x2] =	stream.linear.gather [spmem:s7], $0x4000, $0x38;
	[tilespmem:$0x19000] =	vst v63  }
0x65: {  	_ =	swait.ge [sflag:s24], $0x4000  }
0x66: {  	[sflag:s24] =	ssyncset.done $0x0  }
0x67: {  	[sflag:s24] =	ssyncadd.s32 $0xFFFFC000  }
0x68: {  	[hbm4b:s14+s2] =	stream.linear.scatter [tilespmem:s23], [sflag:$0x2], $0x4000, $0x38;
	[tilespmem:$0x19000] =	vst v63  }
0x69: {  	_ =	swait.ge [sflag:s24], $0x4000  }
0x6a: {  	[sflag:s24] =	ssyncset.done $0x0  }
0x6b: {  	[sflag:s24] =	ssyncadd.s32 $0xFFFFC000  }
0x6c: {  	[tilespmem:s23], [sflag:$0x2] =	stream.linear.gather [spmem:s15], $0x4000, $0x38;
	[tilespmem:$0x19000] =	vst v63  }
0x6d: {  	_ =	swait.ge [sflag:s24], $0x4000  }
0x6e: {  	[sflag:s24] =	ssyncset.done $0x0  }
0x6f: {  	[sflag:s24] =	ssyncadd.s32 $0xFFFFC000  }
0x70: {  	[hbm4b:s16+s2] =	stream.linear.scatter [tilespmem:s23], [sflag:$0x2], $0x4000, $0x38;
	[tilespmem:$0x19000] =	vst v63  }
0x71: {  	_ =	swait.ge [sflag:s24], $0x4000  }
0x72: {  	[sflag:s24] =	ssyncset.done $0x0  }
0x73: {  	[sflag:s24] =	ssyncadd.s32 $0xFFFFC000  }
0x74: {  	[tilespmem:s23], [sflag:$0x2] =	stream.linear.gather [spmem:s17], $0x4000, $0x38;
	[tilespmem:$0x19000] =	vst v63  }
0x75: {  	_ =	swait.ge [sflag:s24], $0x4000  }
0x76: {  	[sflag:s24] =	ssyncset.done $0x0  }
0x77: {  	[sflag:s24] =	ssyncadd.s32 $0xFFFFC000  }
0x78: {  	[hbm4b:s18+s2] =	stream.linear.scatter [tilespmem:s23], [sflag:$0x2], $0x4000, $0x38;
	[tilespmem:$0x19000] =	vst v63  }
0x79: {  	_ =	swait.ge [sflag:s24], $0x4000  }
0x7a: {  	[sflag:s24] =	ssyncset.done $0x0  }
0x7b: {  	[sflag:s24] =	ssyncadd.s32 $0xFFFFC000  }
0x7c: {  	[tilespmem:s23], [sflag:$0x2] =	stream.linear.gather [spmem:s19], $0x4000, $0x38;
	[tilespmem:$0x19000] =	vst v63  }
0x7d: {  	_ =	swait.ge [sflag:s24], $0x4000  }
0x7e: {  	[sflag:s24] =	ssyncset.done $0x0  }
0x7f: {  	[sflag:s24] =	ssyncadd.s32 $0xFFFFC000  }
0x80: {  	[hbm4b:s20+s2] =	stream.linear.scatter [tilespmem:s23], [sflag:$0x2], $0x4000, $0x38;
	[tilespmem:$0x19000] =	vst v63  }
0x81: {  	_ =	swait.ge [sflag:s24], $0x4000  }
0x82: {  	[sflag:s24] =	ssyncset.done $0x0  }
0x83: {  	[sflag:s24] =	ssyncadd.s32 $0xFFFFC000  }
0x84: {  	[tilespmem:s23], [sflag:$0x2] =	stream.linear.gather [spmem:s21], $0x4000, $0x38;
	[tilespmem:$0x19000] =	vst v63  }
0x85: {  	_ =	swait.ge [sflag:s24], $0x4000  }
0x86: {  	[sflag:s24] =	ssyncset.done $0x0  }
0x87: {  	[sflag:s24] =	ssyncadd.s32 $0xFFFFC000  }
0x88: {  	[hbm4b:s22+s2] =	stream.linear.scatter [tilespmem:s23], [sflag:$0x2], $0x4000, $0x38;
	[tilespmem:$0x19000] =	vst v63  }
0x89: {  	_ =	swait.ge [sflag:s24], $0x4000  }
0x8a: {  	s29 =	sadd.s32 $0x1, s29;
	s0 =	rddreg [dreg:$0x4]  }
0x8b: {  	p0 =	sne.s32 s29, s0  }
.Ltmp3:
0x8c: {  	_ = 	snop;
	(pc) =	sbr.rel @p0 .LBB2_1-.Ltmp3, $3  }
0x8d: {  	_ =	sdelay $0x1  }
0x8e: {  	[sflag:s24] =	ssyncset.done $0x0  }
0x8f: {  	[sflag:s24] =	ssyncadd.s32 $0xFFFFC000  }
0x90: {  	_ =	sfence.sel $0x180000  }
0x91: {  	[bflag:$0x0] =	sbarrier.arrive $0xFFFF  }
0x92: {  	_ =	strace $0x90000047  }
0x93: {  	s0 =	stileid.u32;
	[bflag:$0x2] =	sbarrier.arrive $0xFFFF  }
0x94: {  	p0 =	sne.s32 s0, $0x0;
	s0 =	rddreg [dreg:$0x3]  }
0x95: {  	s0 =	sadd.s32 @!p0 $0x100000, s0  }
0x96: {  	[sflag:s0] =	ssyncadd.tile.s32 @!p0 $0x1;
	_ =	shalt  }
.Lfunc_end2:
_tile_overlayer_lowered:
.L_overlay_start_2:
0x97: {  	(tag) =	ssettag $0x2  }
0x98: {  	s0 =	rddreg [dreg:$0x0];
	s2 =	stileid.u32  }
0x99: {  	s1 =	rddreg [dreg:$0x1];
	p0 =	sne.s32 s2, $0x0  }
0x9a: {  	s3 =	rddreg [dreg:$0x2];
	[bflag:$0x3] =	sbarrier.arrive $0xFFFF;
	s2 =	simm.s32 @!p0 $0x1C02  }
0x9b: {  	[timem:s3], [sflag:s2] =	dma.local @!p0 [hbm:s0], s1  }
0x9c: {  	s0 =	simm.s32 @!p0 $0x2  }
0x9d: {  	_ =	swait.ge @!p0 [sflag:s0], s1  }
0x9e: {  	s1 =	ssub.s32 @!p0 $0x0, s1;
	[sflag:s0] =	ssyncset.done @!p0 $0x0  }
0x9f: {  	[sflag:s0] =	ssyncadd.s32 @!p0 s1  }
0xa0: {  	[bflag:$0x3] =	sbarrier.arrive $0xFFFF  }
0xa1: {  	_ =	shalt  }

// kernel: sc_agg128.8.cloned.1.call-start
scs
__scs_entry_jumppad:
0x0: {  	(pc) =	sbr.rel $0x88, $3  }
0x1: {  	(tag) =	ssettag $0x0;
	lr =	simm.s32 $0x1  }
0x2: {  	[smem:$0x3F93] =	sst lr;
	_ =	strace $0xD0000000  }
0x3: {  	_ = 	snop  }
0x4: {  	_ = 	snop  }
0x5: {  	_ = 	snop  }
0x6: {  	_ = 	snop  }
0x7: {  	_ = 	snop  }
__scs_overlays_trampoline_lowered:
0x8: {  	[smem:$0x3FA2] =	sst s0  }
0x9: {  	[smem:$0x3FA3] =	sst s1  }
0xa: {  	[smem:$0x3FA4] =	sst s2  }
0xb: {  	[smem:$0x3FA5] =	sst s3  }
0xc: {  	[smem:$0x3FA6] =	sst s4  }
0xd: {  	[smem:$0x3FA7] =	sst s5  }
0xe: {  	[smem:$0x3FA8] =	sst s6  }
0xf: {  	[smem:$0x3FA9] =	sst s7  }
0x10: {  	[smem:$0x3FAA] =	sst s8  }
0x11: {  	[smem:$0x3FAB] =	sst s9;
	s0 =	simm.s32 @!p0 $0x0  }
0x12: {  	s1 =	sld [smem:$0x3F91];
	s0 =	simm.s32 @p0 $0x1  }
0x13: {  	[smem:$0x3FAC] =	sst s0;
	s0 =	simm.s32 @!p1 $0x0  }
0x14: {  	s2 =	sld [smem:$0x3F90];
	s0 =	simm.s32 @p1 $0x1  }
0x15: {  	[smem:$0x3FAD] =	sst s0;
	s0 =	simm.s32 @!p2 $0x0  }
0x16: {  	s3 =	sld [smem:$0x3FDB];
	s0 =	simm.s32 @p2 $0x1  }
0x17: {  	s4 =	simm.s32 $0x1BF5;
	[smem:$0x3FAF] =	sst s0  }
0x18: {  	s0 =	sld [smem:$0x3F92];
	_ =	swait.ge [sflag:s4], $0x0  }
0x19: {  	s7 =	sld [smem:$0x3F93]  }
0x1a: {  	s8 =	sadd.s32 $0xFFFFE003, lr  }
0x1b: {  	s9 =	sadd.s32 $0xFFFFFEF7, lr;
	s5 =	simm.s32 $0xFFFFFFFF;
	p2 =	slt.u32 s8, $0xFFFFF086  }
0x1c: {  	p1 =	slt.u32 s9, $0xF7A;
	s5 =	simm.s32 @!p2 $0x0  }
0x1d: {  	s5 =	simm.s32 @p1 $0x1;
	p0 =	seq.s32 s7, s2  }
0x1e: {  	s7 =	smul.u32 @!p0 $0xF7A, s2;
	p2 =	seq.s32 @!p0 s5, $0x0  }
0x1f: {  	s9 =	smul.u32 $0xF7A, s1;
	s8 =	simm.s32 @!p0 $0x1BF5;
	p2 =	por !p2, p0  }
0x20: {  	[sflag:s8] =	ssyncset.s32 @!p0 $0xFFFFF086;
	s6 =	sadd.s32 @!p0 s3, s7;
	s7 =	simm.s32 @!p0 $0x108  }
0x21: {  	s3 =	sadd.s32 s3, s9;
	s6 =	sadd.s32 @!p0 $0x88, s6;
	s7 =	simm.s32 @p2 $0x1082  }
0x22: {  	[simem:s7], [sflag:s8] =	dma.local @!p0 [hbm:s6], $0xF7A  }
0x23: {  	s9 =	sor.u32 $0xD0000000, s2;
	s6 =	simm.s32 $0x108;
	_ =	swait.ge @!p0 [sflag:s8], $0x0  }
0x24: {  	s3 =	sadd.s32 $0x88, s3;
	s6 =	simm.s32 @!p1 $0x1082;
	[sflag:s4] =	ssyncset.s32 $0xFFFFF086  }
0x25: {  	[simem:s6], [sflag:s4] =	dma.local [hbm:s3], $0xF7A  }
0x26: {  	[smem:$0x3F93] =	sst s1;
	(tag) =	ssettag s2;
	_ =	strace s9  }
0x27: {  	s1 =	sld [smem:$0x3FA3]  }
0x28: {  	s2 =	sld [smem:$0x3FA4]  }
0x29: {  	s4 =	sld [smem:$0x3FA6]  }
0x2a: {  	p0 =	seq.s32 s5, $0x0;
	s5 =	sld [smem:$0x3FA7]  }
0x2b: {  	s6 =	sld [smem:$0x3FA8]  }
0x2c: {  	s7 =	sld [smem:$0x3FA9]  }
0x2d: {  	s3 =	simm.s32 $0x108;
	s8 =	sld [smem:$0x3FAA]  }
0x2e: {  	s3 =	simm.s32 @!p0 $0x1082;
	s9 =	sld [smem:$0x3FAB]  }
0x2f: {  	lr =	sadd.s32 s0, s3;
	s0 =	sld [smem:$0x3FA2]  }
0x30: {  	s3 =	sld [smem:$0x3FA5]  }
0x31: {  	[smem:$0x3FAE] =	sst s10  }
0x32: {  	s10 =	sld [smem:$0x3FAC];
	_ =	sdelay $0x3  }
0x33: {  	p0 =	seq.s32 s10, $0x1;
	s10 =	sld [smem:$0x3FAE];
	_ =	sdelay $0x3  }
0x34: {  	[smem:$0x3FAE] =	sst s10  }
0x35: {  	s10 =	sld [smem:$0x3FAD];
	_ =	sdelay $0x3  }
0x36: {  	p1 =	seq.s32 s10, $0x1;
	s10 =	sld [smem:$0x3FAE];
	_ =	sdelay $0x3  }
0x37: {  	[smem:$0x3FAE] =	sst s10  }
0x38: {  	s10 =	sld [smem:$0x3FAF]  }
0x39: {  	_ = 	snop;
	(pc) =	sbr.ind lr, $3  }
0x3a: {  	_ = 	snop  }
0x3b: {  	_ = 	snop  }
0x3c: {  	p2 =	seq.s32 s10, $0x1;
	s10 =	sld [smem:$0x3FAE]  }
0x3d: {  	_ =	shalt  }
0x3e: {  	_ =	shalt  }
0x3f: {  	_ =	shalt  }
0x40: {  	_ =	shalt  }
0x41: {  	_ =	shalt  }
0x42: {  	_ =	shalt  }
0x43: {  	_ =	shalt  }
0x44: {  	_ =	shalt  }
0x45: {  	_ =	shalt  }
0x46: {  	_ =	shalt  }
0x47: {  	_ =	shalt  }
0x48: {  	_ =	shalt  }
0x49: {  	_ =	shalt  }
0x4a: {  	_ =	shalt  }
0x4b: {  	_ =	shalt  }
0x4c: {  	_ =	shalt  }
0x4d: {  	_ =	shalt  }
0x4e: {  	_ =	shalt  }
0x4f: {  	_ =	shalt  }
0x50: {  	_ =	shalt  }
0x51: {  	_ =	shalt  }
0x52: {  	_ =	shalt  }
0x53: {  	_ =	shalt  }
0x54: {  	_ =	shalt  }
0x55: {  	_ =	shalt  }
0x56: {  	_ =	shalt  }
0x57: {  	_ =	shalt  }
0x58: {  	_ =	shalt  }
0x59: {  	_ =	shalt  }
0x5a: {  	_ =	shalt  }
0x5b: {  	_ =	shalt  }
0x5c: {  	_ =	shalt  }
0x5d: {  	_ =	shalt  }
0x5e: {  	_ =	shalt  }
0x5f: {  	_ =	shalt  }
0x60: {  	_ =	shalt  }
0x61: {  	_ =	shalt  }
0x62: {  	_ =	shalt  }
0x63: {  	_ =	shalt  }
0x64: {  	_ =	shalt  }
0x65: {  	_ =	shalt  }
0x66: {  	_ =	shalt  }
0x67: {  	_ =	shalt  }
0x68: {  	_ =	shalt  }
0x69: {  	_ =	shalt  }
0x6a: {  	_ =	shalt  }
0x6b: {  	_ =	shalt  }
0x6c: {  	_ =	shalt  }
0x6d: {  	_ =	shalt  }
0x6e: {  	_ =	shalt  }
0x6f: {  	_ =	shalt  }
0x70: {  	_ =	shalt  }
0x71: {  	_ =	shalt  }
0x72: {  	_ =	shalt  }
0x73: {  	_ =	shalt  }
0x74: {  	_ =	shalt  }
0x75: {  	_ =	shalt  }
0x76: {  	_ =	shalt  }
0x77: {  	_ =	shalt  }
0x78: {  	_ =	shalt  }
0x79: {  	_ =	shalt  }
0x7a: {  	_ =	shalt  }
0x7b: {  	_ =	shalt  }
0x7c: {  	_ =	shalt  }
0x7d: {  	_ =	shalt  }
0x7e: {  	_ =	shalt  }
0x7f: {  	_ =	shalt  }
0x80: {  	_ =	shalt  }
0x81: {  	_ =	shalt  }
0x82: {  	_ =	shalt  }
0x83: {  	_ =	shalt  }
0x84: {  	_ =	shalt  }
0x85: {  	_ =	shalt  }
0x86: {  	_ =	shalt  }
0x87: {  	_ =	shalt  }
.Lfunc_end0:
.L_simem_size_0:
called_computation.2_lowered:
.L_overlay_start_0:
0x88: {  	s2 =	sld [smem:$0x3FD9]  }
0x89: {  	s3 =	sld [smem:$0x3FFE];
	_ =	sdelay $0x1  }
0x8a: {  	s1 =	srdreg.scid  }
0x8b: {  	s0 =	sand.u32 $0x1, s1  }
0x8c: {  	s17 =	sshll.u32 s0, $0xA;
	s2 =	sadd.s32 s3, s2  }
0x8d: {  	s2 =	sadd.s32 s2, s17  }
0x8e: {  	[smem:$0x3FBA] =	sst s2  }
0x8f: {  	_ = 	snop  }
0x90: {  	s2 =	sld [smem:$0x3FD0];
	(tm) =	ssettm $0x1  }
0x91: {  	s18 =	sld [smem:$0x3FFB];
	_ =	sdelay $0x3  }
0x92: {  	_ =	strace s18  }
0x93: {  	s3 =	sld [smem:$0x3FFC];
	_ =	sdelay $0x3  }
0x94: {  	_ =	strace s3  }
0x95: {  	s3 =	sld [smem:$0x3FFD];
	_ =	sdelay $0x3  }
0x96: {  	_ =	strace s3  }
0x97: {  	_ =	strace $0x8FFFFFFF  }
0x98: {  	s19 =	sld [smem:$0x3FDB];
	_ =	sdelay $0x1  }
0x99: {  	s4 =	simm.s32 $_scs_section_size  }
0x9a: {  	s5 =	simm.s32 $_size__tile_overlayer_lowered;
	s6 =	simm.s32 $_tile_overlayer_lowered  }
0x9b: {  	s22 =	simm.s32 $0x1BFF;
	s21 =	sshll.u32 s6, $0x1;
	s3 =	sadd.s32 s4, s19  }
0x9c: {  	s7 =	simm.s32 $0x0;
	s20 =	sshll.u32 s5, $0x1;
	s5 =	sadd.s32 s21, s3  }
0x9d: {  	[timem:s7], [sflag:s22] =	dma.local [hbm:s5], s20  }
0x9e: {  	_ =	swait.ge [sflag:s22], s20  }
0x9f: {  	s4 =	ssub.s32 $0x0, s20;
	[sflag:s22] =	ssyncset.done $0x0  }
0xa0: {  	[sflag:s22] =	ssyncadd.s32 s4;
	_ =	sdelay $0x1  }
0xa1: {  	s23 =	simm.s32 $0x1B8B  }
0xa2: {  	_ =	swait.ge [sflag:s23], $0x1  }
0xa3: {  	[sflag:s23] =	ssyncset.done $0x0  }
0xa4: {  	s25 =	simm.s32 $0x1B8E;
	s24 =	sld [smem:$0x3FFE];
	[sflag:s23] =	ssyncadd.s32 $0xFFFFFFFF  }
0xa5: {  	s26 =	simm.s32 $execute0_lowered;
	[smem:$0x3FD2] =	sst s25  }
0xa6: {  	s5 =	sshll.u32 s26, $0x1;
	_ =	strace $0x8000004C;
	[dreg:$0x1] =	wrdreg $0xFFFFFFFF  }
0xa7: {  	s28 =	simm.s32 $_size_execute0_lowered;
	s3 =	sadd.s32 s3, s5;
	[dreg:$0x0] =	wrdreg $0x0  }
0xa8: {  	s5 =	sshll.u32 s28, $0x1;
	[dreg:$0x2] =	wrdreg s3  }
0xa9: {  	[dreg:$0x3] =	wrdreg s5  }
0xaa: {  	[dreg:$0x4] =	wrdreg $0xC0  }
0xab: {  	_ =	task [dreg:s7], $0x5FFFF  }
0xac: {  	[dreg:$0x1] =	wrdreg $0xFFFFFFFF  }
0xad: {  	[dreg:$0x0] =	wrdreg $0x60  }
0xae: {  	[dreg:$0x2] =	wrdreg s24  }
0xaf: {  	[dreg:$0x3] =	wrdreg s2  }
0xb0: {  	[dreg:$0x4] =	wrdreg $0x50000  }
0xb1: {  	[dreg:$0x5] =	wrdreg $0x9  }
0xb2: {  	_ =	task.clear_ibuf [dreg:s7], $0x6FFFF;
	_ =	strace $0x9000004C  }
0xb3: {  	s29 =	simm.s32 $0x9;
	_ =	strace $0x8000004E  }
0xb4: {  	_ =	swait.ge [sflag:s29], $0x1  }
0xb5: {  	[sflag:s29] =	ssyncadd.s32 $0xFFFFFFFF  }
0xb6: {  	_ =	strace $0x9000004E  }
0xb7: {  	_ =	sfence  }
0xb8: {  	s30 =	sld [smem:$0x0];
	_ =	sdelay $0x2  }
0xb9: {  	s31 =	sshll.u32 s1, $0xD;
	s1 =	sshrl.u32 s1, $0x2  }
0xba: {  	s3 =	sand.u32 $0x4000, s31;
	s1 =	sadd.s32 s1, s30  }
0xbb: {  	s0 =	sor.u32 s3, s0;
	s1 =	sshll.u32 s1, $0x11  }
0xbc: {  	s0 =	sor.u32 s1, s0  }
0xbd: {  	s0 =	sadd.s32 $0x8F2B, s0  }
0xbe: {  	[sflag:s0] =	ssyncadd.remote.s32 $0x1  }
0xbf: {  	_ =	sfence.sel $0xFFFF  }
0xc0: {  	[dreg:$0x0] =	wrdreg $0xFFFFFFFF;
	(pc) =	sbr.abs _section_cstart, $3  }
0xc1: {  	[dreg:$0x1] =	wrdreg $0xFFFFFFFF  }
0xc2: {  	_ =	task.clear_ibuf [dreg:s7], $0x2FFFF;
	_ =	strace $0x9FFFFFFF  }
0xc3: {  	(tm) =	ssettm $0x7FFFFFFF  }
tec
execute0_lowered:
.L_overlay_start_1:
0x0: {  	(tag) =	ssettag $0x1  }
0x1: {  	s0 =	rddreg [dreg:$0x0]  }
0x2: {  	s3 =	rddreg [dreg:$0x1]  }
0x3: {  	s1 =	rddreg [dreg:$0x2]  }
0x4: {  	s2 =	simm.s32 $0x0;
	s4 =	srdreg.scid;
	s11 =	stileid.u32  }
0x5: {  	s28 =	simm.s32 $0x1;
	s29 =	simm.s32 $0x0;
	[smem:$0x7FF] =	sst s2  }
0x6: {  	s8 =	sand.u32 $0x1, s4;
	s4 =	sadd.s32 $0x3A00, s0;
	s10 =	smul.u32 $0x50000, s11  }
0x7: {  	s5 =	sadd.s32 $0x2BA00, s0;
	s6 =	sadd.s32 $0x35A00, s0;
	s14 =	sshll.u32 s11, $0x1  }
0x8: {  	s19 =	smul.u32 $0x280, s11;
	_ =	strace $0x8000004D;
	s7 =	ssub.s32 $0x2, s8  }
0x9: {  	s16 =	sor.u32 s8, s14;
	s20 =	smul.u32 $0x2800, s8;
	s9 =	sshrl.u32 s7, $0x1  }
0xa: {  	s15 =	sshrl.u32 s10, $0x2;
	s8 =	smul.u32 $0x2800, s16;
	s13 =	ssub.s32 s7, s9  }
0xb: {  	s7 =	sadd.s32 s15, s1;
	s18 =	sadd.s32 s20, s19;
	s15 =	sadd.s32 $0x80, s19  }
0xc: {  	s0 =	smax.u32 s13, $0x1;
	s17 =	sadd.s32 $0x4000, s7;
	s11 =	sadd.s32 $0x8000, s7  }
0xd: {  	s12 =	sadd.s32 $0xC000, s7;
	s13 =	sadd.s32 $0x10000, s7;
	[dreg:$0x4] =	wrdreg s0  }
0xe: {  	s21 =	sshll.u32 s15, $0x7;
	s16 =	sadd.s32 s20, s15;
	[dreg:$0x5] =	wrdreg s17  }
0xf: {  	s0 =	sshll.u32 s18, $0x4;
	s15 =	sadd.s32 s21, s1;
	s22 =	sshll.u32 s16, $0x4  }
0x10: {  	s17 =	sadd.s32 $0x100, s19;
	s21 =	sadd.s32 $0x180, s19;
	s14 =	sadd.s32 s3, s0  }
0x11: {  	s16 =	sadd.s32 s3, s22;
	s23 =	sshll.u32 s17, $0x7;
	s18 =	sadd.s32 s20, s17  }
0x12: {  	s25 =	sshll.u32 s21, $0x7;
	s22 =	sadd.s32 $0x200, s19;
	s26 =	sadd.s32 s20, s21  }
0x13: {  	s17 =	sadd.s32 s23, s1;
	s24 =	sshll.u32 s18, $0x4;
	s19 =	sadd.s32 s25, s1  }
0x14: {  	s20 =	sadd.s32 s20, s22;
	s0 =	sshll.u32 s26, $0x4;
	s30 =	sshll.u32 s22, $0x7  }
0x15: {  	s23 =	simm.s32 $0x1000;
	s25 =	simm.s32 $0x800;
	s26 =	simm.s32 $0x80  }
0x16: {  	s18 =	sadd.s32 s3, s24;
	s31 =	sshll.u32 s20, $0x4;
	s20 =	sadd.s32 s3, s0  }
0x17: {  	v0 =	vimm.f32 $0.0e+00;
	s21 =	sadd.s32 s30, s1;
	s24 =	simm.s32 $0x2;
	s22 =	sadd.s32 s3, s31  }
.LBB2_1:
0x18: {  	s30 =	simm.s32 $0x0;
	s0 =	simm.s32 $0x200  }
.LBB2_2:
0x19: {  	p0 =	sne.s32 s0, $0xFE00;
	[tilespmem:s30+$0x1070] =	vst v0  }
0x1a: {  	[tilespmem:s30+$0x1000] =	vst v0  }
0x1b: {  	[tilespmem:s30+$0x1010] =	vst v0  }
.Ltmp0:
0x1c: {  	[tilespmem:s30+$0x1020] =	vst v0;
	(pc) =	sbr.rel @p0 .LBB2_2-.Ltmp0, $4  }
0x1d: {  	[tilespmem:s30+$0x1030] =	vst v0  }
0x1e: {  	[tilespmem:s30+$0x1040] =	vst v0  }
0x1f: {  	[tilespmem:s30+$0x1050] =	vst v0  }
0x20: {  	[tilespmem:s30+$0x1060] =	vst v0;
	s30 =	sshra.s32 s0, $0x2;
	s0 =	sadd.s32 $0x200, s0  }
0x21: {  	[tilespmem:s30+$0x1070] =	vst v0  }
0x22: {  	[tilespmem:s30+$0x1000] =	vst v0  }
0x23: {  	[tilespmem:s30+$0x1010] =	vst v0  }
0x24: {  	[tilespmem:s30+$0x1020] =	vst v0  }
0x25: {  	[tilespmem:s30+$0x1030] =	vst v0  }
0x26: {  	[tilespmem:s30+$0x1040] =	vst v0  }
0x27: {  	[tilespmem:s30+$0x1050] =	vst v0  }
0x28: {  	[tilespmem:s30+$0x1060] =	vst v0  }
0x29: {  	[spmem:s7] =	stream.linear.scatter [tilespmem:s23], [sflag:$0x2], $0x4000, $0x38;
	[tilespmem:$0x19000] =	vst v63  }
0x2a: {  	_ =	swait.ge [sflag:s24], $0x4000  }
0x2b: {  	[sflag:s24] =	ssyncset.done $0x0  }
0x2c: {  	s0 =	rddreg [dreg:$0x5];
	[sflag:s24] =	ssyncadd.s32 $0xFFFFC000  }
0x2d: {  	[spmem:s0] =	stream.linear.scatter [tilespmem:s23], [sflag:$0x2], $0x4000, $0x38;
	[tilespmem:$0x19000] =	vst v63  }
0x2e: {  	_ =	swait.ge [sflag:s24], $0x4000  }
0x2f: {  	[sflag:s24] =	ssyncset.done $0x0  }
0x30: {  	[sflag:s24] =	ssyncadd.s32 $0xFFFFC000  }
0x31: {  	[spmem:s11] =	stream.linear.scatter [tilespmem:s23], [sflag:$0x2], $0x4000, $0x38;
	[tilespmem:$0x19000] =	vst v63  }
0x32: {  	_ =	swait.ge [sflag:s24], $0x4000  }
0x33: {  	[sflag:s24] =	ssyncset.done $0x0  }
0x34: {  	[sflag:s24] =	ssyncadd.s32 $0xFFFFC000  }
0x35: {  	[spmem:s12] =	stream.linear.scatter [tilespmem:s23], [sflag:$0x2], $0x4000, $0x38;
	[tilespmem:$0x19000] =	vst v63  }
0x36: {  	_ =	swait.ge [sflag:s24], $0x4000  }
0x37: {  	[sflag:s24] =	ssyncset.done $0x0  }
0x38: {  	[sflag:s24] =	ssyncadd.s32 $0xFFFFC000  }
0x39: {  	[spmem:s13] =	stream.linear.scatter [tilespmem:s23], [sflag:$0x2], $0x4000, $0x38;
	[tilespmem:$0x19000] =	vst v63  }
0x3a: {  	_ =	swait.ge [sflag:s24], $0x4000  }
0x3b: {  	[sflag:s24] =	ssyncset.done $0x0  }
0x3c: {  	[sflag:s24] =	ssyncadd.s32 $0xFFFFC000  }
0x3d: {  	s30 =	simm.s32 $0x0;
	s31 =	simm.s32 $0x0;
	[bflag:$0x0] =	sbarrier.arrive $0xFFFF  }
.LBB2_4:
0x3e: {  	s0 =	sshll.u32 s31, $0xB  }
0x3f: {  	s0 =	sadd.s32 s8, s0  }
0x40: {  	s0 =	sshrl.u32 s0, $0x3  }
0x41: {  	s3 =	sadd.s32 s5, s0  }
0x42: {  	[tilespmem:s30], [sflag:$0x2] =	stream.linear.gather [hbm4b:s3+s30], $0x800, $0x38;
	[tilespmem:$0x19000] =	vst v63  }
0x43: {  	_ =	swait.ge [sflag:s24], $0x800  }
0x44: {  	[sflag:s24] =	ssyncset.done $0x0  }
0x45: {  	s0 =	sadd.s32 s6, s0;
	[sflag:s24] =	ssyncadd.s32 $0xFFFFF800  }
0x46: {  	[tilespmem:s25], [sflag:$0x2] =	stream.linear.gather [hbm4b:s0+s30], $0x800, $0x38;
	[tilespmem:$0x19000] =	vst v63  }
0x47: {  	_ =	swait.ge [sflag:s24], $0x800  }
0x48: {  	[sflag:s24] =	ssyncset.done $0x0  }
0x49: {  	s9 =	simm.s32 $0x0;
	[sflag:s24] =	ssyncadd.s32 $0xFFFFF800  }
0x4a: {  	[tilespmem:s23], [sflag:$0x1] =	stream.indirect.gather [hbm4b:s4+s26], $0x80, s9, s26, $0xb8;
	[tilespmem:$0x19000] =	vst v63  }
0x4b: {  	_ =	swait.ge [sflag:s28], $0x4000  }
0x4c: {  	[sflag:s28] =	ssyncset.done $0x0  }
0x4d: {  	s10 =	simm.s32 $0x800;
	[sflag:s28] =	ssyncadd.s32 $0xFFFFC000  }
0x4e: {  	[spmem:s1] =	stream.indirect.scatter.add.f32 [tilespmem:s23], [sflag:$0x2], $0x80, s10, s26, $0xb8;
	[tilespmem:$0x19000] =	vst v63  }
0x4f: {  	_ =	swait.ge [sflag:s24], $0x4000  }
0x50: {  	s3 =	simm.s32 $0x400;
	s0 =	simm.s32 $0x200;
	[sflag:s24] =	ssyncset.done $0x0  }
.LBB2_5:
0x51: {  	s9 =	sshra.s32 s0, $0x2  }
0x52: {  	[sflag:s24] =	ssyncadd.s32 $0xFFFFC000;
	s0 =	smov.u32 s3;
	s10 =	sadd.s32 $0x200, s3  }
0x53: {  	[tilespmem:s23], [sflag:$0x1] =	stream.indirect.gather [hbm4b:s4+s26], $0x80, s9, s26, $0xb8;
	[tilespmem:$0x19000] =	vst v63  }
0x54: {  	p0 =	sne.s32 s3, $0x1E00;
	_ =	swait.ge [sflag:s28], $0x4000  }
.Ltmp1:
0x55: {  	[sflag:s28] =	ssyncset.done $0x0;
	(pc) =	sbr.rel @p0 .LBB2_5-.Ltmp1, $4  }
0x56: {  	s3 =	sadd.s32 $0x800, s9;
	[sflag:s28] =	ssyncadd.s32 $0xFFFFC000  }
0x57: {  	[spmem:s1] =	stream.indirect.scatter.add.f32 [tilespmem:s23], [sflag:$0x2], $0x80, s3, s26, $0xb8;
	[tilespmem:$0x19000] =	vst v63  }
0x58: {  	_ =	swait.ge [sflag:s24], $0x4000  }
0x59: {  	s3 =	smov.u32 s10;
	[sflag:s24] =	ssyncset.done $0x0  }
0x5a: {  	s0 =	sshra.s32 s0, $0x2;
	[sflag:s24] =	ssyncadd.s32 $0xFFFFC000  }
0x5b: {  	[tilespmem:s23], [sflag:$0x1] =	stream.indirect.gather [hbm4b:s4+s26], $0x80, s0, s26, $0xb8;
	[tilespmem:$0x19000] =	vst v63  }
0x5c: {  	s31 =	sadd.s32 $0x1, s31;
	_ =	swait.ge [sflag:s28], $0x4000  }
0x5d: {  	p0 =	sne.s32 s31, $0x5;
	[sflag:s28] =	ssyncset.done $0x0  }
.Ltmp2:
0x5e: {  	s0 =	sadd.s32 $0x800, s0;
	[sflag:s28] =	ssyncadd.s32 $0xFFFFC000;
	(pc) =	sbr.rel @p0 .LBB2_4-.Ltmp2, $4  }
0x5f: {  	[spmem:s1] =	stream.indirect.scatter.add.f32 [tilespmem:s23], [sflag:$0x2], $0x80, s0, s26, $0xb8;
	[tilespmem:$0x19000] =	vst v63  }
0x60: {  	_ =	swait.ge [sflag:s24], $0x4000  }
0x61: {  	[sflag:s24] =	ssyncset.done $0x0  }
0x62: {  	[sflag:s24] =	ssyncadd.s32 $0xFFFFC000  }
0x63: {  	[bflag:$0x0] =	sbarrier.arrive $0xFFFF  }
0x64: {  	[tilespmem:s23], [sflag:$0x2] =	stream.linear.gather [spmem:s7], $0x4000, $0x38;
	[tilespmem:$0x19000] =	vst v63  }
0x65: {  	_ =	swait.ge [sflag:s24], $0x4000  }
0x66: {  	[sflag:s24] =	ssyncset.done $0x0  }
0x67: {  	[sflag:s24] =	ssyncadd.s32 $0xFFFFC000  }
0x68: {  	[hbm4b:s14+s2] =	stream.linear.scatter [tilespmem:s23], [sflag:$0x2], $0x4000, $0x38;
	[tilespmem:$0x19000] =	vst v63  }
0x69: {  	_ =	swait.ge [sflag:s24], $0x4000  }
0x6a: {  	[sflag:s24] =	ssyncset.done $0x0  }
0x6b: {  	[sflag:s24] =	ssyncadd.s32 $0xFFFFC000  }
0x6c: {  	[tilespmem:s23], [sflag:$0x2] =	stream.linear.gather [spmem:s15], $0x4000, $0x38;
	[tilespmem:$0x19000] =	vst v63  }
0x6d: {  	_ =	swait.ge [sflag:s24], $0x4000  }
0x6e: {  	[sflag:s24] =	ssyncset.done $0x0  }
0x6f: {  	[sflag:s24] =	ssyncadd.s32 $0xFFFFC000  }
0x70: {  	[hbm4b:s16+s2] =	stream.linear.scatter [tilespmem:s23], [sflag:$0x2], $0x4000, $0x38;
	[tilespmem:$0x19000] =	vst v63  }
0x71: {  	_ =	swait.ge [sflag:s24], $0x4000  }
0x72: {  	[sflag:s24] =	ssyncset.done $0x0  }
0x73: {  	[sflag:s24] =	ssyncadd.s32 $0xFFFFC000  }
0x74: {  	[tilespmem:s23], [sflag:$0x2] =	stream.linear.gather [spmem:s17], $0x4000, $0x38;
	[tilespmem:$0x19000] =	vst v63  }
0x75: {  	_ =	swait.ge [sflag:s24], $0x4000  }
0x76: {  	[sflag:s24] =	ssyncset.done $0x0  }
0x77: {  	[sflag:s24] =	ssyncadd.s32 $0xFFFFC000  }
0x78: {  	[hbm4b:s18+s2] =	stream.linear.scatter [tilespmem:s23], [sflag:$0x2], $0x4000, $0x38;
	[tilespmem:$0x19000] =	vst v63  }
0x79: {  	_ =	swait.ge [sflag:s24], $0x4000  }
0x7a: {  	[sflag:s24] =	ssyncset.done $0x0  }
0x7b: {  	[sflag:s24] =	ssyncadd.s32 $0xFFFFC000  }
0x7c: {  	[tilespmem:s23], [sflag:$0x2] =	stream.linear.gather [spmem:s19], $0x4000, $0x38;
	[tilespmem:$0x19000] =	vst v63  }
0x7d: {  	_ =	swait.ge [sflag:s24], $0x4000  }
0x7e: {  	[sflag:s24] =	ssyncset.done $0x0  }
0x7f: {  	[sflag:s24] =	ssyncadd.s32 $0xFFFFC000  }
0x80: {  	[hbm4b:s20+s2] =	stream.linear.scatter [tilespmem:s23], [sflag:$0x2], $0x4000, $0x38;
	[tilespmem:$0x19000] =	vst v63  }
0x81: {  	_ =	swait.ge [sflag:s24], $0x4000  }
0x82: {  	[sflag:s24] =	ssyncset.done $0x0  }
0x83: {  	[sflag:s24] =	ssyncadd.s32 $0xFFFFC000  }
0x84: {  	[tilespmem:s23], [sflag:$0x2] =	stream.linear.gather [spmem:s21], $0x4000, $0x38;
	[tilespmem:$0x19000] =	vst v63  }
0x85: {  	_ =	swait.ge [sflag:s24], $0x4000  }
0x86: {  	[sflag:s24] =	ssyncset.done $0x0  }
0x87: {  	[sflag:s24] =	ssyncadd.s32 $0xFFFFC000  }
0x88: {  	[hbm4b:s22+s2] =	stream.linear.scatter [tilespmem:s23], [sflag:$0x2], $0x4000, $0x38;
	[tilespmem:$0x19000] =	vst v63  }
0x89: {  	_ =	swait.ge [sflag:s24], $0x4000  }
0x8a: {  	s29 =	sadd.s32 $0x1, s29;
	s0 =	rddreg [dreg:$0x4]  }
0x8b: {  	p0 =	sne.s32 s29, s0  }
.Ltmp3:
0x8c: {  	_ = 	snop;
	(pc) =	sbr.rel @p0 .LBB2_1-.Ltmp3, $3  }
0x8d: {  	_ =	sdelay $0x1  }
0x8e: {  	[sflag:s24] =	ssyncset.done $0x0  }
0x8f: {  	[sflag:s24] =	ssyncadd.s32 $0xFFFFC000  }
0x90: {  	_ =	sfence.sel $0x180000  }
0x91: {  	[bflag:$0x0] =	sbarrier.arrive $0xFFFF  }
0x92: {  	_ =	strace $0x9000004D  }
0x93: {  	s0 =	stileid.u32;
	[bflag:$0x2] =	sbarrier.arrive $0xFFFF  }
0x94: {  	p0 =	sne.s32 s0, $0x0;
	s0 =	rddreg [dreg:$0x3]  }
0x95: {  	s0 =	sadd.s32 @!p0 $0x100000, s0  }
0x96: {  	[sflag:s0] =	ssyncadd.tile.s32 @!p0 $0x1;
	_ =	shalt  }
.Lfunc_end2:
_tile_overlayer_lowered:
.L_overlay_start_2:
0x97: {  	(tag) =	ssettag $0x2  }
0x98: {  	s0 =	rddreg [dreg:$0x0];
	s2 =	stileid.u32  }
0x99: {  	s1 =	rddreg [dreg:$0x1];
	p0 =	sne.s32 s2, $0x0  }
0x9a: {  	s3 =	rddreg [dreg:$0x2];
	[bflag:$0x3] =	sbarrier.arrive $0xFFFF;
	s2 =	simm.s32 @!p0 $0x1C02  }
0x9b: {  	[timem:s3], [sflag:s2] =	dma.local @!p0 [hbm:s0], s1  }
0x9c: {  	s0 =	simm.s32 @!p0 $0x2  }
0x9d: {  	_ =	swait.ge @!p0 [sflag:s0], s1  }
0x9e: {  	s1 =	ssub.s32 @!p0 $0x0, s1;
	[sflag:s0] =	ssyncset.done @!p0 $0x0  }
0x9f: {  	[sflag:s0] =	ssyncadd.s32 @!p0 s1  }
0xa0: {  	[bflag:$0x3] =	sbarrier.arrive $0xFFFF  }
0xa1: {  	_ =	shalt  }

// kernel: sc_deg.3.cloned.1.call-start
scs
__scs_entry_jumppad:
0x0: {  	(pc) =	sbr.rel $0x88, $3  }
0x1: {  	(tag) =	ssettag $0x0;
	lr =	simm.s32 $0x1  }
0x2: {  	[smem:$0x3F93] =	sst lr;
	_ =	strace $0xD0000000  }
0x3: {  	_ = 	snop  }
0x4: {  	_ = 	snop  }
0x5: {  	_ = 	snop  }
0x6: {  	_ = 	snop  }
0x7: {  	_ = 	snop  }
__scs_overlays_trampoline_lowered:
0x8: {  	[smem:$0x3FA2] =	sst s0  }
0x9: {  	[smem:$0x3FA3] =	sst s1  }
0xa: {  	[smem:$0x3FA4] =	sst s2  }
0xb: {  	[smem:$0x3FA5] =	sst s3  }
0xc: {  	[smem:$0x3FA6] =	sst s4  }
0xd: {  	[smem:$0x3FA7] =	sst s5  }
0xe: {  	[smem:$0x3FA8] =	sst s6  }
0xf: {  	[smem:$0x3FA9] =	sst s7  }
0x10: {  	[smem:$0x3FAA] =	sst s8  }
0x11: {  	[smem:$0x3FAB] =	sst s9;
	s0 =	simm.s32 @!p0 $0x0  }
0x12: {  	s1 =	sld [smem:$0x3F91];
	s0 =	simm.s32 @p0 $0x1  }
0x13: {  	[smem:$0x3FAC] =	sst s0;
	s0 =	simm.s32 @!p1 $0x0  }
0x14: {  	s2 =	sld [smem:$0x3F90];
	s0 =	simm.s32 @p1 $0x1  }
0x15: {  	[smem:$0x3FAD] =	sst s0;
	s0 =	simm.s32 @!p2 $0x0  }
0x16: {  	s3 =	sld [smem:$0x3FDB];
	s0 =	simm.s32 @p2 $0x1  }
0x17: {  	s4 =	simm.s32 $0x1BF5;
	[smem:$0x3FAF] =	sst s0  }
0x18: {  	s0 =	sld [smem:$0x3F92];
	_ =	swait.ge [sflag:s4], $0x0  }
0x19: {  	s7 =	sld [smem:$0x3F93]  }
0x1a: {  	s8 =	sadd.s32 $0xFFFFE003, lr  }
0x1b: {  	s9 =	sadd.s32 $0xFFFFFEF7, lr;
	s5 =	simm.s32 $0xFFFFFFFF;
	p2 =	slt.u32 s8, $0xFFFFF086  }
0x1c: {  	p1 =	slt.u32 s9, $0xF7A;
	s5 =	simm.s32 @!p2 $0x0  }
0x1d: {  	s5 =	simm.s32 @p1 $0x1;
	p0 =	seq.s32 s7, s2  }
0x1e: {  	s7 =	smul.u32 @!p0 $0xF7A, s2;
	p2 =	seq.s32 @!p0 s5, $0x0  }
0x1f: {  	s9 =	smul.u32 $0xF7A, s1;
	s8 =	simm.s32 @!p0 $0x1BF5;
	p2 =	por !p2, p0  }
0x20: {  	[sflag:s8] =	ssyncset.s32 @!p0 $0xFFFFF086;
	s6 =	sadd.s32 @!p0 s3, s7;
	s7 =	simm.s32 @!p0 $0x108  }
0x21: {  	s3 =	sadd.s32 s3, s9;
	s6 =	sadd.s32 @!p0 $0x88, s6;
	s7 =	simm.s32 @p2 $0x1082  }
0x22: {  	[simem:s7], [sflag:s8] =	dma.local @!p0 [hbm:s6], $0xF7A  }
0x23: {  	s9 =	sor.u32 $0xD0000000, s2;
	s6 =	simm.s32 $0x108;
	_ =	swait.ge @!p0 [sflag:s8], $0x0  }
0x24: {  	s3 =	sadd.s32 $0x88, s3;
	s6 =	simm.s32 @!p1 $0x1082;
	[sflag:s4] =	ssyncset.s32 $0xFFFFF086  }
0x25: {  	[simem:s6], [sflag:s4] =	dma.local [hbm:s3], $0xF7A  }
0x26: {  	[smem:$0x3F93] =	sst s1;
	(tag) =	ssettag s2;
	_ =	strace s9  }
0x27: {  	s1 =	sld [smem:$0x3FA3]  }
0x28: {  	s2 =	sld [smem:$0x3FA4]  }
0x29: {  	s4 =	sld [smem:$0x3FA6]  }
0x2a: {  	p0 =	seq.s32 s5, $0x0;
	s5 =	sld [smem:$0x3FA7]  }
0x2b: {  	s6 =	sld [smem:$0x3FA8]  }
0x2c: {  	s7 =	sld [smem:$0x3FA9]  }
0x2d: {  	s3 =	simm.s32 $0x108;
	s8 =	sld [smem:$0x3FAA]  }
0x2e: {  	s3 =	simm.s32 @!p0 $0x1082;
	s9 =	sld [smem:$0x3FAB]  }
0x2f: {  	lr =	sadd.s32 s0, s3;
	s0 =	sld [smem:$0x3FA2]  }
0x30: {  	s3 =	sld [smem:$0x3FA5]  }
0x31: {  	[smem:$0x3FAE] =	sst s10  }
0x32: {  	s10 =	sld [smem:$0x3FAC];
	_ =	sdelay $0x3  }
0x33: {  	p0 =	seq.s32 s10, $0x1;
	s10 =	sld [smem:$0x3FAE];
	_ =	sdelay $0x3  }
0x34: {  	[smem:$0x3FAE] =	sst s10  }
0x35: {  	s10 =	sld [smem:$0x3FAD];
	_ =	sdelay $0x3  }
0x36: {  	p1 =	seq.s32 s10, $0x1;
	s10 =	sld [smem:$0x3FAE];
	_ =	sdelay $0x3  }
0x37: {  	[smem:$0x3FAE] =	sst s10  }
0x38: {  	s10 =	sld [smem:$0x3FAF]  }
0x39: {  	_ = 	snop;
	(pc) =	sbr.ind lr, $3  }
0x3a: {  	_ = 	snop  }
0x3b: {  	_ = 	snop  }
0x3c: {  	p2 =	seq.s32 s10, $0x1;
	s10 =	sld [smem:$0x3FAE]  }
0x3d: {  	_ =	shalt  }
0x3e: {  	_ =	shalt  }
0x3f: {  	_ =	shalt  }
0x40: {  	_ =	shalt  }
0x41: {  	_ =	shalt  }
0x42: {  	_ =	shalt  }
0x43: {  	_ =	shalt  }
0x44: {  	_ =	shalt  }
0x45: {  	_ =	shalt  }
0x46: {  	_ =	shalt  }
0x47: {  	_ =	shalt  }
0x48: {  	_ =	shalt  }
0x49: {  	_ =	shalt  }
0x4a: {  	_ =	shalt  }
0x4b: {  	_ =	shalt  }
0x4c: {  	_ =	shalt  }
0x4d: {  	_ =	shalt  }
0x4e: {  	_ =	shalt  }
0x4f: {  	_ =	shalt  }
0x50: {  	_ =	shalt  }
0x51: {  	_ =	shalt  }
0x52: {  	_ =	shalt  }
0x53: {  	_ =	shalt  }
0x54: {  	_ =	shalt  }
0x55: {  	_ =	shalt  }
0x56: {  	_ =	shalt  }
0x57: {  	_ =	shalt  }
0x58: {  	_ =	shalt  }
0x59: {  	_ =	shalt  }
0x5a: {  	_ =	shalt  }
0x5b: {  	_ =	shalt  }
0x5c: {  	_ =	shalt  }
0x5d: {  	_ =	shalt  }
0x5e: {  	_ =	shalt  }
0x5f: {  	_ =	shalt  }
0x60: {  	_ =	shalt  }
0x61: {  	_ =	shalt  }
0x62: {  	_ =	shalt  }
0x63: {  	_ =	shalt  }
0x64: {  	_ =	shalt  }
0x65: {  	_ =	shalt  }
0x66: {  	_ =	shalt  }
0x67: {  	_ =	shalt  }
0x68: {  	_ =	shalt  }
0x69: {  	_ =	shalt  }
0x6a: {  	_ =	shalt  }
0x6b: {  	_ =	shalt  }
0x6c: {  	_ =	shalt  }
0x6d: {  	_ =	shalt  }
0x6e: {  	_ =	shalt  }
0x6f: {  	_ =	shalt  }
0x70: {  	_ =	shalt  }
0x71: {  	_ =	shalt  }
0x72: {  	_ =	shalt  }
0x73: {  	_ =	shalt  }
0x74: {  	_ =	shalt  }
0x75: {  	_ =	shalt  }
0x76: {  	_ =	shalt  }
0x77: {  	_ =	shalt  }
0x78: {  	_ =	shalt  }
0x79: {  	_ =	shalt  }
0x7a: {  	_ =	shalt  }
0x7b: {  	_ =	shalt  }
0x7c: {  	_ =	shalt  }
0x7d: {  	_ =	shalt  }
0x7e: {  	_ =	shalt  }
0x7f: {  	_ =	shalt  }
0x80: {  	_ =	shalt  }
0x81: {  	_ =	shalt  }
0x82: {  	_ =	shalt  }
0x83: {  	_ =	shalt  }
0x84: {  	_ =	shalt  }
0x85: {  	_ =	shalt  }
0x86: {  	_ =	shalt  }
0x87: {  	_ =	shalt  }
.Lfunc_end0:
.L_simem_size_0:
called_computation_lowered:
.L_overlay_start_0:
0x88: {  	s2 =	sld [smem:$0x3FD9]  }
0x89: {  	s3 =	sld [smem:$0x3FFE];
	_ =	sdelay $0x1  }
0x8a: {  	s1 =	srdreg.scid  }
0x8b: {  	s0 =	sand.u32 $0x1, s1  }
0x8c: {  	s17 =	sshll.u32 s0, $0xA;
	s2 =	sadd.s32 s3, s2  }
0x8d: {  	s2 =	sadd.s32 s2, s17  }
0x8e: {  	[smem:$0x3FBA] =	sst s2  }
0x8f: {  	_ = 	snop  }
0x90: {  	(tm) =	ssettm $0x1  }
0x91: {  	s18 =	sld [smem:$0x3FFB];
	_ =	sdelay $0x3  }
0x92: {  	_ =	strace s18  }
0x93: {  	s2 =	sld [smem:$0x3FFC];
	_ =	sdelay $0x3  }
0x94: {  	_ =	strace s2  }
0x95: {  	s2 =	sld [smem:$0x3FFD];
	_ =	sdelay $0x3  }
0x96: {  	_ =	strace s2  }
0x97: {  	_ =	strace $0x8FFFFFFF  }
0x98: {  	s19 =	sld [smem:$0x3FDB];
	_ =	sdelay $0x1  }
0x99: {  	s20 =	simm.s32 $_scs_section_size  }
0x9a: {  	s4 =	simm.s32 $_size__tile_overlayer_lowered;
	s5 =	simm.s32 $_tile_overlayer_lowered  }
0x9b: {  	s6 =	simm.s32 $0x1BFF;
	s21 =	sshll.u32 s5, $0x1;
	s3 =	sadd.s32 s20, s19  }
0x9c: {  	s22 =	simm.s32 $0x0;
	s4 =	sshll.u32 s4, $0x1;
	s5 =	sadd.s32 s21, s3  }
0x9d: {  	[timem:s22], [sflag:s6] =	dma.local [hbm:s5], s4  }
0x9e: {  	_ =	swait.ge [sflag:s6], s4  }
0x9f: {  	s4 =	ssub.s32 $0x0, s4;
	[sflag:s6] =	ssyncset.done $0x0  }
0xa0: {  	[sflag:s6] =	ssyncadd.s32 s4;
	_ =	sdelay $0x1  }
0xa1: {  	s23 =	simm.s32 $0x1B8B  }
0xa2: {  	_ =	swait.ge [sflag:s23], $0x1  }
0xa3: {  	[sflag:s23] =	ssyncset.done $0x0  }
0xa4: {  	[sflag:s23] =	ssyncadd.s32 $0xFFFFFFFF  }
0xa5: {  	s4 =	sld [smem:$0x0]  }
0xa6: {  	s5 =	sand.u32 $0xFFFFFFFE, s1  }
0xa7: {  	p0 =	sne.s32 s1, s5  }
0xa8: {  	s5 =	sshll.u32 @p0 s5, $0xE  }
0xa9: {  	s5 =	sadd.s32 @p0 $0x11B8D, s5;
	s6 =	sshll.u32 @p0 s4, $0x11  }
0xaa: {  	s5 =	sor.u32 @p0 s6, s5  }
0xab: {  	[sflag:s5] =	ssyncadd.remote.s32 @p0 $0x1;
	_ =	sdelay $0x1  }
0xac: {  	s5 =	simm.s32 @p0 $0x1B8D  }
0xad: {  	_ =	swait.eq @p0 [sflag:s5], $0x1  }
0xae: {  	[sflag:s5] =	ssyncadd.s32 @p0 $0xFFFFFFFF  }
0xaf: {  	s6 =	sshll.u32 @!p0 s1, $0xE  }
0xb0: {  	s6 =	sor.u32 @!p0 $0x4000, s6;
	s5 =	simm.s32 @!p0 $0x1B8D  }
0xb1: {  	s4 =	sshll.u32 @!p0 s4, $0x11;
	s6 =	sadd.s32 @!p0 $0x11B8D, s6;
	_ =	swait.eq @!p0 [sflag:s5], $0x1  }
0xb2: {  	s4 =	sor.u32 @!p0 s4, s6;
	[sflag:s5] =	ssyncadd.s32 @!p0 $0xFFFFFFFF  }
0xb3: {  	s25 =	simm.s32 $0x1B8E;
	s24 =	sld [smem:$0x3FFE];
	[sflag:s4] =	ssyncadd.remote.s32 @!p0 $0x1  }
0xb4: {  	s26 =	simm.s32 $execute0_lowered;
	[smem:$0x3FD2] =	sst s25  }
0xb5: {  	s5 =	sshll.u32 s26, $0x1;
	_ =	strace $0x80000049;
	[dreg:$0x1] =	wrdreg $0xFFFFFFFF  }
0xb6: {  	s28 =	simm.s32 $_size_execute0_lowered;
	s3 =	sadd.s32 s3, s5;
	[dreg:$0x0] =	wrdreg $0x0  }
0xb7: {  	s5 =	sshll.u32 s28, $0x1;
	[dreg:$0x2] =	wrdreg s3  }
0xb8: {  	[dreg:$0x3] =	wrdreg s5  }
0xb9: {  	[dreg:$0x4] =	wrdreg $0xC0  }
0xba: {  	_ =	task [dreg:s22], $0x5FFFF  }
0xbb: {  	[dreg:$0x1] =	wrdreg $0xFFFFFFFF  }
0xbc: {  	[dreg:$0x0] =	wrdreg $0x60  }
0xbd: {  	[dreg:$0x2] =	wrdreg s24  }
0xbe: {  	[dreg:$0x3] =	wrdreg $0x48000  }
0xbf: {  	[dreg:$0x4] =	wrdreg $0x9  }
0xc0: {  	_ =	task.clear_ibuf [dreg:s22], $0x5FFFF;
	_ =	strace $0x90000049  }
0xc1: {  	s29 =	simm.s32 $0x9;
	_ =	strace $0x8000004B  }
0xc2: {  	_ =	swait.ge [sflag:s29], $0x1  }
0xc3: {  	[sflag:s29] =	ssyncadd.s32 $0xFFFFFFFF  }
0xc4: {  	_ =	strace $0x9000004B  }
0xc5: {  	_ =	sfence  }
0xc6: {  	s30 =	sld [smem:$0x0];
	_ =	sdelay $0x2  }
0xc7: {  	s31 =	sshll.u32 s1, $0xD;
	s1 =	sshrl.u32 s1, $0x2  }
0xc8: {  	s4 =	sand.u32 $0x4000, s31;
	s1 =	sadd.s32 s1, s30  }
0xc9: {  	s0 =	sor.u32 s4, s0;
	s1 =	sshll.u32 s1, $0x11  }
0xca: {  	s0 =	sor.u32 s1, s0  }
0xcb: {  	s0 =	sadd.s32 $0x8F2B, s0  }
0xcc: {  	[sflag:s0] =	ssyncadd.remote.s32 $0x1  }
0xcd: {  	_ =	sfence.sel $0xFFFF  }
0xce: {  	[dreg:$0x0] =	wrdreg $0xFFFFFFFF;
	(pc) =	sbr.abs _section_cstart, $3  }
0xcf: {  	[dreg:$0x1] =	wrdreg $0xFFFFFFFF  }
0xd0: {  	_ =	task.clear_ibuf [dreg:s22], $0x2FFFF;
	_ =	strace $0x9FFFFFFF  }
0xd1: {  	(tm) =	ssettm $0x7FFFFFFF  }
tec
execute0_lowered:
.L_overlay_start_1:
0x0: {  	(tag) =	ssettag $0x1  }
0x1: {  	s0 =	srdreg.scid  }
0x2: {  	s8 =	stileid.u32;
	s4 =	rddreg [dreg:$0x0]  }
0x3: {  	s2 =	rddreg [dreg:$0x1];
	s3 =	simm.s32 $0x0;
	s28 =	simm.s32 $0x300  }
0x4: {  	s29 =	simm.s32 $0x380;
	s30 =	simm.s32 $0x400;
	s5 =	smul.u32 $0x5000, s8  }
0x5: {  	s31 =	simm.s32 $0x480;
	s0 =	sand.u32 $0x1, s0;
	s6 =	smul.u32 $0x50000, s8  }
0x6: {  	[smem:$0x7FF] =	sst s3;
	s8 =	smul.u32 $0x280, s8;
	s9 =	sadd.s32 $0x3FA00, s4  }
0x7: {  	s1 =	smul.u32 $0x2800, s0;
	_ =	strace $0x8000004A;
	s0 =	ssub.s32 $0x2, s0  }
0x8: {  	s7 =	sshrl.u32 s0, $0x1;
	s6 =	sshrl.u32 s6, $0x2;
	s18 =	sadd.s32 $0x80, s8  }
0x9: {  	s20 =	sadd.s32 $0x100, s8;
	s23 =	sadd.s32 $0x180, s8;
	s25 =	sadd.s32 $0x200, s8  }
0xa: {  	s5 =	sadd.s32 s1, s5;
	s0 =	ssub.s32 s0, s7;
	s15 =	sadd.s32 s1, s8  }
0xb: {  	s19 =	sshll.u32 s18, $0x7;
	s21 =	sadd.s32 s1, s20;
	s22 =	sshll.u32 s20, $0x7  }
0xc: {  	s24 =	sshll.u32 s23, $0x7;
	s26 =	sshll.u32 s25, $0x7;
	s5 =	sshrl.u32 s5, $0x3  }
0xd: {  	s0 =	smax.u32 s0, $0x1;
	s5 =	sadd.s32 s5, s4;
	s4 =	sadd.s32 s6, s2  }
0xe: {  	s20 =	simm.s32 $0x800;
	[dreg:$0x3] =	wrdreg s0;
	s14 =	sadd.s32 $0x4000, s4  }
0xf: {  	s7 =	simm.s32 $0x700;
	s6 =	sadd.s32 $0x8000, s4;
	[dreg:$0x4] =	wrdreg s14  }
0x10: {  	s8 =	simm.s32 $0x780;
	s16 =	sadd.s32 $0xC000, s4;
	[dreg:$0x5] =	wrdreg s6  }
0x11: {  	s0 =	sshll.u32 s15, $0x4;
	s17 =	sadd.s32 $0x10000, s4;
	[dreg:$0x6] =	wrdreg s16  }
0x12: {  	s15 =	sadd.s32 s24, s2;
	s0 =	sadd.s32 s9, s0;
	[dreg:$0x7] =	wrdreg s17  }
0x13: {  	s24 =	simm.s32 $0x180;
	[dreg:$0x8] =	wrdreg s0;
	s0 =	sadd.s32 s1, s18  }
0x14: {  	s6 =	sadd.s32 s19, s2;
	s17 =	sadd.s32 s26, s2;
	s19 =	sadd.s32 $0x35A00, s5  }
0x15: {  	s26 =	simm.s32 $0x280;
	s5 =	simm.s32 $0x600;
	[dreg:$0x9] =	wrdreg s6  }
0x16: {  	s0 =	sshll.u32 s0, $0x4;
	s6 =	sshll.u32 s21, $0x4;
	s21 =	simm.s32 $0x1  }
0x17: {  	s0 =	sadd.s32 s9, s0;
	s14 =	sadd.s32 s9, s6;
	s6 =	simm.s32 $0x680  }
0x18: {  	[dreg:$0xa] =	wrdreg s0;
	s0 =	sadd.s32 s22, s2;
	s22 =	simm.s32 $0x80  }
0x19: {  	[dreg:$0xb] =	wrdreg s0;
	s0 =	sadd.s32 s1, s23;
	s1 =	sadd.s32 s1, s25  }
0x1a: {  	s23 =	simm.s32 $0x100;
	s0 =	sshll.u32 s0, $0x4;
	s1 =	sshll.u32 s1, $0x4  }
0x1b: {  	s25 =	simm.s32 $0x200;
	s16 =	sadd.s32 s9, s0;
	s18 =	sadd.s32 s9, s1  }
0x1c: {  	v0 =	vimm.f32 $0.0e+00;
	v1 =	vimm.f32 $1.000000000e+00;
	s1 =	simm.s32 $0x500;
	s0 =	simm.s32 $0x580;
	s9 =	simm.s32 $0x0  }
.LBB2_1:
0x1d: {  	s10 =	simm.s32 $0x0;
	s11 =	simm.s32 $0x200  }
.LBB2_2:
0x1e: {  	p0 =	sne.s32 s11, $0xFE00;
	[tilespmem:s10+$0x870] =	vst v0  }
0x1f: {  	[tilespmem:s10+$0x800] =	vst v0  }
0x20: {  	[tilespmem:s10+$0x810] =	vst v0  }
.Ltmp0:
0x21: {  	[tilespmem:s10+$0x820] =	vst v0;
	(pc) =	sbr.rel @p0 .LBB2_2-.Ltmp0, $4  }
0x22: {  	[tilespmem:s10+$0x830] =	vst v0  }
0x23: {  	[tilespmem:s10+$0x840] =	vst v0  }
0x24: {  	[tilespmem:s10+$0x850] =	vst v0  }
0x25: {  	[tilespmem:s10+$0x860] =	vst v0;
	s10 =	sshra.s32 s11, $0x2;
	s11 =	sadd.s32 $0x200, s11  }
0x26: {  	[tilespmem:s10+$0x870] =	vst v0  }
0x27: {  	[tilespmem:s10+$0x800] =	vst v0  }
0x28: {  	[tilespmem:s10+$0x810] =	vst v0  }
0x29: {  	[tilespmem:s10+$0x820] =	vst v0  }
0x2a: {  	[tilespmem:s10+$0x830] =	vst v0  }
0x2b: {  	[tilespmem:s10+$0x840] =	vst v0  }
0x2c: {  	[tilespmem:s10+$0x850] =	vst v0  }
0x2d: {  	[tilespmem:s10+$0x860] =	vst v0  }
0x2e: {  	[spmem:s4] =	stream.linear.scatter [tilespmem:s20], [sflag:$0x1], $0x4000, $0x38;
	[tilespmem:$0x18800] =	vst v63  }
0x2f: {  	_ =	swait.ge [sflag:s21], $0x4000  }
0x30: {  	[sflag:s21] =	ssyncset.done $0x0  }
0x31: {  	s13 =	rddreg [dreg:$0x4];
	[sflag:s21] =	ssyncadd.s32 $0xFFFFC000  }
0x32: {  	[spmem:s13] =	stream.linear.scatter [tilespmem:s20], [sflag:$0x1], $0x4000, $0x38;
	[tilespmem:$0x18800] =	vst v63  }
0x33: {  	_ =	swait.ge [sflag:s21], $0x4000  }
0x34: {  	[sflag:s21] =	ssyncset.done $0x0  }
0x35: {  	s11 =	rddreg [dreg:$0x5];
	[sflag:s21] =	ssyncadd.s32 $0xFFFFC000  }
0x36: {  	[spmem:s11] =	stream.linear.scatter [tilespmem:s20], [sflag:$0x1], $0x4000, $0x38;
	[tilespmem:$0x18800] =	vst v63  }
0x37: {  	_ =	swait.ge [sflag:s21], $0x4000  }
0x38: {  	[sflag:s21] =	ssyncset.done $0x0  }
0x39: {  	s12 =	rddreg [dreg:$0x6];
	[sflag:s21] =	ssyncadd.s32 $0xFFFFC000  }
0x3a: {  	[spmem:s12] =	stream.linear.scatter [tilespmem:s20], [sflag:$0x1], $0x4000, $0x38;
	[tilespmem:$0x18800] =	vst v63  }
0x3b: {  	_ =	swait.ge [sflag:s21], $0x4000  }
0x3c: {  	[sflag:s21] =	ssyncset.done $0x0  }
0x3d: {  	s13 =	rddreg [dreg:$0x7];
	[sflag:s21] =	ssyncadd.s32 $0xFFFFC000  }
0x3e: {  	[spmem:s13] =	stream.linear.scatter [tilespmem:s20], [sflag:$0x1], $0x4000, $0x38;
	[tilespmem:$0x18800] =	vst v63  }
0x3f: {  	_ =	swait.ge [sflag:s21], $0x4000  }
0x40: {  	[sflag:s21] =	ssyncset.done $0x0  }
0x41: {  	s10 =	simm.s32 $0x0;
	s11 =	simm.s32 $0x200;
	[sflag:s21] =	ssyncadd.s32 $0xFFFFC000  }
.LBB2_4:
0x42: {  	p0 =	sne.s32 s11, $0xFE00;
	[tilespmem:s10+$0x870] =	vst v1  }
0x43: {  	[tilespmem:s10+$0x800] =	vst v1  }
0x44: {  	[tilespmem:s10+$0x810] =	vst v1  }
.Ltmp1:
0x45: {  	[tilespmem:s10+$0x820] =	vst v1;
	(pc) =	sbr.rel @p0 .LBB2_4-.Ltmp1, $4  }
0x46: {  	[tilespmem:s10+$0x830] =	vst v1  }
0x47: {  	[tilespmem:s10+$0x840] =	vst v1  }
0x48: {  	[tilespmem:s10+$0x850] =	vst v1  }
0x49: {  	[tilespmem:s10+$0x860] =	vst v1;
	s10 =	sshra.s32 s11, $0x2;
	s11 =	sadd.s32 $0x200, s11  }
0x4a: {  	[tilespmem:s10+$0x870] =	vst v1  }
0x4b: {  	[tilespmem:s10+$0x800] =	vst v1  }
0x4c: {  	[tilespmem:s10+$0x810] =	vst v1  }
0x4d: {  	[tilespmem:s10+$0x820] =	vst v1  }
0x4e: {  	[tilespmem:s10+$0x830] =	vst v1  }
0x4f: {  	[tilespmem:s10+$0x840] =	vst v1  }
0x50: {  	[tilespmem:s10+$0x850] =	vst v1  }
0x51: {  	[tilespmem:s10+$0x860] =	vst v1  }
0x52: {  	s13 =	sadd.s32 $0x0, s19;
	[bflag:$0x0] =	sbarrier.arrive $0xFFFF  }
0x53: {  	[tilespmem:s3], [sflag:$0x1] =	stream.linear.gather [hbm4b:s13+s3], $0x800, $0x38;
	[tilespmem:$0x18800] =	vst v63  }
0x54: {  	_ =	swait.ge [sflag:s21], $0x800  }
0x55: {  	[sflag:s21] =	ssyncset.done $0x0  }
0x56: {  	[sflag:s21] =	ssyncadd.s32 $0xFFFFF800  }
0x57: {  	[spmem:s2] =	stream.indirect.scatter.add.f32 [tilespmem:s20], [sflag:$0x1], $0x80, s3, s22, $0xb8;
	[tilespmem:$0x18800] =	vst v63  }
0x58: {  	_ =	swait.ge [sflag:s21], $0x4000  }
0x59: {  	[sflag:s21] =	ssyncset.done $0x0  }
0x5a: {  	[sflag:s21] =	ssyncadd.s32 $0xFFFFC000  }
0x5b: {  	[spmem:s2] =	stream.indirect.scatter.add.f32 [tilespmem:s20], [sflag:$0x1], $0x80, s22, s22, $0xb8;
	[tilespmem:$0x18800] =	vst v63  }
0x5c: {  	_ =	swait.ge [sflag:s21], $0x4000  }
0x5d: {  	[sflag:s21] =	ssyncset.done $0x0  }
0x5e: {  	[sflag:s21] =	ssyncadd.s32 $0xFFFFC000  }
0x5f: {  	[spmem:s2] =	stream.indirect.scatter.add.f32 [tilespmem:s20], [sflag:$0x1], $0x80, s23, s22, $0xb8;
	[tilespmem:$0x18800] =	vst v63  }
0x60: {  	_ =	swait.ge [sflag:s21], $0x4000  }
0x61: {  	[sflag:s21] =	ssyncset.done $0x0  }
0x62: {  	[sflag:s21] =	ssyncadd.s32 $0xFFFFC000  }
0x63: {  	[spmem:s2] =	stream.indirect.scatter.add.f32 [tilespmem:s20], [sflag:$0x1], $0x80, s24, s22, $0xb8;
	[tilespmem:$0x18800] =	vst v63  }
0x64: {  	_ =	swait.ge [sflag:s21], $0x4000  }
0x65: {  	[sflag:s21] =	ssyncset.done $0x0  }
0x66: {  	[sflag:s21] =	ssyncadd.s32 $0xFFFFC000  }
0x67: {  	[spmem:s2] =	stream.indirect.scatter.add.f32 [tilespmem:s20], [sflag:$0x1], $0x80, s25, s22, $0xb8;
	[tilespmem:$0x18800] =	vst v63  }
0x68: {  	_ =	swait.ge [sflag:s21], $0x4000  }
0x69: {  	[sflag:s21] =	ssyncset.done $0x0  }
0x6a: {  	[sflag:s21] =	ssyncadd.s32 $0xFFFFC000  }
0x6b: {  	[spmem:s2] =	stream.indirect.scatter.add.f32 [tilespmem:s20], [sflag:$0x1], $0x80, s26, s22, $0xb8;
	[tilespmem:$0x18800] =	vst v63  }
0x6c: {  	_ =	swait.ge [sflag:s21], $0x4000  }
0x6d: {  	[sflag:s21] =	ssyncset.done $0x0  }
0x6e: {  	[sflag:s21] =	ssyncadd.s32 $0xFFFFC000  }
0x6f: {  	[spmem:s2] =	stream.indirect.scatter.add.f32 [tilespmem:s20], [sflag:$0x1], $0x80, s28, s22, $0xb8;
	[tilespmem:$0x18800] =	vst v63  }
0x70: {  	_ =	swait.ge [sflag:s21], $0x4000  }
0x71: {  	[sflag:s21] =	ssyncset.done $0x0  }
0x72: {  	[sflag:s21] =	ssyncadd.s32 $0xFFFFC000  }
0x73: {  	[spmem:s2] =	stream.indirect.scatter.add.f32 [tilespmem:s20], [sflag:$0x1], $0x80, s29, s22, $0xb8;
	[tilespmem:$0x18800] =	vst v63  }
0x74: {  	_ =	swait.ge [sflag:s21], $0x4000  }
0x75: {  	[sflag:s21] =	ssyncset.done $0x0  }
0x76: {  	[sflag:s21] =	ssyncadd.s32 $0xFFFFC000  }
0x77: {  	[spmem:s2] =	stream.indirect.scatter.add.f32 [tilespmem:s20], [sflag:$0x1], $0x80, s30, s22, $0xb8;
	[tilespmem:$0x18800] =	vst v63  }
0x78: {  	_ =	swait.ge [sflag:s21], $0x4000  }
0x79: {  	[sflag:s21] =	ssyncset.done $0x0  }
0x7a: {  	[sflag:s21] =	ssyncadd.s32 $0xFFFFC000  }
0x7b: {  	[spmem:s2] =	stream.indirect.scatter.add.f32 [tilespmem:s20], [sflag:$0x1], $0x80, s31, s22, $0xb8;
	[tilespmem:$0x18800] =	vst v63  }
0x7c: {  	_ =	swait.ge [sflag:s21], $0x4000  }
0x7d: {  	[sflag:s21] =	ssyncset.done $0x0  }
0x7e: {  	[sflag:s21] =	ssyncadd.s32 $0xFFFFC000  }
0x7f: {  	[spmem:s2] =	stream.indirect.scatter.add.f32 [tilespmem:s20], [sflag:$0x1], $0x80, s1, s22, $0xb8;
	[tilespmem:$0x18800] =	vst v63  }
0x80: {  	_ =	swait.ge [sflag:s21], $0x4000  }
0x81: {  	[sflag:s21] =	ssyncset.done $0x0  }
0x82: {  	[sflag:s21] =	ssyncadd.s32 $0xFFFFC000  }
0x83: {  	[spmem:s2] =	stream.indirect.scatter.add.f32 [tilespmem:s20], [sflag:$0x1], $0x80, s0, s22, $0xb8;
	[tilespmem:$0x18800] =	vst v63  }
0x84: {  	_ =	swait.ge [sflag:s21], $0x4000  }
0x85: {  	[sflag:s21] =	ssyncset.done $0x0  }
0x86: {  	[sflag:s21] =	ssyncadd.s32 $0xFFFFC000  }
0x87: {  	[spmem:s2] =	stream.indirect.scatter.add.f32 [tilespmem:s20], [sflag:$0x1], $0x80, s5, s22, $0xb8;
	[tilespmem:$0x18800] =	vst v63  }
0x88: {  	_ =	swait.ge [sflag:s21], $0x4000  }
0x89: {  	[sflag:s21] =	ssyncset.done $0x0  }
0x8a: {  	[sflag:s21] =	ssyncadd.s32 $0xFFFFC000  }
0x8b: {  	[spmem:s2] =	stream.indirect.scatter.add.f32 [tilespmem:s20], [sflag:$0x1], $0x80, s6, s22, $0xb8;
	[tilespmem:$0x18800] =	vst v63  }
0x8c: {  	_ =	swait.ge [sflag:s21], $0x4000  }
0x8d: {  	[sflag:s21] =	ssyncset.done $0x0  }
0x8e: {  	[sflag:s21] =	ssyncadd.s32 $0xFFFFC000  }
0x8f: {  	[spmem:s2] =	stream.indirect.scatter.add.f32 [tilespmem:s20], [sflag:$0x1], $0x80, s7, s22, $0xb8;
	[tilespmem:$0x18800] =	vst v63  }
0x90: {  	_ =	swait.ge [sflag:s21], $0x4000  }
0x91: {  	[sflag:s21] =	ssyncset.done $0x0  }
0x92: {  	[sflag:s21] =	ssyncadd.s32 $0xFFFFC000  }
0x93: {  	[spmem:s2] =	stream.indirect.scatter.add.f32 [tilespmem:s20], [sflag:$0x1], $0x80, s8, s22, $0xb8;
	[tilespmem:$0x18800] =	vst v63  }
0x94: {  	_ =	swait.ge [sflag:s21], $0x4000  }
0x95: {  	s10 =	simm.s32 $0x100;
	s11 =	simm.s32 $0x200;
	[sflag:s21] =	ssyncset.done $0x0  }
.LBB2_6:
0x96: {  	s13 =	sadd.s32 s10, s19  }
0x97: {  	[sflag:s21] =	ssyncadd.s32 $0xFFFFC000;
	s10 =	smov.u32 s11;
	s12 =	sadd.s32 $0x100, s11  }
0x98: {  	[tilespmem:s3], [sflag:$0x1] =	stream.linear.gather [hbm4b:s13+s3], $0x800, $0x38;
	[tilespmem:$0x18800] =	vst v63  }
0x99: {  	p0 =	sne.s32 s11, $0x400;
	_ =	swait.ge [sflag:s21], $0x800  }
0x9a: {  	[sflag:s21] =	ssyncset.done $0x0  }
0x9b: {  	[sflag:s21] =	ssyncadd.s32 $0xFFFFF800  }
0x9c: {  	[spmem:s2] =	stream.indirect.scatter.add.f32 [tilespmem:s20], [sflag:$0x1], $0x80, s3, s22, $0xb8;
	[tilespmem:$0x18800] =	vst v63  }
0x9d: {  	_ =	swait.ge [sflag:s21], $0x4000  }
0x9e: {  	[sflag:s21] =	ssyncset.done $0x0  }
0x9f: {  	[sflag:s21] =	ssyncadd.s32 $0xFFFFC000  }
0xa0: {  	[spmem:s2] =	stream.indirect.scatter.add.f32 [tilespmem:s20], [sflag:$0x1], $0x80, s22, s22, $0xb8;
	[tilespmem:$0x18800] =	vst v63  }
0xa1: {  	_ =	swait.ge [sflag:s21], $0x4000  }
0xa2: {  	[sflag:s21] =	ssyncset.done $0x0  }
0xa3: {  	[sflag:s21] =	ssyncadd.s32 $0xFFFFC000  }
0xa4: {  	[spmem:s2] =	stream.indirect.scatter.add.f32 [tilespmem:s20], [sflag:$0x1], $0x80, s23, s22, $0xb8;
	[tilespmem:$0x18800] =	vst v63  }
0xa5: {  	_ =	swait.ge [sflag:s21], $0x4000  }
0xa6: {  	[sflag:s21] =	ssyncset.done $0x0  }
0xa7: {  	[sflag:s21] =	ssyncadd.s32 $0xFFFFC000  }
0xa8: {  	[spmem:s2] =	stream.indirect.scatter.add.f32 [tilespmem:s20], [sflag:$0x1], $0x80, s24, s22, $0xb8;
	[tilespmem:$0x18800] =	vst v63  }
0xa9: {  	_ =	swait.ge [sflag:s21], $0x4000  }
0xaa: {  	[sflag:s21] =	ssyncset.done $0x0  }
0xab: {  	[sflag:s21] =	ssyncadd.s32 $0xFFFFC000  }
0xac: {  	[spmem:s2] =	stream.indirect.scatter.add.f32 [tilespmem:s20], [sflag:$0x1], $0x80, s25, s22, $0xb8;
	[tilespmem:$0x18800] =	vst v63  }
0xad: {  	_ =	swait.ge [sflag:s21], $0x4000  }
0xae: {  	[sflag:s21] =	ssyncset.done $0x0  }
0xaf: {  	[sflag:s21] =	ssyncadd.s32 $0xFFFFC000  }
0xb0: {  	[spmem:s2] =	stream.indirect.scatter.add.f32 [tilespmem:s20], [sflag:$0x1], $0x80, s26, s22, $0xb8;
	[tilespmem:$0x18800] =	vst v63  }
0xb1: {  	_ =	swait.ge [sflag:s21], $0x4000  }
0xb2: {  	[sflag:s21] =	ssyncset.done $0x0  }
0xb3: {  	[sflag:s21] =	ssyncadd.s32 $0xFFFFC000  }
0xb4: {  	[spmem:s2] =	stream.indirect.scatter.add.f32 [tilespmem:s20], [sflag:$0x1], $0x80, s28, s22, $0xb8;
	[tilespmem:$0x18800] =	vst v63  }
0xb5: {  	_ =	swait.ge [sflag:s21], $0x4000  }
0xb6: {  	[sflag:s21] =	ssyncset.done $0x0  }
0xb7: {  	[sflag:s21] =	ssyncadd.s32 $0xFFFFC000  }
0xb8: {  	[spmem:s2] =	stream.indirect.scatter.add.f32 [tilespmem:s20], [sflag:$0x1], $0x80, s29, s22, $0xb8;
	[tilespmem:$0x18800] =	vst v63  }
0xb9: {  	_ =	swait.ge [sflag:s21], $0x4000  }
0xba: {  	[sflag:s21] =	ssyncset.done $0x0  }
0xbb: {  	[sflag:s21] =	ssyncadd.s32 $0xFFFFC000  }
0xbc: {  	[spmem:s2] =	stream.indirect.scatter.add.f32 [tilespmem:s20], [sflag:$0x1], $0x80, s30, s22, $0xb8;
	[tilespmem:$0x18800] =	vst v63  }
0xbd: {  	_ =	swait.ge [sflag:s21], $0x4000  }
0xbe: {  	[sflag:s21] =	ssyncset.done $0x0  }
0xbf: {  	[sflag:s21] =	ssyncadd.s32 $0xFFFFC000  }
0xc0: {  	[spmem:s2] =	stream.indirect.scatter.add.f32 [tilespmem:s20], [sflag:$0x1], $0x80, s31, s22, $0xb8;
	[tilespmem:$0x18800] =	vst v63  }
0xc1: {  	_ =	swait.ge [sflag:s21], $0x4000  }
0xc2: {  	[sflag:s21] =	ssyncset.done $0x0  }
0xc3: {  	[sflag:s21] =	ssyncadd.s32 $0xFFFFC000  }
0xc4: {  	[spmem:s2] =	stream.indirect.scatter.add.f32 [tilespmem:s20], [sflag:$0x1], $0x80, s1, s22, $0xb8;
	[tilespmem:$0x18800] =	vst v63  }
0xc5: {  	_ =	swait.ge [sflag:s21], $0x4000  }
0xc6: {  	[sflag:s21] =	ssyncset.done $0x0  }
0xc7: {  	[sflag:s21] =	ssyncadd.s32 $0xFFFFC000  }
0xc8: {  	[spmem:s2] =	stream.indirect.scatter.add.f32 [tilespmem:s20], [sflag:$0x1], $0x80, s0, s22, $0xb8;
	[tilespmem:$0x18800] =	vst v63  }
0xc9: {  	_ =	swait.ge [sflag:s21], $0x4000  }
0xca: {  	[sflag:s21] =	ssyncset.done $0x0  }
0xcb: {  	[sflag:s21] =	ssyncadd.s32 $0xFFFFC000  }
0xcc: {  	[spmem:s2] =	stream.indirect.scatter.add.f32 [tilespmem:s20], [sflag:$0x1], $0x80, s5, s22, $0xb8;
	[tilespmem:$0x18800] =	vst v63  }
0xcd: {  	_ =	swait.ge [sflag:s21], $0x4000  }
0xce: {  	[sflag:s21] =	ssyncset.done $0x0  }
0xcf: {  	[sflag:s21] =	ssyncadd.s32 $0xFFFFC000  }
0xd0: {  	[spmem:s2] =	stream.indirect.scatter.add.f32 [tilespmem:s20], [sflag:$0x1], $0x80, s6, s22, $0xb8;
	[tilespmem:$0x18800] =	vst v63  }
0xd1: {  	_ =	swait.ge [sflag:s21], $0x4000  }
0xd2: {  	[sflag:s21] =	ssyncset.done $0x0  }
0xd3: {  	[sflag:s21] =	ssyncadd.s32 $0xFFFFC000  }
0xd4: {  	[spmem:s2] =	stream.indirect.scatter.add.f32 [tilespmem:s20], [sflag:$0x1], $0x80, s7, s22, $0xb8;
	[tilespmem:$0x18800] =	vst v63  }
0xd5: {  	_ =	swait.ge [sflag:s21], $0x4000  }
.Ltmp2:
0xd6: {  	[sflag:s21] =	ssyncset.done $0x0;
	(pc) =	sbr.rel @p0 .LBB2_6-.Ltmp2, $4  }
0xd7: {  	[sflag:s21] =	ssyncadd.s32 $0xFFFFC000  }
0xd8: {  	[spmem:s2] =	stream.indirect.scatter.add.f32 [tilespmem:s20], [sflag:$0x1], $0x80, s8, s22, $0xb8;
	[tilespmem:$0x18800] =	vst v63  }
0xd9: {  	_ =	swait.ge [sflag:s21], $0x4000  }
0xda: {  	s11 =	smov.u32 s12;
	[sflag:s21] =	ssyncset.done $0x0  }
0xdb: {  	s10 =	sadd.s32 s10, s19;
	[sflag:s21] =	ssyncadd.s32 $0xFFFFC000  }
0xdc: {  	[tilespmem:s3], [sflag:$0x1] =	stream.linear.gather [hbm4b:s10+s3], $0x800, $0x38;
	[tilespmem:$0x18800] =	vst v63  }
0xdd: {  	_ =	swait.ge [sflag:s21], $0x800  }
0xde: {  	[sflag:s21] =	ssyncset.done $0x0  }
0xdf: {  	[sflag:s21] =	ssyncadd.s32 $0xFFFFF800  }
0xe0: {  	[spmem:s2] =	stream.indirect.scatter.add.f32 [tilespmem:s20], [sflag:$0x1], $0x80, s3, s22, $0xb8;
	[tilespmem:$0x18800] =	vst v63  }
0xe1: {  	_ =	swait.ge [sflag:s21], $0x4000  }
0xe2: {  	[sflag:s21] =	ssyncset.done $0x0  }
0xe3: {  	[sflag:s21] =	ssyncadd.s32 $0xFFFFC000  }
0xe4: {  	[spmem:s2] =	stream.indirect.scatter.add.f32 [tilespmem:s20], [sflag:$0x1], $0x80, s22, s22, $0xb8;
	[tilespmem:$0x18800] =	vst v63  }
0xe5: {  	_ =	swait.ge [sflag:s21], $0x4000  }
0xe6: {  	[sflag:s21] =	ssyncset.done $0x0  }
0xe7: {  	[sflag:s21] =	ssyncadd.s32 $0xFFFFC000  }
0xe8: {  	[spmem:s2] =	stream.indirect.scatter.add.f32 [tilespmem:s20], [sflag:$0x1], $0x80, s23, s22, $0xb8;
	[tilespmem:$0x18800] =	vst v63  }
0xe9: {  	_ =	swait.ge [sflag:s21], $0x4000  }
0xea: {  	[sflag:s21] =	ssyncset.done $0x0  }
0xeb: {  	[sflag:s21] =	ssyncadd.s32 $0xFFFFC000  }
0xec: {  	[spmem:s2] =	stream.indirect.scatter.add.f32 [tilespmem:s20], [sflag:$0x1], $0x80, s24, s22, $0xb8;
	[tilespmem:$0x18800] =	vst v63  }
0xed: {  	_ =	swait.ge [sflag:s21], $0x4000  }
0xee: {  	[sflag:s21] =	ssyncset.done $0x0  }
0xef: {  	[sflag:s21] =	ssyncadd.s32 $0xFFFFC000  }
0xf0: {  	[spmem:s2] =	stream.indirect.scatter.add.f32 [tilespmem:s20], [sflag:$0x1], $0x80, s25, s22, $0xb8;
	[tilespmem:$0x18800] =	vst v63  }
0xf1: {  	_ =	swait.ge [sflag:s21], $0x4000  }
0xf2: {  	[sflag:s21] =	ssyncset.done $0x0  }
0xf3: {  	[sflag:s21] =	ssyncadd.s32 $0xFFFFC000  }
0xf4: {  	[spmem:s2] =	stream.indirect.scatter.add.f32 [tilespmem:s20], [sflag:$0x1], $0x80, s26, s22, $0xb8;
	[tilespmem:$0x18800] =	vst v63  }
0xf5: {  	_ =	swait.ge [sflag:s21], $0x4000  }
0xf6: {  	[sflag:s21] =	ssyncset.done $0x0  }
0xf7: {  	[sflag:s21] =	ssyncadd.s32 $0xFFFFC000  }
0xf8: {  	[spmem:s2] =	stream.indirect.scatter.add.f32 [tilespmem:s20], [sflag:$0x1], $0x80, s28, s22, $0xb8;
	[tilespmem:$0x18800] =	vst v63  }
0xf9: {  	_ =	swait.ge [sflag:s21], $0x4000  }
0xfa: {  	[sflag:s21] =	ssyncset.done $0x0  }
0xfb: {  	[sflag:s21] =	ssyncadd.s32 $0xFFFFC000  }
0xfc: {  	[spmem:s2] =	stream.indirect.scatter.add.f32 [tilespmem:s20], [sflag:$0x1], $0x80, s29, s22, $0xb8;
	[tilespmem:$0x18800] =	vst v63  }
0xfd: {  	_ =	swait.ge [sflag:s21], $0x4000  }
0xfe: {  	[sflag:s21] =	ssyncset.done $0x0  }
0xff: {  	[sflag:s21] =	ssyncadd.s32 $0xFFFFC000  }
0x100: {  	[spmem:s2] =	stream.indirect.scatter.add.f32 [tilespmem:s20], [sflag:$0x1], $0x80, s30, s22, $0xb8;
	[tilespmem:$0x18800] =	vst v63  }
0x101: {  	_ =	swait.ge [sflag:s21], $0x4000  }
0x102: {  	[sflag:s21] =	ssyncset.done $0x0  }
0x103: {  	[sflag:s21] =	ssyncadd.s32 $0xFFFFC000  }
0x104: {  	[spmem:s2] =	stream.indirect.scatter.add.f32 [tilespmem:s20], [sflag:$0x1], $0x80, s31, s22, $0xb8;
	[tilespmem:$0x18800] =	vst v63  }
0x105: {  	_ =	swait.ge [sflag:s21], $0x4000  }
0x106: {  	[sflag:s21] =	ssyncset.done $0x0  }
0x107: {  	[sflag:s21] =	ssyncadd.s32 $0xFFFFC000  }
0x108: {  	[spmem:s2] =	stream.indirect.scatter.add.f32 [tilespmem:s20], [sflag:$0x1], $0x80, s1, s22, $0xb8;
	[tilespmem:$0x18800] =	vst v63  }
0x109: {  	_ =	swait.ge [sflag:s21], $0x4000  }
0x10a: {  	[sflag:s21] =	ssyncset.done $0x0  }
0x10b: {  	[sflag:s21] =	ssyncadd.s32 $0xFFFFC000  }
0x10c: {  	[spmem:s2] =	stream.indirect.scatter.add.f32 [tilespmem:s20], [sflag:$0x1], $0x80, s0, s22, $0xb8;
	[tilespmem:$0x18800] =	vst v63  }
0x10d: {  	_ =	swait.ge [sflag:s21], $0x4000  }
0x10e: {  	[sflag:s21] =	ssyncset.done $0x0  }
0x10f: {  	[sflag:s21] =	ssyncadd.s32 $0xFFFFC000  }
0x110: {  	[spmem:s2] =	stream.indirect.scatter.add.f32 [tilespmem:s20], [sflag:$0x1], $0x80, s5, s22, $0xb8;
	[tilespmem:$0x18800] =	vst v63  }
0x111: {  	_ =	swait.ge [sflag:s21], $0x4000  }
0x112: {  	[sflag:s21] =	ssyncset.done $0x0  }
0x113: {  	[sflag:s21] =	ssyncadd.s32 $0xFFFFC000  }
0x114: {  	[spmem:s2] =	stream.indirect.scatter.add.f32 [tilespmem:s20], [sflag:$0x1], $0x80, s6, s22, $0xb8;
	[tilespmem:$0x18800] =	vst v63  }
0x115: {  	_ =	swait.ge [sflag:s21], $0x4000  }
0x116: {  	[sflag:s21] =	ssyncset.done $0x0  }
0x117: {  	[sflag:s21] =	ssyncadd.s32 $0xFFFFC000  }
0x118: {  	[spmem:s2] =	stream.indirect.scatter.add.f32 [tilespmem:s20], [sflag:$0x1], $0x80, s7, s22, $0xb8;
	[tilespmem:$0x18800] =	vst v63  }
0x119: {  	_ =	swait.ge [sflag:s21], $0x4000  }
0x11a: {  	[sflag:s21] =	ssyncset.done $0x0  }
0x11b: {  	[sflag:s21] =	ssyncadd.s32 $0xFFFFC000  }
0x11c: {  	[spmem:s2] =	stream.indirect.scatter.add.f32 [tilespmem:s20], [sflag:$0x1], $0x80, s8, s22, $0xb8;
	[tilespmem:$0x18800] =	vst v63  }
0x11d: {  	_ =	swait.ge [sflag:s21], $0x4000  }
0x11e: {  	[sflag:s21] =	ssyncset.done $0x0  }
0x11f: {  	[sflag:s21] =	ssyncadd.s32 $0xFFFFC000  }
0x120: {  	[bflag:$0x0] =	sbarrier.arrive $0xFFFF  }
0x121: {  	[tilespmem:s20], [sflag:$0x1] =	stream.linear.gather [spmem:s4], $0x4000, $0x38;
	[tilespmem:$0x18800] =	vst v63  }
0x122: {  	_ =	swait.ge [sflag:s21], $0x4000  }
0x123: {  	[sflag:s21] =	ssyncset.done $0x0  }
0x124: {  	s12 =	rddreg [dreg:$0x8];
	[sflag:s21] =	ssyncadd.s32 $0xFFFFC000  }
0x125: {  	[hbm4b:s12+s3] =	stream.linear.scatter [tilespmem:s20], [sflag:$0x1], $0x4000, $0x38;
	[tilespmem:$0x18800] =	vst v63  }
0x126: {  	_ =	swait.ge [sflag:s21], $0x4000  }
0x127: {  	[sflag:s21] =	ssyncset.done $0x0  }
0x128: {  	s13 =	rddreg [dreg:$0x9];
	[sflag:s21] =	ssyncadd.s32 $0xFFFFC000  }
0x129: {  	[tilespmem:s20], [sflag:$0x1] =	stream.linear.gather [spmem:s13], $0x4000, $0x38;
	[tilespmem:$0x18800] =	vst v63  }
0x12a: {  	_ =	swait.ge [sflag:s21], $0x4000  }
0x12b: {  	[sflag:s21] =	ssyncset.done $0x0  }
0x12c: {  	s11 =	rddreg [dreg:$0xa];
	[sflag:s21] =	ssyncadd.s32 $0xFFFFC000  }
0x12d: {  	[hbm4b:s11+s3] =	stream.linear.scatter [tilespmem:s20], [sflag:$0x1], $0x4000, $0x38;
	[tilespmem:$0x18800] =	vst v63  }
0x12e: {  	_ =	swait.ge [sflag:s21], $0x4000  }
0x12f: {  	[sflag:s21] =	ssyncset.done $0x0  }
0x130: {  	s12 =	rddreg [dreg:$0xb];
	[sflag:s21] =	ssyncadd.s32 $0xFFFFC000  }
0x131: {  	[tilespmem:s20], [sflag:$0x1] =	stream.linear.gather [spmem:s12], $0x4000, $0x38;
	[tilespmem:$0x18800] =	vst v63  }
0x132: {  	_ =	swait.ge [sflag:s21], $0x4000  }
0x133: {  	[sflag:s21] =	ssyncset.done $0x0  }
0x134: {  	[sflag:s21] =	ssyncadd.s32 $0xFFFFC000  }
0x135: {  	[hbm4b:s14+s3] =	stream.linear.scatter [tilespmem:s20], [sflag:$0x1], $0x4000, $0x38;
	[tilespmem:$0x18800] =	vst v63  }
0x136: {  	_ =	swait.ge [sflag:s21], $0x4000  }
0x137: {  	[sflag:s21] =	ssyncset.done $0x0  }
0x138: {  	[sflag:s21] =	ssyncadd.s32 $0xFFFFC000  }
0x139: {  	[tilespmem:s20], [sflag:$0x1] =	stream.linear.gather [spmem:s15], $0x4000, $0x38;
	[tilespmem:$0x18800] =	vst v63  }
0x13a: {  	_ =	swait.ge [sflag:s21], $0x4000  }
0x13b: {  	[sflag:s21] =	ssyncset.done $0x0  }
0x13c: {  	[sflag:s21] =	ssyncadd.s32 $0xFFFFC000  }
0x13d: {  	[hbm4b:s16+s3] =	stream.linear.scatter [tilespmem:s20], [sflag:$0x1], $0x4000, $0x38;
	[tilespmem:$0x18800] =	vst v63  }
0x13e: {  	_ =	swait.ge [sflag:s21], $0x4000  }
0x13f: {  	[sflag:s21] =	ssyncset.done $0x0  }
0x140: {  	[sflag:s21] =	ssyncadd.s32 $0xFFFFC000  }
0x141: {  	[tilespmem:s20], [sflag:$0x1] =	stream.linear.gather [spmem:s17], $0x4000, $0x38;
	[tilespmem:$0x18800] =	vst v63  }
0x142: {  	_ =	swait.ge [sflag:s21], $0x4000  }
0x143: {  	[sflag:s21] =	ssyncset.done $0x0  }
0x144: {  	[sflag:s21] =	ssyncadd.s32 $0xFFFFC000  }
0x145: {  	[hbm4b:s18+s3] =	stream.linear.scatter [tilespmem:s20], [sflag:$0x1], $0x4000, $0x38;
	[tilespmem:$0x18800] =	vst v63  }
0x146: {  	_ =	swait.ge [sflag:s21], $0x4000  }
0x147: {  	s9 =	sadd.s32 $0x1, s9;
	s13 =	rddreg [dreg:$0x3]  }
0x148: {  	p0 =	sne.s32 s9, s13  }
.Ltmp3:
0x149: {  	_ = 	snop;
	(pc) =	sbr.rel @p0 .LBB2_1-.Ltmp3, $3  }
0x14a: {  	_ =	sdelay $0x1  }
0x14b: {  	[sflag:s21] =	ssyncset.done $0x0  }
0x14c: {  	[sflag:s21] =	ssyncadd.s32 $0xFFFFC000  }
0x14d: {  	_ =	sfence.sel $0x180000  }
0x14e: {  	[bflag:$0x0] =	sbarrier.arrive $0xFFFF  }
0x14f: {  	_ =	strace $0x9000004A  }
0x150: {  	s0 =	stileid.u32;
	[bflag:$0x2] =	sbarrier.arrive $0xFFFF  }
0x151: {  	p0 =	sne.s32 s0, $0x0;
	s0 =	rddreg [dreg:$0x2]  }
0x152: {  	s0 =	sadd.s32 @!p0 $0x100000, s0  }
0x153: {  	[sflag:s0] =	ssyncadd.tile.s32 @!p0 $0x1;
	_ =	shalt  }
.Lfunc_end2:
_tile_overlayer_lowered:
.L_overlay_start_2:
0x154: {  	(tag) =	ssettag $0x2  }
0x155: {  	s0 =	rddreg [dreg:$0x0];
	s2 =	stileid.u32  }
0x156: {  	s1 =	rddreg [dreg:$0x1];
	p0 =	sne.s32 s2, $0x0  }
0x157: {  	s3 =	rddreg [dreg:$0x2];
	[bflag:$0x3] =	sbarrier.arrive $0xFFFF;
	s2 =	simm.s32 @!p0 $0x1C01  }
0x158: {  	[timem:s3], [sflag:s2] =	dma.local @!p0 [hbm:s0], s1  }
0x159: {  	s0 =	simm.s32 @!p0 $0x1  }
0x15a: {  	_ =	swait.ge @!p0 [sflag:s0], s1  }
0x15b: {  	s1 =	ssub.s32 @!p0 $0x0, s1;
	[sflag:s0] =	ssyncset.done @!p0 $0x0  }
0x15c: {  	[sflag:s0] =	ssyncadd.s32 @!p0 s1  }
0x15d: {  	[bflag:$0x3] =	sbarrier.arrive $0xFFFF  }
0x15e: {  	_ =	shalt  }

// kernel: sc_edge_emb.3.cloned.1.call-start
scs
__scs_entry_jumppad:
0x0: {  	(pc) =	sbr.rel $0x88, $3  }
0x1: {  	(tag) =	ssettag $0x0;
	lr =	simm.s32 $0x1  }
0x2: {  	[smem:$0x3F93] =	sst lr;
	_ =	strace $0xD0000000  }
0x3: {  	_ = 	snop  }
0x4: {  	_ = 	snop  }
0x5: {  	_ = 	snop  }
0x6: {  	_ = 	snop  }
0x7: {  	_ = 	snop  }
__scs_overlays_trampoline_lowered:
0x8: {  	[smem:$0x3FA2] =	sst s0  }
0x9: {  	[smem:$0x3FA3] =	sst s1  }
0xa: {  	[smem:$0x3FA4] =	sst s2  }
0xb: {  	[smem:$0x3FA5] =	sst s3  }
0xc: {  	[smem:$0x3FA6] =	sst s4  }
0xd: {  	[smem:$0x3FA7] =	sst s5  }
0xe: {  	[smem:$0x3FA8] =	sst s6  }
0xf: {  	[smem:$0x3FA9] =	sst s7  }
0x10: {  	[smem:$0x3FAA] =	sst s8  }
0x11: {  	[smem:$0x3FAB] =	sst s9;
	s0 =	simm.s32 @!p0 $0x0  }
0x12: {  	s1 =	sld [smem:$0x3F91];
	s0 =	simm.s32 @p0 $0x1  }
0x13: {  	[smem:$0x3FAC] =	sst s0;
	s0 =	simm.s32 @!p1 $0x0  }
0x14: {  	s2 =	sld [smem:$0x3F90];
	s0 =	simm.s32 @p1 $0x1  }
0x15: {  	[smem:$0x3FAD] =	sst s0;
	s0 =	simm.s32 @!p2 $0x0  }
0x16: {  	s3 =	sld [smem:$0x3FDB];
	s0 =	simm.s32 @p2 $0x1  }
0x17: {  	s4 =	simm.s32 $0x1BF5;
	[smem:$0x3FAF] =	sst s0  }
0x18: {  	s0 =	sld [smem:$0x3F92];
	_ =	swait.ge [sflag:s4], $0x0  }
0x19: {  	s7 =	sld [smem:$0x3F93]  }
0x1a: {  	s8 =	sadd.s32 $0xFFFFE003, lr  }
0x1b: {  	s9 =	sadd.s32 $0xFFFFFEF7, lr;
	s5 =	simm.s32 $0xFFFFFFFF;
	p2 =	slt.u32 s8, $0xFFFFF086  }
0x1c: {  	p1 =	slt.u32 s9, $0xF7A;
	s5 =	simm.s32 @!p2 $0x0  }
0x1d: {  	s5 =	simm.s32 @p1 $0x1;
	p0 =	seq.s32 s7, s2  }
0x1e: {  	s7 =	smul.u32 @!p0 $0xF7A, s2;
	p2 =	seq.s32 @!p0 s5, $0x0  }
0x1f: {  	s9 =	smul.u32 $0xF7A, s1;
	s8 =	simm.s32 @!p0 $0x1BF5;
	p2 =	por !p2, p0  }
0x20: {  	[sflag:s8] =	ssyncset.s32 @!p0 $0xFFFFF086;
	s6 =	sadd.s32 @!p0 s3, s7;
	s7 =	simm.s32 @!p0 $0x108  }
0x21: {  	s3 =	sadd.s32 s3, s9;
	s6 =	sadd.s32 @!p0 $0x88, s6;
	s7 =	simm.s32 @p2 $0x1082  }
0x22: {  	[simem:s7], [sflag:s8] =	dma.local @!p0 [hbm:s6], $0xF7A  }
0x23: {  	s9 =	sor.u32 $0xD0000000, s2;
	s6 =	simm.s32 $0x108;
	_ =	swait.ge @!p0 [sflag:s8], $0x0  }
0x24: {  	s3 =	sadd.s32 $0x88, s3;
	s6 =	simm.s32 @!p1 $0x1082;
	[sflag:s4] =	ssyncset.s32 $0xFFFFF086  }
0x25: {  	[simem:s6], [sflag:s4] =	dma.local [hbm:s3], $0xF7A  }
0x26: {  	[smem:$0x3F93] =	sst s1;
	(tag) =	ssettag s2;
	_ =	strace s9  }
0x27: {  	s1 =	sld [smem:$0x3FA3]  }
0x28: {  	s2 =	sld [smem:$0x3FA4]  }
0x29: {  	s4 =	sld [smem:$0x3FA6]  }
0x2a: {  	p0 =	seq.s32 s5, $0x0;
	s5 =	sld [smem:$0x3FA7]  }
0x2b: {  	s6 =	sld [smem:$0x3FA8]  }
0x2c: {  	s7 =	sld [smem:$0x3FA9]  }
0x2d: {  	s3 =	simm.s32 $0x108;
	s8 =	sld [smem:$0x3FAA]  }
0x2e: {  	s3 =	simm.s32 @!p0 $0x1082;
	s9 =	sld [smem:$0x3FAB]  }
0x2f: {  	lr =	sadd.s32 s0, s3;
	s0 =	sld [smem:$0x3FA2]  }
0x30: {  	s3 =	sld [smem:$0x3FA5]  }
0x31: {  	[smem:$0x3FAE] =	sst s10  }
0x32: {  	s10 =	sld [smem:$0x3FAC];
	_ =	sdelay $0x3  }
0x33: {  	p0 =	seq.s32 s10, $0x1;
	s10 =	sld [smem:$0x3FAE];
	_ =	sdelay $0x3  }
0x34: {  	[smem:$0x3FAE] =	sst s10  }
0x35: {  	s10 =	sld [smem:$0x3FAD];
	_ =	sdelay $0x3  }
0x36: {  	p1 =	seq.s32 s10, $0x1;
	s10 =	sld [smem:$0x3FAE];
	_ =	sdelay $0x3  }
0x37: {  	[smem:$0x3FAE] =	sst s10  }
0x38: {  	s10 =	sld [smem:$0x3FAF]  }
0x39: {  	_ = 	snop;
	(pc) =	sbr.ind lr, $3  }
0x3a: {  	_ = 	snop  }
0x3b: {  	_ = 	snop  }
0x3c: {  	p2 =	seq.s32 s10, $0x1;
	s10 =	sld [smem:$0x3FAE]  }
0x3d: {  	_ =	shalt  }
0x3e: {  	_ =	shalt  }
0x3f: {  	_ =	shalt  }
0x40: {  	_ =	shalt  }
0x41: {  	_ =	shalt  }
0x42: {  	_ =	shalt  }
0x43: {  	_ =	shalt  }
0x44: {  	_ =	shalt  }
0x45: {  	_ =	shalt  }
0x46: {  	_ =	shalt  }
0x47: {  	_ =	shalt  }
0x48: {  	_ =	shalt  }
0x49: {  	_ =	shalt  }
0x4a: {  	_ =	shalt  }
0x4b: {  	_ =	shalt  }
0x4c: {  	_ =	shalt  }
0x4d: {  	_ =	shalt  }
0x4e: {  	_ =	shalt  }
0x4f: {  	_ =	shalt  }
0x50: {  	_ =	shalt  }
0x51: {  	_ =	shalt  }
0x52: {  	_ =	shalt  }
0x53: {  	_ =	shalt  }
0x54: {  	_ =	shalt  }
0x55: {  	_ =	shalt  }
0x56: {  	_ =	shalt  }
0x57: {  	_ =	shalt  }
0x58: {  	_ =	shalt  }
0x59: {  	_ =	shalt  }
0x5a: {  	_ =	shalt  }
0x5b: {  	_ =	shalt  }
0x5c: {  	_ =	shalt  }
0x5d: {  	_ =	shalt  }
0x5e: {  	_ =	shalt  }
0x5f: {  	_ =	shalt  }
0x60: {  	_ =	shalt  }
0x61: {  	_ =	shalt  }
0x62: {  	_ =	shalt  }
0x63: {  	_ =	shalt  }
0x64: {  	_ =	shalt  }
0x65: {  	_ =	shalt  }
0x66: {  	_ =	shalt  }
0x67: {  	_ =	shalt  }
0x68: {  	_ =	shalt  }
0x69: {  	_ =	shalt  }
0x6a: {  	_ =	shalt  }
0x6b: {  	_ =	shalt  }
0x6c: {  	_ =	shalt  }
0x6d: {  	_ =	shalt  }
0x6e: {  	_ =	shalt  }
0x6f: {  	_ =	shalt  }
0x70: {  	_ =	shalt  }
0x71: {  	_ =	shalt  }
0x72: {  	_ =	shalt  }
0x73: {  	_ =	shalt  }
0x74: {  	_ =	shalt  }
0x75: {  	_ =	shalt  }
0x76: {  	_ =	shalt  }
0x77: {  	_ =	shalt  }
0x78: {  	_ =	shalt  }
0x79: {  	_ =	shalt  }
0x7a: {  	_ =	shalt  }
0x7b: {  	_ =	shalt  }
0x7c: {  	_ =	shalt  }
0x7d: {  	_ =	shalt  }
0x7e: {  	_ =	shalt  }
0x7f: {  	_ =	shalt  }
0x80: {  	_ =	shalt  }
0x81: {  	_ =	shalt  }
0x82: {  	_ =	shalt  }
0x83: {  	_ =	shalt  }
0x84: {  	_ =	shalt  }
0x85: {  	_ =	shalt  }
0x86: {  	_ =	shalt  }
0x87: {  	_ =	shalt  }
.Lfunc_end0:
.L_simem_size_0:
called_computation.4_lowered:
.L_overlay_start_0:
0x88: {  	s2 =	sld [smem:$0x3FD9]  }
0x89: {  	s3 =	sld [smem:$0x3FFE];
	_ =	sdelay $0x1  }
0x8a: {  	s1 =	srdreg.scid  }
0x8b: {  	s0 =	sand.u32 $0x1, s1  }
0x8c: {  	s17 =	sshll.u32 s0, $0xA;
	s2 =	sadd.s32 s3, s2  }
0x8d: {  	s2 =	sadd.s32 s2, s17  }
0x8e: {  	[smem:$0x3FBA] =	sst s2  }
0x8f: {  	_ = 	snop  }
0x90: {  	s2 =	sld [smem:$0x3FD0];
	(tm) =	ssettm $0x1  }
0x91: {  	s18 =	sld [smem:$0x3FFB];
	_ =	sdelay $0x3  }
0x92: {  	_ =	strace s18  }
0x93: {  	s3 =	sld [smem:$0x3FFC];
	_ =	sdelay $0x3  }
0x94: {  	_ =	strace s3  }
0x95: {  	s3 =	sld [smem:$0x3FFD];
	_ =	sdelay $0x3  }
0x96: {  	_ =	strace s3  }
0x97: {  	_ =	strace $0x8FFFFFFF  }
0x98: {  	s19 =	sld [smem:$0x3FDB];
	_ =	sdelay $0x1  }
0x99: {  	s4 =	simm.s32 $_scs_section_size  }
0x9a: {  	s5 =	simm.s32 $_size__tile_overlayer_lowered;
	s6 =	simm.s32 $_tile_overlayer_lowered  }
0x9b: {  	s22 =	simm.s32 $0x1BFF;
	s21 =	sshll.u32 s6, $0x1;
	s3 =	sadd.s32 s4, s19  }
0x9c: {  	s7 =	simm.s32 $0x0;
	s20 =	sshll.u32 s5, $0x1;
	s5 =	sadd.s32 s21, s3  }
0x9d: {  	[timem:s7], [sflag:s22] =	dma.local [hbm:s5], s20  }
0x9e: {  	_ =	swait.ge [sflag:s22], s20  }
0x9f: {  	s4 =	ssub.s32 $0x0, s20;
	[sflag:s22] =	ssyncset.done $0x0  }
0xa0: {  	[sflag:s22] =	ssyncadd.s32 s4;
	_ =	sdelay $0x1  }
0xa1: {  	s23 =	simm.s32 $0x1B8B  }
0xa2: {  	_ =	swait.ge [sflag:s23], $0x1  }
0xa3: {  	[sflag:s23] =	ssyncset.done $0x0  }
0xa4: {  	s25 =	simm.s32 $0x1B8E;
	s24 =	sld [smem:$0x3FFE];
	[sflag:s23] =	ssyncadd.s32 $0xFFFFFFFF  }
0xa5: {  	s26 =	simm.s32 $execute0_lowered;
	[smem:$0x3FD2] =	sst s25  }
0xa6: {  	s5 =	sshll.u32 s26, $0x1;
	_ =	strace $0x80000052;
	[dreg:$0x1] =	wrdreg $0xFFFFFFFF  }
0xa7: {  	s28 =	simm.s32 $_size_execute0_lowered;
	s3 =	sadd.s32 s3, s5;
	[dreg:$0x0] =	wrdreg $0x0  }
0xa8: {  	s5 =	sshll.u32 s28, $0x1;
	[dreg:$0x2] =	wrdreg s3  }
0xa9: {  	[dreg:$0x3] =	wrdreg s5  }
0xaa: {  	[dreg:$0x4] =	wrdreg $0xC0  }
0xab: {  	_ =	task [dreg:s7], $0x5FFFF  }
0xac: {  	[dreg:$0x1] =	wrdreg $0xFFFFFFFF  }
0xad: {  	[dreg:$0x0] =	wrdreg $0x60  }
0xae: {  	[dreg:$0x2] =	wrdreg s2  }
0xaf: {  	[dreg:$0x3] =	wrdreg s24  }
0xb0: {  	[dreg:$0x4] =	wrdreg $0x9  }
0xb1: {  	_ =	task.clear_ibuf [dreg:s7], $0x5FFFF;
	_ =	strace $0x90000052  }
0xb2: {  	s29 =	simm.s32 $0x9;
	_ =	strace $0x80000054  }
0xb3: {  	_ =	swait.ge [sflag:s29], $0x1  }
0xb4: {  	[sflag:s29] =	ssyncadd.s32 $0xFFFFFFFF  }
0xb5: {  	_ =	strace $0x90000054  }
0xb6: {  	_ =	sfence  }
0xb7: {  	s30 =	sld [smem:$0x0];
	_ =	sdelay $0x2  }
0xb8: {  	s31 =	sshll.u32 s1, $0xD;
	s1 =	sshrl.u32 s1, $0x2  }
0xb9: {  	s3 =	sand.u32 $0x4000, s31;
	s1 =	sadd.s32 s1, s30  }
0xba: {  	s0 =	sor.u32 s3, s0;
	s1 =	sshll.u32 s1, $0x11  }
0xbb: {  	s0 =	sor.u32 s1, s0  }
0xbc: {  	s0 =	sadd.s32 $0x8F2B, s0  }
0xbd: {  	[sflag:s0] =	ssyncadd.remote.s32 $0x1  }
0xbe: {  	_ =	sfence.sel $0xFFFF  }
0xbf: {  	[dreg:$0x0] =	wrdreg $0xFFFFFFFF;
	(pc) =	sbr.abs _section_cstart, $3  }
0xc0: {  	[dreg:$0x1] =	wrdreg $0xFFFFFFFF  }
0xc1: {  	_ =	task.clear_ibuf [dreg:s7], $0x2FFFF;
	_ =	strace $0x9FFFFFFF  }
0xc2: {  	(tm) =	ssettm $0x7FFFFFFF  }
0xc3: {  	_ =	shalt  }
tec
execute0_lowered:
.L_overlay_start_1:
0x0: {  	(tag) =	ssettag $0x1  }
0x1: {  	s2 =	rddreg [dreg:$0x0]  }
0x2: {  	s1 =	srdreg.scid;
	s0 =	stileid.u32  }
0x3: {  	s5 =	rddreg [dreg:$0x1];
	s3 =	simm.s32 $0x0;
	s11 =	simm.s32 $0x2800  }
0x4: {  	s12 =	simm.s32 $0x80;
	s13 =	simm.s32 $0x5000;
	s14 =	simm.s32 $0x9000  }
0x5: {  	s15 =	simm.s32 $0x1;
	s16 =	simm.s32 $0x2;
	s17 =	simm.s32 $0x0  }
0x6: {  	s4 =	sand.u32 $0x1, s1;
	s6 =	sshll.u32 s0, $0x1;
	s1 =	rddreg [dreg:$0x2]  }
0x7: {  	[smem:$0x7FF] =	sst s3;
	s6 =	sor.u32 s4, s6;
	s8 =	ssub.s32 $0x2, s4  }
0x8: {  	_ =	strace $0x80000053;
	s7 =	smul.u32 $0x500, s6;
	s9 =	sshrl.u32 s8, $0x1  }
0x9: {  	s4 =	sadd.s32 $0x3A00, s5;
	s6 =	smul.u32 $0x50, s6;
	s9 =	ssub.s32 s8, s9  }
0xa: {  	s10 =	sadd.s32 s7, s5;
	s5 =	sadd.s32 $0x3FA00, s5;
	s9 =	smax.u32 s9, $0x1  }
0xb: {  	s7 =	sadd.s32 $0x2BA00, s10;
	s8 =	sadd.s32 $0x35A00, s10;
	s10 =	simm.s32 $0x3  }
.LBB2_1:
0xc: {  	[tilespmem:s3], [sflag:$0x3] =	stream.linear.gather [hbm4b:s7+s3], $0x2800, $0x38;
	[tilespmem:$0xD000] =	vst v63  }
0xd: {  	_ =	swait.ge [sflag:s10], $0x2800  }
0xe: {  	[sflag:s10] =	ssyncset.done $0x0  }
0xf: {  	[sflag:s10] =	ssyncadd.s32 $0xFFFFD800  }
0x10: {  	[tilespmem:s11], [sflag:$0x3] =	stream.linear.gather [hbm4b:s8+s3], $0x2800, $0x38;
	[tilespmem:$0xD000] =	vst v63  }
0x11: {  	_ =	swait.ge [sflag:s10], $0x2800  }
0x12: {  	[sflag:s10] =	ssyncset.done $0x0  }
0x13: {  	s18 =	simm.s32 $0x0;
	[sflag:s10] =	ssyncadd.s32 $0xFFFFD800  }
.LBB2_2:
0x14: {  	s19 =	sshll.u32 s18, $0x7  }
0x15: {  	[tilespmem:s13], [sflag:$0x1] =	stream.indirect.gather [hbm4b:s2+s12], $0x80, s19, s12, $0xb8;
	[tilespmem:$0xD000] =	vst v63  }
0x16: {  	s19 =	sadd.s32 $0x2800, s19  }
0x17: {  	[tilespmem:s14], [sflag:$0x2] =	stream.indirect.gather [hbm4b:s4+s12], $0x80, s19, s12, $0xb8;
	[tilespmem:$0xD000] =	vst v63  }
0x18: {  	_ =	swait.ge [sflag:s15], $0x4000  }
0x19: {  	[sflag:s15] =	ssyncset.done $0x0  }
0x1a: {  	[sflag:s15] =	ssyncadd.s32 $0xFFFFC000  }
0x1b: {  	_ =	swait.ge [sflag:s16], $0x4000  }
0x1c: {  	[sflag:s16] =	ssyncset.done $0x0  }
0x1d: {  	s19 =	simm.s32 $0x0;
	[sflag:s16] =	ssyncadd.s32 $0xFFFFC000  }
0x1e: {  	v7 =	vld [tilespmem:s19+$0x9000]  }
0x1f: {  	v11 =	vld [tilespmem:s19+$0x9010]  }
0x20: {  	v5 =	vld [tilespmem:s19+$0x9020]  }
0x21: {  	v4 =	vld [tilespmem:s19+$0x9030]  }
0x22: {  	v3 =	vld [tilespmem:s19+$0x9040]  }
0x23: {  	v2 =	vld [tilespmem:s19+$0x9050]  }
0x24: {  	v1 =	vld [tilespmem:s19+$0x9060]  }
0x25: {  	v0 =	vld [tilespmem:s19+$0x9070]  }
0x26: {  	v12 =	vld [tilespmem:s19+$0x5000]  }
0x27: {  	v13 =	vld [tilespmem:s19+$0x5010]  }
0x28: {  	v10 =	vld [tilespmem:s19+$0x5020]  }
0x29: {  	v9 =	vld [tilespmem:s19+$0x5030]  }
0x2a: {  	v8 =	vld [tilespmem:s19+$0x5040]  }
0x2b: {  	v6 =	vld [tilespmem:s19+$0x5050];
	v12 =	vadd.f32 v7, v12  }
0x2c: {  	s20 =	simm.s32 $0x200;
	v11 =	vadd.f32 v11, v13;
	v7 =	vld [tilespmem:s19+$0x5060]  }
.LBB2_3:
0x2d: {  	s21 =	sshra.s32 s20, $0x2;
	p0 =	sne.s32 s20, $0xFE00;
	[tilespmem:s19+$0x5000] =	vst v12;
	v5 =	vadd.f32 v5, v10;
	v10 =	vld [tilespmem:s19+$0x5070]  }
0x2e: {  	v12 =	vld [tilespmem:s21+$0x9000];
	[tilespmem:s19+$0x5010] =	vst v11;
	v4 =	vadd.f32 v4, v9  }
0x2f: {  	v11 =	vld [tilespmem:s21+$0x9010];
	[tilespmem:s19+$0x5020] =	vst v5;
	v3 =	vadd.f32 v3, v8  }
0x30: {  	v5 =	vld [tilespmem:s21+$0x9020];
	[tilespmem:s19+$0x5030] =	vst v4;
	v2 =	vadd.f32 v2, v6  }
0x31: {  	v4 =	vld [tilespmem:s21+$0x9030];
	[tilespmem:s19+$0x5040] =	vst v3;
	v1 =	vadd.f32 v1, v7  }
0x32: {  	v3 =	vld [tilespmem:s21+$0x9040];
	[tilespmem:s19+$0x5050] =	vst v2;
	v0 =	vadd.f32 v0, v10  }
0x33: {  	v2 =	vld [tilespmem:s21+$0x9050];
	[tilespmem:s19+$0x5060] =	vst v1  }
0x34: {  	v1 =	vld [tilespmem:s21+$0x9060];
	[tilespmem:s19+$0x5070] =	vst v0;
	s19 =	smov.u32 s21  }
0x35: {  	v0 =	vld [tilespmem:s19+$0x9070]  }
0x36: {  	v6 =	vld [tilespmem:s19+$0x5000]  }
0x37: {  	v7 =	vld [tilespmem:s19+$0x5010]  }
.Ltmp0:
0x38: {  	v10 =	vld [tilespmem:s19+$0x5020];
	(pc) =	sbr.rel @p0 .LBB2_3-.Ltmp0, $4  }
0x39: {  	v9 =	vld [tilespmem:s19+$0x5030]  }
0x3a: {  	v8 =	vld [tilespmem:s19+$0x5040]  }
0x3b: {  	v12 =	vadd.f32 v12, v6;
	v6 =	vld [tilespmem:s19+$0x5050]  }
0x3c: {  	s20 =	sadd.s32 $0x200, s20;
	v11 =	vadd.f32 v11, v7;
	v7 =	vld [tilespmem:s19+$0x5060]  }
0x3d: {  	[tilespmem:s19+$0x5000] =	vst v12;
	v5 =	vadd.f32 v5, v10;
	v63 =	vld [tilespmem:s19+$0x5070]  }
0x3e: {  	[tilespmem:s19+$0x5010] =	vst v11;
	v4 =	vadd.f32 v4, v9  }
0x3f: {  	[tilespmem:s19+$0x5020] =	vst v5;
	v3 =	vadd.f32 v3, v8  }
0x40: {  	[tilespmem:s19+$0x5030] =	vst v4;
	v2 =	vadd.f32 v2, v6  }
0x41: {  	[tilespmem:s19+$0x5040] =	vst v3;
	v1 =	vadd.f32 v1, v7  }
0x42: {  	s20 =	sadd.s32 s6, s18;
	s18 =	sadd.s32 $0x1, s18;
	[tilespmem:s19+$0x5050] =	vst v2;
	v0 =	vadd.f32 v0, v63  }
0x43: {  	s20 =	sshll.u32 s20, $0xB;
	p0 =	sne.s32 s18, $0x50;
	[tilespmem:s19+$0x5060] =	vst v1  }
.Ltmp1:
0x44: {  	s31 =	sadd.s32 s5, s20;
	[tilespmem:s19+$0x5070] =	vst v0;
	(pc) =	sbr.rel @p0 .LBB2_2-.Ltmp1, $4  }
0x45: {  	[hbm4b:s31+s3] =	stream.linear.scatter [tilespmem:s13], [sflag:$0x3], $0x4000, $0x38;
	[tilespmem:$0xD000] =	vst v63  }
0x46: {  	_ =	swait.ge [sflag:s10], $0x4000  }
0x47: {  	[sflag:s10] =	ssyncset.done $0x0  }
0x48: {  	[sflag:s10] =	ssyncadd.s32 $0xFFFFC000  }
0x49: {  	s17 =	sadd.s32 $0x1, s17  }
0x4a: {  	p0 =	sne.s32 s17, s9  }
.Ltmp2:
0x4b: {  	_ = 	snop;
	(pc) =	sbr.rel @p0 .LBB2_1-.Ltmp2, $1  }
0x4c: {  	_ =	sdelay $0x3  }
0x4d: {  	_ =	sfence.sel $0x180000  }
0x4e: {  	[bflag:$0x0] =	sbarrier.arrive $0xFFFF  }
0x4f: {  	p0 =	sne.s32 s0, $0x0;
	_ =	strace $0x90000053  }
0x50: {  	s0 =	sadd.s32 @!p0 $0x100000, s1;
	[bflag:$0x2] =	sbarrier.arrive $0xFFFF  }
0x51: {  	[sflag:s0] =	ssyncadd.tile.s32 @!p0 $0x1;
	_ =	shalt  }
.Lfunc_end2:
_tile_overlayer_lowered:
.L_overlay_start_2:
0x52: {  	(tag) =	ssettag $0x2  }
0x53: {  	s0 =	rddreg [dreg:$0x0];
	s2 =	stileid.u32  }
0x54: {  	s1 =	rddreg [dreg:$0x1];
	p0 =	sne.s32 s2, $0x0  }
0x55: {  	s3 =	rddreg [dreg:$0x2];
	[bflag:$0x3] =	sbarrier.arrive $0xFFFF;
	s2 =	simm.s32 @!p0 $0x1C03  }
0x56: {  	[timem:s3], [sflag:s2] =	dma.local @!p0 [hbm:s0], s1  }
0x57: {  	s0 =	simm.s32 @!p0 $0x3  }
0x58: {  	_ =	swait.ge @!p0 [sflag:s0], s1  }
0x59: {  	s1 =	ssub.s32 @!p0 $0x0, s1;
	[sflag:s0] =	ssyncset.done @!p0 $0x0  }
0x5a: {  	[sflag:s0] =	ssyncadd.s32 @!p0 s1  }
0x5b: {  	[bflag:$0x3] =	sbarrier.arrive $0xFFFF  }
0x5c: {  	_ =	shalt  }

</sc_bundles>
